<compile_context>
chip_gen: v7x
topology: tpu7x:2x2x1
jax: 0.10.2.dev20260603
libtpu: 0.0.44.dev20260713+nightly
codegen_flags: <defaults>
</compile_context>

<pallas_src>
import functools

import jax
import jax.numpy as jnp
from jax import lax
from jax.experimental import pallas as pl
from jax.experimental.pallas import tpu as pltpu
from jax.experimental.pallas import tpu_sc as plsc

NC = 2
NS = 16
NW = NC * NS

B, H, W = 4, 512, 512
NPIX = B * H * W
CH = 33
CWP = 20
D = 4 * CWP
P = 256
G = 128
NG = P // G
CHUNKS = NPIX // P
CPW = CHUNKS // NW
ROW_CHUNKS = W // P


def _sc_body(t4_hbm, fm_hbm, fb_hbm, out_hbm,
             fm_v, fb_v, idx_v, w00_v, w01_v, w10_v, w11_v, g_v, out_v,
             sem_in0, sem_in1, sem_g0, sem_g1, sem_o0, sem_o1):
    sem_in = (sem_in0, sem_in1)
    sem_g = (sem_g0, sem_g1)
    sem_o = (sem_o0, sem_o1)
    wid = lax.axis_index("s") * NC + lax.axis_index("c")
    c0 = wid * CPW

    def out_dst(cid):
        b = cid // 1024
        ih = (cid // 16) % 64
        jh = (cid // 4) % 4
        il0 = (cid % 4) * 2
        return out_hbm.at[pl.ds(b, 1), :, pl.ds(ih, 1), pl.ds(jh, 1),
                          pl.ds(il0, 2), :]

    def issue_in(slot, cid):
        base = cid * P
        pltpu.async_copy(fm_hbm.at[pl.ds(base, P)], fm_v.at[slot], sem_in[slot])
        pltpu.async_copy(fb_hbm.at[pl.ds(base, P)], fb_v.at[slot], sem_in[slot])

    def do_mid(slot, cid):
        base = cid * P
        pltpu.make_async_copy(fm_hbm.at[pl.ds(base, P)], fm_v.at[slot], sem_in[slot]).wait()
        pltpu.make_async_copy(fb_hbm.at[pl.ds(base, P)], fb_v.at[slot], sem_in[slot]).wait()
        for k in range(NG):
            @plsc.parallel_loop(0, G // 16, unroll=2)
            def grp(j, k=k):
                p0 = pl.multiple_of(k * G + j * 16, 16)
                x = fb_v[slot, pl.ds(p0, 16)]
                y = fm_v[slot, pl.ds(p0, 16)]
                ix = jnp.clip(x * 128.0 + 127.5, 0.0, 255.0)
                iy = jnp.clip(y * 128.0 + 127.5, 0.0, 255.0)
                ix0 = jnp.minimum(ix.astype(jnp.int32), 254)
                iy0 = jnp.minimum(iy.astype(jnp.int32), 254)
                wx1 = ix - ix0.astype(jnp.float32)
                wy1 = iy - iy0.astype(jnp.float32)
                wx0 = 1.0 - wx1
                wy0 = 1.0 - wy1
                idx_v[slot, k, pl.ds(j * 16, 16)] = iy0 * 256 + ix0
                w00_v[slot, pl.ds(p0, 16)] = wy0 * wx0
                w01_v[slot, pl.ds(p0, 16)] = wy0 * wx1
                w10_v[slot, pl.ds(p0, 16)] = wy1 * wx0
                w11_v[slot, pl.ds(p0, 16)] = wy1 * wx1

            pltpu.async_copy(t4_hbm.at[idx_v.at[slot, k]],
                             g_v.at[slot, pl.ds(k * G, G)], sem_g[slot])

    def do_out(slot, cid, s):
        pltpu.make_async_copy(t4_hbm.at[pl.ds(0, P)], g_v.at[slot], sem_g[slot]).wait()
        dst = out_dst(cid)

        @pl.when(s >= 2)
        def _():
            pltpu.make_async_copy(out_v.at[slot], dst, sem_o[slot]).wait()

        zero16 = jnp.zeros((16,), jnp.int32)
        iota_d = lax.iota(jnp.int32, 16) * D

        def grp2(j, c2):
            p0 = pl.multiple_of(j * 16, 16)
            w00 = w00_v[slot, pl.ds(p0, 16)]
            w01 = w01_v[slot, pl.ds(p0, 16)]
            w10 = w10_v[slot, pl.ds(p0, 16)]
            w11 = w11_v[slot, pl.ds(p0, 16)]
            a00 = iota_d + (slot * P * D + p0 * D)
            carry0 = (a00, a00 + CWP, a00 + 2 * CWP, a00 + 3 * CWP)

            def unpack2(addr):
                packed = plsc.load_gather(g_v, [zero16, zero16, addr])
                return plsc.unpack(plsc.bitcast(packed, jnp.bfloat16),
                                   format=plsc.PackFormat.INTERLEAVED)

            def pair_body(m, addrs, last):
                a0, a1, a2, a3 = addrs
                e00, o00 = unpack2(a0)
                e01, o01 = unpack2(a1)
                e10, o10 = unpack2(a2)
                e11, o11 = unpack2(a3)
                out_v[slot, 0, 2 * m, 0, 0, p0 // 128, pl.ds(p0 % 128, 16)] = (
                    (w00 * e00 + w01 * e01) + (w10 * e10 + w11 * e11))
                if not last:
                    out_v[slot, 0, 2 * m + 1, 0, 0, p0 // 128, pl.ds(p0 % 128, 16)] = (
                        (w00 * o00 + w01 * o01) + (w10 * o10 + w11 * o11))
                return (a0 + 1, a1 + 1, a2 + 1, a3 + 1)

            @plsc.parallel_loop(0, CH // 2, unroll=4, carry=carry0)
            def chloop(m, addrs):
                return pair_body(m, addrs, last=False)

            pair_body(CH // 2, chloop, last=True)
            return c2

        lax.fori_loop(0, P // 16, grp2, 0)
        pltpu.async_copy(out_v.at[slot], dst, sem_o[slot])

    issue_in(0, c0)
    issue_in(1, c0 + 1)
    do_mid(0, c0)

    def iter_body(u, carry):
        for h in range(2):
            s = 2 * u + h
            cid = c0 + s

            @pl.when(s + 1 < CPW)
            def _(h=h, s=s, cid=cid):
                do_mid(1 - h, cid + 1)

            @pl.when(s + 2 < CPW)
            def _(h=h, s=s, cid=cid):
                issue_in(h, cid + 2)

            do_out(h, cid, s)
        return carry

    lax.fori_loop(0, CPW // 2, iter_body, 0)

    for slot in range(2):
        cid = c0 + CPW - 2 + slot
        pltpu.make_async_copy(out_v.at[slot], out_dst(cid), sem_o[slot]).wait()


@functools.partial(
    pl.kernel,
    mesh=plsc.VectorSubcoreMesh(core_axis_name="c", subcore_axis_name="s"),
    out_type=jax.ShapeDtypeStruct((B, CH, H // 8, W // 128, 8, 128), jnp.float32),
    compiler_params=pltpu.CompilerParams(
        use_tc_tiling_on_sc=False, needs_layout_passes=False
    ),
    scratch_types=[
        pltpu.VMEM((2, P), jnp.float32),
        pltpu.VMEM((2, P), jnp.float32),
        pltpu.VMEM((2, NG, G), jnp.int32),
        pltpu.VMEM((2, P), jnp.float32),
        pltpu.VMEM((2, P), jnp.float32),
        pltpu.VMEM((2, P), jnp.float32),
        pltpu.VMEM((2, P), jnp.float32),
        pltpu.VMEM((2, P, D), jnp.int32),
        pltpu.VMEM((2, 1, CH, 1, 1, P // 128, 128), jnp.float32),
        pltpu.SemaphoreType.DMA,
        pltpu.SemaphoreType.DMA,
        pltpu.SemaphoreType.DMA,
        pltpu.SemaphoreType.DMA,
        pltpu.SemaphoreType.DMA,
        pltpu.SemaphoreType.DMA,
    ],
)
def _sc_kernel(t4_hbm, fm_hbm, fb_hbm, out_hbm, *rest):
    _sc_body(t4_hbm, fm_hbm, fb_hbm, out_hbm, *rest)


def kernel(fmel, fblood, skincolor):
    sc = skincolor[0].astype(jnp.bfloat16)
    scx = jnp.concatenate([sc[:, 1:], sc[:, 255:]], axis=1)
    scy = jnp.concatenate([sc[1:], sc[255:]], axis=0)
    scxy = jnp.concatenate([scy[:, 1:], scy[:, 255:]], axis=1)
    pad = jnp.zeros((256, 256, 2 * CWP - CH), jnp.bfloat16)
    t4bf = jnp.concatenate(
        [sc, pad, scx, pad, scy, pad, scxy, pad], axis=-1)
    t4 = jax.lax.bitcast_convert_type(
        t4bf.reshape(256 * 256, D, 2), jnp.int32)
    def tile_flat(a):
        return a.reshape(B, 1, H // 8, 8, W // 128, 128).transpose(
            0, 1, 2, 4, 3, 5).reshape(NPIX)

    fm_flat = tile_flat(fmel)
    fb_flat = tile_flat(fblood)
    out6 = _sc_kernel(t4, fm_flat, fb_flat)
    return out6.transpose(0, 1, 2, 4, 3, 5).reshape(B, CH, H, W)

# --- scband reference (transcript-rebuilt; emitter-appended) ---
"""Pipeline reference for scband-bioto-spectral-ref-model-50311246905759 (READ-ONLY COPY).

The authoritative reference and input builder live on the scoring server;
editing this copy changes nothing except your own understanding.
"""

import jax, jax.numpy as jnp
import numpy as np


def setup_inputs(seed: int = 0) -> dict:
    key = jax.random.key(seed)
    k1, k2, k3 = jax.random.split(key, 3)
    fmel = jax.random.uniform(k1, (4, 1, 512, 512), dtype=jnp.float32)
    fblood = jax.random.uniform(k2, (4, 1, 512, 512), dtype=jnp.float32)
    # Stand-in for utils/Newskincolour.txt: reshape(256,33,256).transpose(1,2).unsqueeze(0) -> [1,256,256,33]
    skincolor = jax.random.normal(k3, (1, 256, 256, 33), dtype=jnp.float32)
    return {"fmel": fmel, "fblood": fblood, "skincolor": skincolor}


def _grid_sample_bilinear_border(img, grid):
    # img: [B, C, H, W]; grid: [B, Hg, Wg, 2] with (x, y) in [-1, 1]
    # Matches torch grid_sample(mode='bilinear', padding_mode='border', align_corners=False)
    B, C, H, W = img.shape
    x = grid[..., 0]
    y = grid[..., 1]
    ix = ((x + 1.0) * W - 1.0) / 2.0
    iy = ((y + 1.0) * H - 1.0) / 2.0
    # border padding: clip source coordinates into the valid range
    ix = jnp.clip(ix, 0.0, W - 1.0)
    iy = jnp.clip(iy, 0.0, H - 1.0)
    ix0 = jnp.floor(ix)
    iy0 = jnp.floor(iy)
    wx1 = ix - ix0
    wx0 = 1.0 - wx1
    wy1 = iy - iy0
    wy0 = 1.0 - wy1
    ix0i = jnp.clip(ix0, 0, W - 1).astype(jnp.int32)
    ix1i = jnp.clip(ix0 + 1.0, 0, W - 1).astype(jnp.int32)
    iy0i = jnp.clip(iy0, 0, H - 1).astype(jnp.int32)
    iy1i = jnp.clip(iy0 + 1.0, 0, H - 1).astype(jnp.int32)
    Hg, Wg = x.shape[1], x.shape[2]
    flat = img.reshape(B, C, H * W)

    def gather(iyi, ixi):
        idx = (iyi * W + ixi).reshape(B, -1)
        return jax.vmap(lambda im, ii: jnp.take(im, ii, axis=1))(flat, idx)

    v00 = gather(iy0i, ix0i)
    v01 = gather(iy0i, ix1i)
    v10 = gather(iy1i, ix0i)
    v11 = gather(iy1i, ix1i)
    w00 = (wy0 * wx0).reshape(B, 1, -1)
    w01 = (wy0 * wx1).reshape(B, 1, -1)
    w10 = (wy1 * wx0).reshape(B, 1, -1)
    w11 = (wy1 * wx1).reshape(B, 1, -1)
    out = v00 * w00 + v01 * w01 + v10 * w10 + v11 * w11
    return out.reshape(B, C, Hg, Wg)


def reference(fmel, fblood, skincolor):
    grid = jnp.concatenate([fblood, fmel], axis=1)          # [B, 2, H, W]
    grid = jnp.transpose(grid, (0, 2, 3, 1))                # [B, H, W, 2]
    B = fmel.shape[0]
    inp = jnp.repeat(skincolor, B, axis=0)                  # [B, 256, 256, 33]
    inp = jnp.transpose(inp, (0, 3, 1, 2))                  # [B, 33, 256, 256]
    return _grid_sample_bilinear_border(inp, grid)

if __name__ == "__main__":
    import jax
    _d = setup_inputs()
    print(jax.jit(kernel)(*tuple(_d.values())))

</pallas_src>

<mosaic_0001>
#map = affine_map<(d0, d1) -> (0, 0)>
#map1 = affine_map<(d0, d1) -> (0)>
#map2 = affine_map<(d0, d1) -> (0, 0, 0, 0, 0, 0)>
module attributes {stable_mosaic.version = 14 : i64} {
  func.func @_sc_kernel(%arg0: i32, %arg1: i32, %arg2: memref<65536x80xi32, #tpu.memory_space<hbm>>, %arg3: memref<1048576xf32, #tpu.memory_space<hbm>>, %arg4: memref<1048576xf32, #tpu.memory_space<hbm>>, %arg5: memref<4x33x64x4x8x128xf32, #tpu.memory_space<hbm>>, %arg6: memref<2x256xf32, #tpu.memory_space<vmem>>, %arg7: memref<2x256xf32, #tpu.memory_space<vmem>>, %arg8: memref<2x2x128xi32, #tpu.memory_space<vmem>>, %arg9: memref<2x256xf32, #tpu.memory_space<vmem>>, %arg10: memref<2x256xf32, #tpu.memory_space<vmem>>, %arg11: memref<2x256xf32, #tpu.memory_space<vmem>>, %arg12: memref<2x256xf32, #tpu.memory_space<vmem>>, %arg13: memref<2x256x80xi32, #tpu.memory_space<vmem>>, %arg14: memref<2x1x33x1x1x2x128xf32, #tpu.memory_space<vmem>>, %arg15: memref<!tpu.dma_semaphore, #tpu.memory_space<semaphore_mem>>, %arg16: memref<!tpu.dma_semaphore, #tpu.memory_space<semaphore_mem>>, %arg17: memref<!tpu.dma_semaphore, #tpu.memory_space<semaphore_mem>>, %arg18: memref<!tpu.dma_semaphore, #tpu.memory_space<semaphore_mem>>, %arg19: memref<!tpu.dma_semaphore, #tpu.memory_space<semaphore_mem>>, %arg20: memref<!tpu.dma_semaphore, #tpu.memory_space<semaphore_mem>>) attributes {dimension_semantics = [#tpu.dimension_semantics<core_parallel>, #tpu.dimension_semantics<subcore_parallel>], iteration_bounds = array<i64: 2, 16>, scalar_prefetch = 0 : i64, scratch_operands = 15 : i64, tpu.core_type = #tpu.core_type<sc_vector_subcore>, window_params = [{transform_indices = #map}, {transform_indices = #map1}, {transform_indices = #map1}, {transform_indices = #map2}]} {
    %mul3A = arith.constant 2 : i32
    %mul3A_0 = arith.muli %arg1, %mul3A : i32
    %add3A = arith.addi %mul3A_0, %arg0 : i32
    %mul3A_1 = arith.constant 128 : i32
    %mul3A_2 = arith.muli %add3A, %mul3A_1 : i32
    %mul3A_3 = arith.constant 256 : i32
    %mul3A_4 = arith.muli %mul3A_2, %mul3A_3 : i32
    %dma_start3A = arith.constant 0 : i32
    %dma_start3A_5 = arith.constant 0 : i32
    %dma_start3A_6 = tpu.memref_slice %arg6[%dma_start3A, %dma_start3A_5] : memref<2x256xf32, #tpu.memory_space<vmem>> -> memref<1x256xf32, #tpu.memory_space<vmem>>
    %dma_start3A_7 = tpu.memref_squeeze %dma_start3A_6 : memref<1x256xf32, #tpu.memory_space<vmem>> -> memref<256xf32, #tpu.memory_space<vmem>>
    %dma_start3A_8 = tpu.memref_slice %arg3[%mul3A_4] : memref<1048576xf32, #tpu.memory_space<hbm>> -> memref<256xf32, #tpu.memory_space<hbm>>
    %dma_start3A_9 = arith.constant 0 : i32
    %dma_start3A_10 = tpu.memref_slice %arg6[%dma_start3A, %dma_start3A_9] : memref<2x256xf32, #tpu.memory_space<vmem>> -> memref<1x256xf32, #tpu.memory_space<vmem>>
    %dma_start3A_11 = tpu.memref_squeeze %dma_start3A_10 : memref<1x256xf32, #tpu.memory_space<vmem>> -> memref<256xf32, #tpu.memory_space<vmem>>
    %dma_start3A_12 = tpu.memref_slice %arg3[%mul3A_4] : memref<1048576xf32, #tpu.memory_space<hbm>> -> memref<256xf32, #tpu.memory_space<hbm>>
    tpu.enqueue_dma source(%dma_start3A_12 : memref<256xf32, #tpu.memory_space<hbm>>) target(%dma_start3A_11 : memref<256xf32, #tpu.memory_space<vmem>>) target_semaphore(%arg15 : memref<!tpu.dma_semaphore, #tpu.memory_space<semaphore_mem>>)
    %dma_start3A_13 = arith.constant 0 : i32
    %dma_start3A_14 = arith.constant 0 : i32
    %dma_start3A_15 = tpu.memref_slice %arg7[%dma_start3A_13, %dma_start3A_14] : memref<2x256xf32, #tpu.memory_space<vmem>> -> memref<1x256xf32, #tpu.memory_space<vmem>>
    %dma_start3A_16 = tpu.memref_squeeze %dma_start3A_15 : memref<1x256xf32, #tpu.memory_space<vmem>> -> memref<256xf32, #tpu.memory_space<vmem>>
    %dma_start3A_17 = tpu.memref_slice %arg4[%mul3A_4] : memref<1048576xf32, #tpu.memory_space<hbm>> -> memref<256xf32, #tpu.memory_space<hbm>>
    %dma_start3A_18 = arith.constant 0 : i32
    %dma_start3A_19 = tpu.memref_slice %arg7[%dma_start3A_13, %dma_start3A_18] : memref<2x256xf32, #tpu.memory_space<vmem>> -> memref<1x256xf32, #tpu.memory_space<vmem>>
    %dma_start3A_20 = tpu.memref_squeeze %dma_start3A_19 : memref<1x256xf32, #tpu.memory_space<vmem>> -> memref<256xf32, #tpu.memory_space<vmem>>
    %dma_start3A_21 = tpu.memref_slice %arg4[%mul3A_4] : memref<1048576xf32, #tpu.memory_space<hbm>> -> memref<256xf32, #tpu.memory_space<hbm>>
    tpu.enqueue_dma source(%dma_start3A_21 : memref<256xf32, #tpu.memory_space<hbm>>) target(%dma_start3A_20 : memref<256xf32, #tpu.memory_space<vmem>>) target_semaphore(%arg15 : memref<!tpu.dma_semaphore, #tpu.memory_space<semaphore_mem>>)
    %add3A_22 = arith.constant 1 : i32
    %add3A_23 = arith.addi %mul3A_2, %add3A_22 : i32
    %mul3A_24 = arith.constant 256 : i32
    %mul3A_25 = arith.muli %add3A_23, %mul3A_24 : i32
    %dma_start3A_26 = arith.constant 1 : i32
    %dma_start3A_27 = arith.constant 0 : i32
    %dma_start3A_28 = tpu.memref_slice %arg6[%dma_start3A_26, %dma_start3A_27] : memref<2x256xf32, #tpu.memory_space<vmem>> -> memref<1x256xf32, #tpu.memory_space<vmem>>
    %dma_start3A_29 = tpu.memref_squeeze %dma_start3A_28 : memref<1x256xf32, #tpu.memory_space<vmem>> -> memref<256xf32, #tpu.memory_space<vmem>>
    %dma_start3A_30 = tpu.memref_slice %arg3[%mul3A_25] : memref<1048576xf32, #tpu.memory_space<hbm>> -> memref<256xf32, #tpu.memory_space<hbm>>
    %dma_start3A_31 = arith.constant 0 : i32
    %dma_start3A_32 = tpu.memref_slice %arg6[%dma_start3A_26, %dma_start3A_31] : memref<2x256xf32, #tpu.memory_space<vmem>> -> memref<1x256xf32, #tpu.memory_space<vmem>>
    %dma_start3A_33 = tpu.memref_squeeze %dma_start3A_32 : memref<1x256xf32, #tpu.memory_space<vmem>> -> memref<256xf32, #tpu.memory_space<vmem>>
    %dma_start3A_34 = tpu.memref_slice %arg3[%mul3A_25] : memref<1048576xf32, #tpu.memory_space<hbm>> -> memref<256xf32, #tpu.memory_space<hbm>>
    tpu.enqueue_dma source(%dma_start3A_34 : memref<256xf32, #tpu.memory_space<hbm>>) target(%dma_start3A_33 : memref<256xf32, #tpu.memory_space<vmem>>) target_semaphore(%arg16 : memref<!tpu.dma_semaphore, #tpu.memory_space<semaphore_mem>>)
    %dma_start3A_35 = arith.constant 1 : i32
    %dma_start3A_36 = arith.constant 0 : i32
    %dma_start3A_37 = tpu.memref_slice %arg7[%dma_start3A_35, %dma_start3A_36] : memref<2x256xf32, #tpu.memory_space<vmem>> -> memref<1x256xf32, #tpu.memory_space<vmem>>
    %dma_start3A_38 = tpu.memref_squeeze %dma_start3A_37 : memref<1x256xf32, #tpu.memory_space<vmem>> -> memref<256xf32, #tpu.memory_space<vmem>>
    %dma_start3A_39 = tpu.memref_slice %arg4[%mul3A_25] : memref<1048576xf32, #tpu.memory_space<hbm>> -> memref<256xf32, #tpu.memory_space<hbm>>
    %dma_start3A_40 = arith.constant 0 : i32
    %dma_start3A_41 = tpu.memref_slice %arg7[%dma_start3A_35, %dma_start3A_40] : memref<2x256xf32, #tpu.memory_space<vmem>> -> memref<1x256xf32, #tpu.memory_space<vmem>>
    %dma_start3A_42 = tpu.memref_squeeze %dma_start3A_41 : memref<1x256xf32, #tpu.memory_space<vmem>> -> memref<256xf32, #tpu.memory_space<vmem>>
    %dma_start3A_43 = tpu.memref_slice %arg4[%mul3A_25] : memref<1048576xf32, #tpu.memory_space<hbm>> -> memref<256xf32, #tpu.memory_space<hbm>>
    tpu.enqueue_dma source(%dma_start3A_43 : memref<256xf32, #tpu.memory_space<hbm>>) target(%dma_start3A_42 : memref<256xf32, #tpu.memory_space<vmem>>) target_semaphore(%arg16 : memref<!tpu.dma_semaphore, #tpu.memory_space<semaphore_mem>>)
    %mul3A_44 = arith.constant 256 : i32
    %mul3A_45 = arith.muli %mul3A_2, %mul3A_44 : i32
    %dma_wait3A = arith.constant 0 : i32
    %dma_wait3A_46 = arith.constant 0 : i32
    %dma_wait3A_47 = tpu.memref_slice %arg6[%dma_wait3A, %dma_wait3A_46] : memref<2x256xf32, #tpu.memory_space<vmem>> -> memref<1x256xf32, #tpu.memory_space<vmem>>
    %dma_wait3A_48 = tpu.memref_squeeze %dma_wait3A_47 : memref<1x256xf32, #tpu.memory_space<vmem>> -> memref<256xf32, #tpu.memory_space<vmem>>
    %dma_wait3A_49 = tpu.memref_slice %arg3[%mul3A_45] : memref<1048576xf32, #tpu.memory_space<hbm>> -> memref<256xf32, #tpu.memory_space<hbm>>
    %dma_wait3A_50 = arith.constant 0 : i32
    %dma_wait3A_51 = tpu.memref_slice %arg6[%dma_wait3A, %dma_wait3A_50] : memref<2x256xf32, #tpu.memory_space<vmem>> -> memref<1x256xf32, #tpu.memory_space<vmem>>
    %dma_wait3A_52 = tpu.memref_squeeze %dma_wait3A_51 : memref<1x256xf32, #tpu.memory_space<vmem>> -> memref<256xf32, #tpu.memory_space<vmem>>
    %dma_wait3A_53 = tpu.memref_slice %arg3[%mul3A_45] : memref<1048576xf32, #tpu.memory_space<hbm>> -> memref<256xf32, #tpu.memory_space<hbm>>
    tpu.wait_dma2 semaphore(%arg15 : memref<!tpu.dma_semaphore, #tpu.memory_space<semaphore_mem>>) src(%dma_wait3A_53 : memref<256xf32, #tpu.memory_space<hbm>>) dst(%dma_wait3A_52 : memref<256xf32, #tpu.memory_space<vmem>>)
    %dma_wait3A_54 = arith.constant 0 : i32
    %dma_wait3A_55 = arith.constant 0 : i32
    %dma_wait3A_56 = tpu.memref_slice %arg7[%dma_wait3A_54, %dma_wait3A_55] : memref<2x256xf32, #tpu.memory_space<vmem>> -> memref<1x256xf32, #tpu.memory_space<vmem>>
    %dma_wait3A_57 = tpu.memref_squeeze %dma_wait3A_56 : memref<1x256xf32, #tpu.memory_space<vmem>> -> memref<256xf32, #tpu.memory_space<vmem>>
    %dma_wait3A_58 = tpu.memref_slice %arg4[%mul3A_45] : memref<1048576xf32, #tpu.memory_space<hbm>> -> memref<256xf32, #tpu.memory_space<hbm>>
    %dma_wait3A_59 = arith.constant 0 : i32
    %dma_wait3A_60 = tpu.memref_slice %arg7[%dma_wait3A_54, %dma_wait3A_59] : memref<2x256xf32, #tpu.memory_space<vmem>> -> memref<1x256xf32, #tpu.memory_space<vmem>>
    %dma_wait3A_61 = tpu.memref_squeeze %dma_wait3A_60 : memref<1x256xf32, #tpu.memory_space<vmem>> -> memref<256xf32, #tpu.memory_space<vmem>>
    %dma_wait3A_62 = tpu.memref_slice %arg4[%mul3A_45] : memref<1048576xf32, #tpu.memory_space<hbm>> -> memref<256xf32, #tpu.memory_space<hbm>>
    tpu.wait_dma2 semaphore(%arg15 : memref<!tpu.dma_semaphore, #tpu.memory_space<semaphore_mem>>) src(%dma_wait3A_62 : memref<256xf32, #tpu.memory_space<hbm>>) dst(%dma_wait3A_61 : memref<256xf32, #tpu.memory_space<vmem>>)
    %parallel_loop3A = arith.constant 0 : i32
    %parallel_loop3A_63 = arith.constant 8 : i32
    %parallel_loop3A_64 = arith.constant 1 : i32
    scf.for %parallel_loop3A_391 = %parallel_loop3A to %parallel_loop3A_63 step %parallel_loop3A_64  : i32 {
      %parallel_loop3A_392 = arith.constant 16 : i32
      %parallel_loop3A_393 = arith.muli %parallel_loop3A_391, %parallel_loop3A_392 : i32
      %parallel_loop3A_394 = arith.constant 0 : i32
      %parallel_loop3A_395 = arith.addi %parallel_loop3A_394, %parallel_loop3A_393 : i32
      %parallel_loop3A_396 = tpu.assume_multiple %parallel_loop3A_395, 16 : i32
      %parallel_loop3A_397 = arith.constant 0 : i32
      %parallel_loop3A_398 = arith.index_cast %parallel_loop3A_397 : i32 to index
      %parallel_loop3A_399 = arith.index_cast %parallel_loop3A_396 : i32 to index
      %parallel_loop3A_400 = tpu.vector_load %arg7[%parallel_loop3A_398, %parallel_loop3A_399] {strides = array<i32>} : memref<2x256xf32, #tpu.memory_space<vmem>>, vector<16xf32>,
      %parallel_loop3A_401 = arith.constant 0 : i32
      %parallel_loop3A_402 = arith.index_cast %parallel_loop3A_401 : i32 to index
      %parallel_loop3A_403 = arith.index_cast %parallel_loop3A_396 : i32 to index
      %parallel_loop3A_404 = tpu.vector_load %arg6[%parallel_loop3A_402, %parallel_loop3A_403] {strides = array<i32>} : memref<2x256xf32, #tpu.memory_space<vmem>>, vector<16xf32>,
      %parallel_loop3A_405 = arith.constant 1.280000e+02 : f32
      %parallel_loop3A_406 = vector.broadcast %parallel_loop3A_405 : f32 to vector<16xf32>
      %parallel_loop3A_407 = arith.mulf %parallel_loop3A_400, %parallel_loop3A_406 : vector<16xf32>
      %parallel_loop3A_408 = arith.constant 1.275000e+02 : f32
      %parallel_loop3A_409 = vector.broadcast %parallel_loop3A_408 : f32 to vector<16xf32>
      %parallel_loop3A_410 = arith.addf %parallel_loop3A_407, %parallel_loop3A_409 : vector<16xf32>
      %parallel_loop3A_411 = arith.constant 0.000000e+00 : f32
      %parallel_loop3A_412 = arith.constant 2.550000e+02 : f32
      %parallel_loop3A_413 = vector.broadcast %parallel_loop3A_411 : f32 to vector<16xf32>
      %parallel_loop3A_414 = arith.maximumf %parallel_loop3A_413, %parallel_loop3A_410 : vector<16xf32>
      %parallel_loop3A_415 = vector.broadcast %parallel_loop3A_412 : f32 to vector<16xf32>
      %parallel_loop3A_416 = arith.minimumf %parallel_loop3A_415, %parallel_loop3A_414 : vector<16xf32>
      %parallel_loop3A_417 = arith.constant 1.280000e+02 : f32
      %parallel_loop3A_418 = vector.broadcast %parallel_loop3A_417 : f32 to vector<16xf32>
      %parallel_loop3A_419 = arith.mulf %parallel_loop3A_404, %parallel_loop3A_418 : vector<16xf32>
      %parallel_loop3A_420 = arith.constant 1.275000e+02 : f32
      %parallel_loop3A_421 = vector.broadcast %parallel_loop3A_420 : f32 to vector<16xf32>
      %parallel_loop3A_422 = arith.addf %parallel_loop3A_419, %parallel_loop3A_421 : vector<16xf32>
      %parallel_loop3A_423 = arith.constant 0.000000e+00 : f32
      %parallel_loop3A_424 = arith.constant 2.550000e+02 : f32
      %parallel_loop3A_425 = vector.broadcast %parallel_loop3A_423 : f32 to vector<16xf32>
      %parallel_loop3A_426 = arith.maximumf %parallel_loop3A_425, %parallel_loop3A_422 : vector<16xf32>
      %parallel_loop3A_427 = vector.broadcast %parallel_loop3A_424 : f32 to vector<16xf32>
      %parallel_loop3A_428 = arith.minimumf %parallel_loop3A_427, %parallel_loop3A_426 : vector<16xf32>
      %parallel_loop3A_429 = arith.fptosi %parallel_loop3A_416 : vector<16xf32> to vector<16xi32>
      %parallel_loop3A_430 = arith.constant 254 : i32
      %parallel_loop3A_431 = vector.broadcast %parallel_loop3A_430 : i32 to vector<16xi32>
      %parallel_loop3A_432 = arith.minsi %parallel_loop3A_429, %parallel_loop3A_431 : vector<16xi32>
      %parallel_loop3A_433 = arith.fptosi %parallel_loop3A_428 : vector<16xf32> to vector<16xi32>
      %parallel_loop3A_434 = arith.constant 254 : i32
      %parallel_loop3A_435 = vector.broadcast %parallel_loop3A_434 : i32 to vector<16xi32>
      %parallel_loop3A_436 = arith.minsi %parallel_loop3A_433, %parallel_loop3A_435 : vector<16xi32>
      %parallel_loop3A_437 = arith.sitofp %parallel_loop3A_432 : vector<16xi32> to vector<16xf32>
      %parallel_loop3A_438 = arith.subf %parallel_loop3A_416, %parallel_loop3A_437 : vector<16xf32>
      %parallel_loop3A_439 = arith.sitofp %parallel_loop3A_436 : vector<16xi32> to vector<16xf32>
      %parallel_loop3A_440 = arith.subf %parallel_loop3A_428, %parallel_loop3A_439 : vector<16xf32>
      %parallel_loop3A_441 = arith.constant 1.000000e+00 : f32
      %parallel_loop3A_442 = vector.broadcast %parallel_loop3A_441 : f32 to vector<16xf32>
      %parallel_loop3A_443 = arith.subf %parallel_loop3A_442, %parallel_loop3A_438 : vector<16xf32>
      %parallel_loop3A_444 = arith.constant 1.000000e+00 : f32
      %parallel_loop3A_445 = vector.broadcast %parallel_loop3A_444 : f32 to vector<16xf32>
      %parallel_loop3A_446 = arith.subf %parallel_loop3A_445, %parallel_loop3A_440 : vector<16xf32>
      %parallel_loop3A_447 = arith.constant 256 : i32
      %parallel_loop3A_448 = vector.broadcast %parallel_loop3A_447 : i32 to vector<16xi32>
      %parallel_loop3A_449 = arith.muli %parallel_loop3A_436, %parallel_loop3A_448 : vector<16xi32>
      %parallel_loop3A_450 = arith.addi %parallel_loop3A_449, %parallel_loop3A_432 : vector<16xi32>
      %parallel_loop3A_451 = arith.constant 16 : i32
      %parallel_loop3A_452 = arith.muli %parallel_loop3A_391, %parallel_loop3A_451 : i32
      %parallel_loop3A_453 = arith.constant 0 : i32
      %parallel_loop3A_454 = arith.constant 0 : i32
      %parallel_loop3A_455 = arith.index_cast %parallel_loop3A_453 : i32 to index
      %parallel_loop3A_456 = arith.index_cast %parallel_loop3A_454 : i32 to index
      %parallel_loop3A_457 = arith.index_cast %parallel_loop3A_452 : i32 to index
      %parallel_loop3A_458 = tpu.vector_load %arg8[%parallel_loop3A_455, %parallel_loop3A_456, %parallel_loop3A_457] {strides = array<i32>} : memref<2x2x128xi32, #tpu.memory_space<vmem>>, vector<16xi32>,
      tpu.vector_store %arg8[%parallel_loop3A_455, %parallel_loop3A_456, %parallel_loop3A_457], %parallel_loop3A_450 {strides = array<i32>} : memref<2x2x128xi32, #tpu.memory_space<vmem>>, vector<16xi32>,
      %parallel_loop3A_459 = arith.mulf %parallel_loop3A_446, %parallel_loop3A_443 : vector<16xf32>
      %parallel_loop3A_460 = arith.constant 0 : i32
      %parallel_loop3A_461 = arith.index_cast %parallel_loop3A_460 : i32 to index
      %parallel_loop3A_462 = arith.index_cast %parallel_loop3A_396 : i32 to index
      %parallel_loop3A_463 = tpu.vector_load %arg9[%parallel_loop3A_461, %parallel_loop3A_462] {strides = array<i32>} : memref<2x256xf32, #tpu.memory_space<vmem>>, vector<16xf32>,
      tpu.vector_store %arg9[%parallel_loop3A_461, %parallel_loop3A_462], %parallel_loop3A_459 {strides = array<i32>} : memref<2x256xf32, #tpu.memory_space<vmem>>, vector<16xf32>,
      %parallel_loop3A_464 = arith.mulf %parallel_loop3A_446, %parallel_loop3A_438 : vector<16xf32>
      %parallel_loop3A_465 = arith.constant 0 : i32
      %parallel_loop3A_466 = arith.index_cast %parallel_loop3A_465 : i32 to index
      %parallel_loop3A_467 = arith.index_cast %parallel_loop3A_396 : i32 to index
      %parallel_loop3A_468 = tpu.vector_load %arg10[%parallel_loop3A_466, %parallel_loop3A_467] {strides = array<i32>} : memref<2x256xf32, #tpu.memory_space<vmem>>, vector<16xf32>,
      tpu.vector_store %arg10[%parallel_loop3A_466, %parallel_loop3A_467], %parallel_loop3A_464 {strides = array<i32>} : memref<2x256xf32, #tpu.memory_space<vmem>>, vector<16xf32>,
      %parallel_loop3A_469 = arith.mulf %parallel_loop3A_440, %parallel_loop3A_443 : vector<16xf32>
      %parallel_loop3A_470 = arith.constant 0 : i32
      %parallel_loop3A_471 = arith.index_cast %parallel_loop3A_470 : i32 to index
      %parallel_loop3A_472 = arith.index_cast %parallel_loop3A_396 : i32 to index
      %parallel_loop3A_473 = tpu.vector_load %arg11[%parallel_loop3A_471, %parallel_loop3A_472] {strides = array<i32>} : memref<2x256xf32, #tpu.memory_space<vmem>>, vector<16xf32>,
      tpu.vector_store %arg11[%parallel_loop3A_471, %parallel_loop3A_472], %parallel_loop3A_469 {strides = array<i32>} : memref<2x256xf32, #tpu.memory_space<vmem>>, vector<16xf32>,
      %parallel_loop3A_474 = arith.mulf %parallel_loop3A_440, %parallel_loop3A_438 : vector<16xf32>
      %parallel_loop3A_475 = arith.constant 0 : i32
      %parallel_loop3A_476 = arith.index_cast %parallel_loop3A_475 : i32 to index
      %parallel_loop3A_477 = arith.index_cast %parallel_loop3A_396 : i32 to index
      %parallel_loop3A_478 = tpu.vector_load %arg12[%parallel_loop3A_476, %parallel_loop3A_477] {strides = array<i32>} : memref<2x256xf32, #tpu.memory_space<vmem>>, vector<16xf32>,
      tpu.vector_store %arg12[%parallel_loop3A_476, %parallel_loop3A_477], %parallel_loop3A_474 {strides = array<i32>} : memref<2x256xf32, #tpu.memory_space<vmem>>, vector<16xf32>,
    } {sc.loop_unroll_factor = 2 : i64, sc.parallel_access}
    %dma_start3A_65 = arith.constant 0 : i32
    %dma_start3A_66 = arith.constant 0 : i32
    %dma_start3A_67 = arith.constant 0 : i32
    %dma_start3A_68 = arith.constant 0 : i32
    %dma_start3A_69 = arith.constant 0 : i32
    %dma_start3A_70 = tpu.memref_slice %arg13[%dma_start3A_67, %dma_start3A_68, %dma_start3A_69] : memref<2x256x80xi32, #tpu.memory_space<vmem>> -> memref<1x128x80xi32, #tpu.memory_space<vmem>>
    %dma_start3A_71 = tpu.memref_squeeze %dma_start3A_70 : memref<1x128x80xi32, #tpu.memory_space<vmem>> -> memref<128x80xi32, #tpu.memory_space<vmem>>
    %dma_start3A_72 = arith.constant 0 : i32
    %dma_start3A_73 = tpu.memref_slice %arg8[%dma_start3A_65, %dma_start3A_66, %dma_start3A_72] : memref<2x2x128xi32, #tpu.memory_space<vmem>> -> memref<1x1x128xi32, #tpu.memory_space<vmem>>
    %dma_start3A_74 = tpu.memref_squeeze %dma_start3A_73 : memref<1x1x128xi32, #tpu.memory_space<vmem>> -> memref<128xi32, #tpu.memory_space<vmem>>
    %dma_start3A_75 = arith.constant 0 : i32
    %dma_start3A_76 = arith.constant 0 : i32
    %dma_start3A_77 = tpu.memref_slice %arg2[%dma_start3A_75, %dma_start3A_76] : memref<65536x80xi32, #tpu.memory_space<hbm>> -> memref<65536x80xi32, #tpu.memory_space<hbm>>
    tpu.enqueue_indirect_dma source(%dma_start3A_77 : memref<65536x80xi32, #tpu.memory_space<hbm>>) target(%dma_start3A_71 : memref<128x80xi32, #tpu.memory_space<vmem>>) offsets(%dma_start3A_74 : memref<128xi32, #tpu.memory_space<vmem>>) semaphore(%arg17 : memref<!tpu.dma_semaphore, #tpu.memory_space<semaphore_mem>>)
    %parallel_loop3A_78 = arith.constant 0 : i32
    %parallel_loop3A_79 = arith.constant 8 : i32
    %parallel_loop3A_80 = arith.constant 1 : i32
    scf.for %parallel_loop3A_391 = %parallel_loop3A_78 to %parallel_loop3A_79 step %parallel_loop3A_80  : i32 {
      %parallel_loop3A_392 = arith.constant 16 : i32
      %parallel_loop3A_393 = arith.muli %parallel_loop3A_391, %parallel_loop3A_392 : i32
      %parallel_loop3A_394 = arith.constant 128 : i32
      %parallel_loop3A_395 = arith.addi %parallel_loop3A_394, %parallel_loop3A_393 : i32
      %parallel_loop3A_396 = tpu.assume_multiple %parallel_loop3A_395, 16 : i32
      %parallel_loop3A_397 = arith.constant 0 : i32
      %parallel_loop3A_398 = arith.index_cast %parallel_loop3A_397 : i32 to index
      %parallel_loop3A_399 = arith.index_cast %parallel_loop3A_396 : i32 to index
      %parallel_loop3A_400 = tpu.vector_load %arg7[%parallel_loop3A_398, %parallel_loop3A_399] {strides = array<i32>} : memref<2x256xf32, #tpu.memory_space<vmem>>, vector<16xf32>,
      %parallel_loop3A_401 = arith.constant 0 : i32
      %parallel_loop3A_402 = arith.index_cast %parallel_loop3A_401 : i32 to index
      %parallel_loop3A_403 = arith.index_cast %parallel_loop3A_396 : i32 to index
      %parallel_loop3A_404 = tpu.vector_load %arg6[%parallel_loop3A_402, %parallel_loop3A_403] {strides = array<i32>} : memref<2x256xf32, #tpu.memory_space<vmem>>, vector<16xf32>,
      %parallel_loop3A_405 = arith.constant 1.280000e+02 : f32
      %parallel_loop3A_406 = vector.broadcast %parallel_loop3A_405 : f32 to vector<16xf32>
      %parallel_loop3A_407 = arith.mulf %parallel_loop3A_400, %parallel_loop3A_406 : vector<16xf32>
      %parallel_loop3A_408 = arith.constant 1.275000e+02 : f32
      %parallel_loop3A_409 = vector.broadcast %parallel_loop3A_408 : f32 to vector<16xf32>
      %parallel_loop3A_410 = arith.addf %parallel_loop3A_407, %parallel_loop3A_409 : vector<16xf32>
      %parallel_loop3A_411 = arith.constant 0.000000e+00 : f32
      %parallel_loop3A_412 = arith.constant 2.550000e+02 : f32
      %parallel_loop3A_413 = vector.broadcast %parallel_loop3A_411 : f32 to vector<16xf32>
      %parallel_loop3A_414 = arith.maximumf %parallel_loop3A_413, %parallel_loop3A_410 : vector<16xf32>
      %parallel_loop3A_415 = vector.broadcast %parallel_loop3A_412 : f32 to vector<16xf32>
      %parallel_loop3A_416 = arith.minimumf %parallel_loop3A_415, %parallel_loop3A_414 : vector<16xf32>
      %parallel_loop3A_417 = arith.constant 1.280000e+02 : f32
      %parallel_loop3A_418 = vector.broadcast %parallel_loop3A_417 : f32 to vector<16xf32>
      %parallel_loop3A_419 = arith.mulf %parallel_loop3A_404, %parallel_loop3A_418 : vector<16xf32>
      %parallel_loop3A_420 = arith.constant 1.275000e+02 : f32
      %parallel_loop3A_421 = vector.broadcast %parallel_loop3A_420 : f32 to vector<16xf32>
      %parallel_loop3A_422 = arith.addf %parallel_loop3A_419, %parallel_loop3A_421 : vector<16xf32>
      %parallel_loop3A_423 = arith.constant 0.000000e+00 : f32
      %parallel_loop3A_424 = arith.constant 2.550000e+02 : f32
      %parallel_loop3A_425 = vector.broadcast %parallel_loop3A_423 : f32 to vector<16xf32>
      %parallel_loop3A_426 = arith.maximumf %parallel_loop3A_425, %parallel_loop3A_422 : vector<16xf32>
      %parallel_loop3A_427 = vector.broadcast %parallel_loop3A_424 : f32 to vector<16xf32>
      %parallel_loop3A_428 = arith.minimumf %parallel_loop3A_427, %parallel_loop3A_426 : vector<16xf32>
      %parallel_loop3A_429 = arith.fptosi %parallel_loop3A_416 : vector<16xf32> to vector<16xi32>
      %parallel_loop3A_430 = arith.constant 254 : i32
      %parallel_loop3A_431 = vector.broadcast %parallel_loop3A_430 : i32 to vector<16xi32>
      %parallel_loop3A_432 = arith.minsi %parallel_loop3A_429, %parallel_loop3A_431 : vector<16xi32>
      %parallel_loop3A_433 = arith.fptosi %parallel_loop3A_428 : vector<16xf32> to vector<16xi32>
      %parallel_loop3A_434 = arith.constant 254 : i32
      %parallel_loop3A_435 = vector.broadcast %parallel_loop3A_434 : i32 to vector<16xi32>
      %parallel_loop3A_436 = arith.minsi %parallel_loop3A_433, %parallel_loop3A_435 : vector<16xi32>
      %parallel_loop3A_437 = arith.sitofp %parallel_loop3A_432 : vector<16xi32> to vector<16xf32>
      %parallel_loop3A_438 = arith.subf %parallel_loop3A_416, %parallel_loop3A_437 : vector<16xf32>
      %parallel_loop3A_439 = arith.sitofp %parallel_loop3A_436 : vector<16xi32> to vector<16xf32>
      %parallel_loop3A_440 = arith.subf %parallel_loop3A_428, %parallel_loop3A_439 : vector<16xf32>
      %parallel_loop3A_441 = arith.constant 1.000000e+00 : f32
      %parallel_loop3A_442 = vector.broadcast %parallel_loop3A_441 : f32 to vector<16xf32>
      %parallel_loop3A_443 = arith.subf %parallel_loop3A_442, %parallel_loop3A_438 : vector<16xf32>
      %parallel_loop3A_444 = arith.constant 1.000000e+00 : f32
      %parallel_loop3A_445 = vector.broadcast %parallel_loop3A_444 : f32 to vector<16xf32>
      %parallel_loop3A_446 = arith.subf %parallel_loop3A_445, %parallel_loop3A_440 : vector<16xf32>
      %parallel_loop3A_447 = arith.constant 256 : i32
      %parallel_loop3A_448 = vector.broadcast %parallel_loop3A_447 : i32 to vector<16xi32>
      %parallel_loop3A_449 = arith.muli %parallel_loop3A_436, %parallel_loop3A_448 : vector<16xi32>
      %parallel_loop3A_450 = arith.addi %parallel_loop3A_449, %parallel_loop3A_432 : vector<16xi32>
      %parallel_loop3A_451 = arith.constant 16 : i32
      %parallel_loop3A_452 = arith.muli %parallel_loop3A_391, %parallel_loop3A_451 : i32
      %parallel_loop3A_453 = arith.constant 0 : i32
      %parallel_loop3A_454 = arith.constant 1 : i32
      %parallel_loop3A_455 = arith.index_cast %parallel_loop3A_453 : i32 to index
      %parallel_loop3A_456 = arith.index_cast %parallel_loop3A_454 : i32 to index
      %parallel_loop3A_457 = arith.index_cast %parallel_loop3A_452 : i32 to index
      %parallel_loop3A_458 = tpu.vector_load %arg8[%parallel_loop3A_455, %parallel_loop3A_456, %parallel_loop3A_457] {strides = array<i32>} : memref<2x2x128xi32, #tpu.memory_space<vmem>>, vector<16xi32>,
      tpu.vector_store %arg8[%parallel_loop3A_455, %parallel_loop3A_456, %parallel_loop3A_457], %parallel_loop3A_450 {strides = array<i32>} : memref<2x2x128xi32, #tpu.memory_space<vmem>>, vector<16xi32>,
      %parallel_loop3A_459 = arith.mulf %parallel_loop3A_446, %parallel_loop3A_443 : vector<16xf32>
      %parallel_loop3A_460 = arith.constant 0 : i32
      %parallel_loop3A_461 = arith.index_cast %parallel_loop3A_460 : i32 to index
      %parallel_loop3A_462 = arith.index_cast %parallel_loop3A_396 : i32 to index
      %parallel_loop3A_463 = tpu.vector_load %arg9[%parallel_loop3A_461, %parallel_loop3A_462] {strides = array<i32>} : memref<2x256xf32, #tpu.memory_space<vmem>>, vector<16xf32>,
      tpu.vector_store %arg9[%parallel_loop3A_461, %parallel_loop3A_462], %parallel_loop3A_459 {strides = array<i32>} : memref<2x256xf32, #tpu.memory_space<vmem>>, vector<16xf32>,
      %parallel_loop3A_464 = arith.mulf %parallel_loop3A_446, %parallel_loop3A_438 : vector<16xf32>
      %parallel_loop3A_465 = arith.constant 0 : i32
      %parallel_loop3A_466 = arith.index_cast %parallel_loop3A_465 : i32 to index
      %parallel_loop3A_467 = arith.index_cast %parallel_loop3A_396 : i32 to index
      %parallel_loop3A_468 = tpu.vector_load %arg10[%parallel_loop3A_466, %parallel_loop3A_467] {strides = array<i32>} : memref<2x256xf32, #tpu.memory_space<vmem>>, vector<16xf32>,
      tpu.vector_store %arg10[%parallel_loop3A_466, %parallel_loop3A_467], %parallel_loop3A_464 {strides = array<i32>} : memref<2x256xf32, #tpu.memory_space<vmem>>, vector<16xf32>,
      %parallel_loop3A_469 = arith.mulf %parallel_loop3A_440, %parallel_loop3A_443 : vector<16xf32>
      %parallel_loop3A_470 = arith.constant 0 : i32
      %parallel_loop3A_471 = arith.index_cast %parallel_loop3A_470 : i32 to index
      %parallel_loop3A_472 = arith.index_cast %parallel_loop3A_396 : i32 to index
      %parallel_loop3A_473 = tpu.vector_load %arg11[%parallel_loop3A_471, %parallel_loop3A_472] {strides = array<i32>} : memref<2x256xf32, #tpu.memory_space<vmem>>, vector<16xf32>,
      tpu.vector_store %arg11[%parallel_loop3A_471, %parallel_loop3A_472], %parallel_loop3A_469 {strides = array<i32>} : memref<2x256xf32, #tpu.memory_space<vmem>>, vector<16xf32>,
      %parallel_loop3A_474 = arith.mulf %parallel_loop3A_440, %parallel_loop3A_438 : vector<16xf32>
      %parallel_loop3A_475 = arith.constant 0 : i32
      %parallel_loop3A_476 = arith.index_cast %parallel_loop3A_475 : i32 to index
      %parallel_loop3A_477 = arith.index_cast %parallel_loop3A_396 : i32 to index
      %parallel_loop3A_478 = tpu.vector_load %arg12[%parallel_loop3A_476, %parallel_loop3A_477] {strides = array<i32>} : memref<2x256xf32, #tpu.memory_space<vmem>>, vector<16xf32>,
      tpu.vector_store %arg12[%parallel_loop3A_476, %parallel_loop3A_477], %parallel_loop3A_474 {strides = array<i32>} : memref<2x256xf32, #tpu.memory_space<vmem>>, vector<16xf32>,
    } {sc.loop_unroll_factor = 2 : i64, sc.parallel_access}
    %dma_start3A_81 = arith.constant 0 : i32
    %dma_start3A_82 = arith.constant 1 : i32
    %dma_start3A_83 = arith.constant 0 : i32
    %dma_start3A_84 = arith.constant 128 : i32
    %dma_start3A_85 = arith.constant 0 : i32
    %dma_start3A_86 = tpu.memref_slice %arg13[%dma_start3A_83, %dma_start3A_84, %dma_start3A_85] : memref<2x256x80xi32, #tpu.memory_space<vmem>> -> memref<1x128x80xi32, #tpu.memory_space<vmem>>
    %dma_start3A_87 = tpu.memref_squeeze %dma_start3A_86 : memref<1x128x80xi32, #tpu.memory_space<vmem>> -> memref<128x80xi32, #tpu.memory_space<vmem>>
    %dma_start3A_88 = arith.constant 0 : i32
    %dma_start3A_89 = tpu.memref_slice %arg8[%dma_start3A_81, %dma_start3A_82, %dma_start3A_88] : memref<2x2x128xi32, #tpu.memory_space<vmem>> -> memref<1x1x128xi32, #tpu.memory_space<vmem>>
    %dma_start3A_90 = tpu.memref_squeeze %dma_start3A_89 : memref<1x1x128xi32, #tpu.memory_space<vmem>> -> memref<128xi32, #tpu.memory_space<vmem>>
    %dma_start3A_91 = arith.constant 0 : i32
    %dma_start3A_92 = arith.constant 0 : i32
    %dma_start3A_93 = tpu.memref_slice %arg2[%dma_start3A_91, %dma_start3A_92] : memref<65536x80xi32, #tpu.memory_space<hbm>> -> memref<65536x80xi32, #tpu.memory_space<hbm>>
    tpu.enqueue_indirect_dma source(%dma_start3A_93 : memref<65536x80xi32, #tpu.memory_space<hbm>>) target(%dma_start3A_87 : memref<128x80xi32, #tpu.memory_space<vmem>>) offsets(%dma_start3A_90 : memref<128xi32, #tpu.memory_space<vmem>>) semaphore(%arg17 : memref<!tpu.dma_semaphore, #tpu.memory_space<semaphore_mem>>)
    %scan3A = arith.constant 0 : i32
    %scan3A_94 = arith.constant 0 : i32
    %scan3A_95 = arith.constant 64 : i32
    %scan3A_96 = arith.addi %scan3A_94, %scan3A_95 : i32
    %scan3A_97 = arith.constant 1 : i32
    scf.for %scan3A_391 = %scan3A_94 to %scan3A_96 step %scan3A_97  : i32 {
      %mul3A_392 = arith.constant 2 : i32
      %mul3A_393 = arith.muli %mul3A_392, %scan3A_391 : i32
      %add3A_394 = arith.constant 0 : i32
      %add3A_395 = arith.addi %mul3A_393, %add3A_394 : i32
      %add3A_396 = arith.addi %mul3A_2, %add3A_395 : i32
      %add3A_397 = arith.constant 1 : i32
      %add3A_398 = arith.addi %add3A_395, %add3A_397 : i32
      %lt3A_399 = arith.constant 128 : i32
      %lt3A_400 = arith.cmpi slt, %add3A_398, %lt3A_399 : i32
      %convert_element_type3A = arith.extui %lt3A_400 : i1 to i32
      %cond3A = arith.constant 0 : i32
      %cond3A_401 = arith.cmpi ne, %convert_element_type3A, %cond3A : i32
      scf.if %cond3A_401 {
        %add3A_779 = arith.constant 1 : i32
        %add3A_780 = arith.addi %add3A_396, %add3A_779 : i32
        %mul3A_781 = arith.constant 256 : i32
        %mul3A_782 = arith.muli %add3A_780, %mul3A_781 : i32
        %dma_wait3A_783 = arith.constant 1 : i32
        %dma_wait3A_784 = arith.constant 0 : i32
        %dma_wait3A_785 = tpu.memref_slice %arg6[%dma_wait3A_783, %dma_wait3A_784] : memref<2x256xf32, #tpu.memory_space<vmem>> -> memref<1x256xf32, #tpu.memory_space<vmem>>
        %dma_wait3A_786 = tpu.memref_squeeze %dma_wait3A_785 : memref<1x256xf32, #tpu.memory_space<vmem>> -> memref<256xf32, #tpu.memory_space<vmem>>
        %dma_wait3A_787 = tpu.memref_slice %arg3[%mul3A_782] : memref<1048576xf32, #tpu.memory_space<hbm>> -> memref<256xf32, #tpu.memory_space<hbm>>
        %dma_wait3A_788 = arith.constant 0 : i32
        %dma_wait3A_789 = tpu.memref_slice %arg6[%dma_wait3A_783, %dma_wait3A_788] : memref<2x256xf32, #tpu.memory_space<vmem>> -> memref<1x256xf32, #tpu.memory_space<vmem>>
        %dma_wait3A_790 = tpu.memref_squeeze %dma_wait3A_789 : memref<1x256xf32, #tpu.memory_space<vmem>> -> memref<256xf32, #tpu.memory_space<vmem>>
        %dma_wait3A_791 = tpu.memref_slice %arg3[%mul3A_782] : memref<1048576xf32, #tpu.memory_space<hbm>> -> memref<256xf32, #tpu.memory_space<hbm>>
        tpu.wait_dma2 semaphore(%arg16 : memref<!tpu.dma_semaphore, #tpu.memory_space<semaphore_mem>>) src(%dma_wait3A_791 : memref<256xf32, #tpu.memory_space<hbm>>) dst(%dma_wait3A_790 : memref<256xf32, #tpu.memory_space<vmem>>)
        %dma_wait3A_792 = arith.constant 1 : i32
        %dma_wait3A_793 = arith.constant 0 : i32
        %dma_wait3A_794 = tpu.memref_slice %arg7[%dma_wait3A_792, %dma_wait3A_793] : memref<2x256xf32, #tpu.memory_space<vmem>> -> memref<1x256xf32, #tpu.memory_space<vmem>>
        %dma_wait3A_795 = tpu.memref_squeeze %dma_wait3A_794 : memref<1x256xf32, #tpu.memory_space<vmem>> -> memref<256xf32, #tpu.memory_space<vmem>>
        %dma_wait3A_796 = tpu.memref_slice %arg4[%mul3A_782] : memref<1048576xf32, #tpu.memory_space<hbm>> -> memref<256xf32, #tpu.memory_space<hbm>>
        %dma_wait3A_797 = arith.constant 0 : i32
        %dma_wait3A_798 = tpu.memref_slice %arg7[%dma_wait3A_792, %dma_wait3A_797] : memref<2x256xf32, #tpu.memory_space<vmem>> -> memref<1x256xf32, #tpu.memory_space<vmem>>
        %dma_wait3A_799 = tpu.memref_squeeze %dma_wait3A_798 : memref<1x256xf32, #tpu.memory_space<vmem>> -> memref<256xf32, #tpu.memory_space<vmem>>
        %dma_wait3A_800 = tpu.memref_slice %arg4[%mul3A_782] : memref<1048576xf32, #tpu.memory_space<hbm>> -> memref<256xf32, #tpu.memory_space<hbm>>
        tpu.wait_dma2 semaphore(%arg16 : memref<!tpu.dma_semaphore, #tpu.memory_space<semaphore_mem>>) src(%dma_wait3A_800 : memref<256xf32, #tpu.memory_space<hbm>>) dst(%dma_wait3A_799 : memref<256xf32, #tpu.memory_space<vmem>>)
        %parallel_loop3A_801 = arith.constant 0 : i32
        %parallel_loop3A_802 = arith.constant 8 : i32
        %parallel_loop3A_803 = arith.constant 1 : i32
        scf.for %parallel_loop3A_833 = %parallel_loop3A_801 to %parallel_loop3A_802 step %parallel_loop3A_803  : i32 {
          %parallel_loop3A_834 = arith.constant 16 : i32
          %parallel_loop3A_835 = arith.muli %parallel_loop3A_833, %parallel_loop3A_834 : i32
          %parallel_loop3A_836 = arith.constant 0 : i32
          %parallel_loop3A_837 = arith.addi %parallel_loop3A_836, %parallel_loop3A_835 : i32
          %parallel_loop3A_838 = tpu.assume_multiple %parallel_loop3A_837, 16 : i32
          %parallel_loop3A_839 = arith.constant 1 : i32
          %parallel_loop3A_840 = arith.index_cast %parallel_loop3A_839 : i32 to index
          %parallel_loop3A_841 = arith.index_cast %parallel_loop3A_838 : i32 to index
          %parallel_loop3A_842 = tpu.vector_load %arg7[%parallel_loop3A_840, %parallel_loop3A_841] {strides = array<i32>} : memref<2x256xf32, #tpu.memory_space<vmem>>, vector<16xf32>,
          %parallel_loop3A_843 = arith.constant 1 : i32
          %parallel_loop3A_844 = arith.index_cast %parallel_loop3A_843 : i32 to index
          %parallel_loop3A_845 = arith.index_cast %parallel_loop3A_838 : i32 to index
          %parallel_loop3A_846 = tpu.vector_load %arg6[%parallel_loop3A_844, %parallel_loop3A_845] {strides = array<i32>} : memref<2x256xf32, #tpu.memory_space<vmem>>, vector<16xf32>,
          %parallel_loop3A_847 = arith.constant 1.280000e+02 : f32
          %parallel_loop3A_848 = vector.broadcast %parallel_loop3A_847 : f32 to vector<16xf32>
          %parallel_loop3A_849 = arith.mulf %parallel_loop3A_842, %parallel_loop3A_848 : vector<16xf32>
          %parallel_loop3A_850 = arith.constant 1.275000e+02 : f32
          %parallel_loop3A_851 = vector.broadcast %parallel_loop3A_850 : f32 to vector<16xf32>
          %parallel_loop3A_852 = arith.addf %parallel_loop3A_849, %parallel_loop3A_851 : vector<16xf32>
          %parallel_loop3A_853 = arith.constant 0.000000e+00 : f32
          %parallel_loop3A_854 = arith.constant 2.550000e+02 : f32
          %parallel_loop3A_855 = vector.broadcast %parallel_loop3A_853 : f32 to vector<16xf32>
          %parallel_loop3A_856 = arith.maximumf %parallel_loop3A_855, %parallel_loop3A_852 : vector<16xf32>
          %parallel_loop3A_857 = vector.broadcast %parallel_loop3A_854 : f32 to vector<16xf32>
          %parallel_loop3A_858 = arith.minimumf %parallel_loop3A_857, %parallel_loop3A_856 : vector<16xf32>
          %parallel_loop3A_859 = arith.constant 1.280000e+02 : f32
          %parallel_loop3A_860 = vector.broadcast %parallel_loop3A_859 : f32 to vector<16xf32>
          %parallel_loop3A_861 = arith.mulf %parallel_loop3A_846, %parallel_loop3A_860 : vector<16xf32>
          %parallel_loop3A_862 = arith.constant 1.275000e+02 : f32
          %parallel_loop3A_863 = vector.broadcast %parallel_loop3A_862 : f32 to vector<16xf32>
          %parallel_loop3A_864 = arith.addf %parallel_loop3A_861, %parallel_loop3A_863 : vector<16xf32>
          %parallel_loop3A_865 = arith.constant 0.000000e+00 : f32
          %parallel_loop3A_866 = arith.constant 2.550000e+02 : f32
          %parallel_loop3A_867 = vector.broadcast %parallel_loop3A_865 : f32 to vector<16xf32>
          %parallel_loop3A_868 = arith.maximumf %parallel_loop3A_867, %parallel_loop3A_864 : vector<16xf32>
          %parallel_loop3A_869 = vector.broadcast %parallel_loop3A_866 : f32 to vector<16xf32>
          %parallel_loop3A_870 = arith.minimumf %parallel_loop3A_869, %parallel_loop3A_868 : vector<16xf32>
          %parallel_loop3A_871 = arith.fptosi %parallel_loop3A_858 : vector<16xf32> to vector<16xi32>
          %parallel_loop3A_872 = arith.constant 254 : i32
          %parallel_loop3A_873 = vector.broadcast %parallel_loop3A_872 : i32 to vector<16xi32>
          %parallel_loop3A_874 = arith.minsi %parallel_loop3A_871, %parallel_loop3A_873 : vector<16xi32>
          %parallel_loop3A_875 = arith.fptosi %parallel_loop3A_870 : vector<16xf32> to vector<16xi32>
          %parallel_loop3A_876 = arith.constant 254 : i32
          %parallel_loop3A_877 = vector.broadcast %parallel_loop3A_876 : i32 to vector<16xi32>
          %parallel_loop3A_878 = arith.minsi %parallel_loop3A_875, %parallel_loop3A_877 : vector<16xi32>
          %parallel_loop3A_879 = arith.sitofp %parallel_loop3A_874 : vector<16xi32> to vector<16xf32>
          %parallel_loop3A_880 = arith.subf %parallel_loop3A_858, %parallel_loop3A_879 : vector<16xf32>
          %parallel_loop3A_881 = arith.sitofp %parallel_loop3A_878 : vector<16xi32> to vector<16xf32>
          %parallel_loop3A_882 = arith.subf %parallel_loop3A_870, %parallel_loop3A_881 : vector<16xf32>
          %parallel_loop3A_883 = arith.constant 1.000000e+00 : f32
          %parallel_loop3A_884 = vector.broadcast %parallel_loop3A_883 : f32 to vector<16xf32>
          %parallel_loop3A_885 = arith.subf %parallel_loop3A_884, %parallel_loop3A_880 : vector<16xf32>
          %parallel_loop3A_886 = arith.constant 1.000000e+00 : f32
          %parallel_loop3A_887 = vector.broadcast %parallel_loop3A_886 : f32 to vector<16xf32>
          %parallel_loop3A_888 = arith.subf %parallel_loop3A_887, %parallel_loop3A_882 : vector<16xf32>
          %parallel_loop3A_889 = arith.constant 256 : i32
          %parallel_loop3A_890 = vector.broadcast %parallel_loop3A_889 : i32 to vector<16xi32>
          %parallel_loop3A_891 = arith.muli %parallel_loop3A_878, %parallel_loop3A_890 : vector<16xi32>
          %parallel_loop3A_892 = arith.addi %parallel_loop3A_891, %parallel_loop3A_874 : vector<16xi32>
          %parallel_loop3A_893 = arith.constant 16 : i32
          %parallel_loop3A_894 = arith.muli %parallel_loop3A_833, %parallel_loop3A_893 : i32
          %parallel_loop3A_895 = arith.constant 1 : i32
          %parallel_loop3A_896 = arith.constant 0 : i32
          %parallel_loop3A_897 = arith.index_cast %parallel_loop3A_895 : i32 to index
          %parallel_loop3A_898 = arith.index_cast %parallel_loop3A_896 : i32 to index
          %parallel_loop3A_899 = arith.index_cast %parallel_loop3A_894 : i32 to index
          %parallel_loop3A_900 = tpu.vector_load %arg8[%parallel_loop3A_897, %parallel_loop3A_898, %parallel_loop3A_899] {strides = array<i32>} : memref<2x2x128xi32, #tpu.memory_space<vmem>>, vector<16xi32>,
          tpu.vector_store %arg8[%parallel_loop3A_897, %parallel_loop3A_898, %parallel_loop3A_899], %parallel_loop3A_892 {strides = array<i32>} : memref<2x2x128xi32, #tpu.memory_space<vmem>>, vector<16xi32>,
          %parallel_loop3A_901 = arith.mulf %parallel_loop3A_888, %parallel_loop3A_885 : vector<16xf32>
          %parallel_loop3A_902 = arith.constant 1 : i32
          %parallel_loop3A_903 = arith.index_cast %parallel_loop3A_902 : i32 to index
          %parallel_loop3A_904 = arith.index_cast %parallel_loop3A_838 : i32 to index
          %parallel_loop3A_905 = tpu.vector_load %arg9[%parallel_loop3A_903, %parallel_loop3A_904] {strides = array<i32>} : memref<2x256xf32, #tpu.memory_space<vmem>>, vector<16xf32>,
          tpu.vector_store %arg9[%parallel_loop3A_903, %parallel_loop3A_904], %parallel_loop3A_901 {strides = array<i32>} : memref<2x256xf32, #tpu.memory_space<vmem>>, vector<16xf32>,
          %parallel_loop3A_906 = arith.mulf %parallel_loop3A_888, %parallel_loop3A_880 : vector<16xf32>
          %parallel_loop3A_907 = arith.constant 1 : i32
          %parallel_loop3A_908 = arith.index_cast %parallel_loop3A_907 : i32 to index
          %parallel_loop3A_909 = arith.index_cast %parallel_loop3A_838 : i32 to index
          %parallel_loop3A_910 = tpu.vector_load %arg10[%parallel_loop3A_908, %parallel_loop3A_909] {strides = array<i32>} : memref<2x256xf32, #tpu.memory_space<vmem>>, vector<16xf32>,
          tpu.vector_store %arg10[%parallel_loop3A_908, %parallel_loop3A_909], %parallel_loop3A_906 {strides = array<i32>} : memref<2x256xf32, #tpu.memory_space<vmem>>, vector<16xf32>,
          %parallel_loop3A_911 = arith.mulf %parallel_loop3A_882, %parallel_loop3A_885 : vector<16xf32>
          %parallel_loop3A_912 = arith.constant 1 : i32
          %parallel_loop3A_913 = arith.index_cast %parallel_loop3A_912 : i32 to index
          %parallel_loop3A_914 = arith.index_cast %parallel_loop3A_838 : i32 to index
          %parallel_loop3A_915 = tpu.vector_load %arg11[%parallel_loop3A_913, %parallel_loop3A_914] {strides = array<i32>} : memref<2x256xf32, #tpu.memory_space<vmem>>, vector<16xf32>,
          tpu.vector_store %arg11[%parallel_loop3A_913, %parallel_loop3A_914], %parallel_loop3A_911 {strides = array<i32>} : memref<2x256xf32, #tpu.memory_space<vmem>>, vector<16xf32>,
          %parallel_loop3A_916 = arith.mulf %parallel_loop3A_882, %parallel_loop3A_880 : vector<16xf32>
          %parallel_loop3A_917 = arith.constant 1 : i32
          %parallel_loop3A_918 = arith.index_cast %parallel_loop3A_917 : i32 to index
          %parallel_loop3A_919 = arith.index_cast %parallel_loop3A_838 : i32 to index
          %parallel_loop3A_920 = tpu.vector_load %arg12[%parallel_loop3A_918, %parallel_loop3A_919] {strides = array<i32>} : memref<2x256xf32, #tpu.memory_space<vmem>>, vector<16xf32>,
          tpu.vector_store %arg12[%parallel_loop3A_918, %parallel_loop3A_919], %parallel_loop3A_916 {strides = array<i32>} : memref<2x256xf32, #tpu.memory_space<vmem>>, vector<16xf32>,
        } {sc.loop_unroll_factor = 2 : i64, sc.parallel_access}
        %dma_start3A_804 = arith.constant 1 : i32
        %dma_start3A_805 = arith.constant 0 : i32
        %dma_start3A_806 = arith.constant 1 : i32
        %dma_start3A_807 = arith.constant 0 : i32
        %dma_start3A_808 = arith.constant 0 : i32
        %dma_start3A_809 = tpu.memref_slice %arg13[%dma_start3A_806, %dma_start3A_807, %dma_start3A_808] : memref<2x256x80xi32, #tpu.memory_space<vmem>> -> memref<1x128x80xi32, #tpu.memory_space<vmem>>
        %dma_start3A_810 = tpu.memref_squeeze %dma_start3A_809 : memref<1x128x80xi32, #tpu.memory_space<vmem>> -> memref<128x80xi32, #tpu.memory_space<vmem>>
        %dma_start3A_811 = arith.constant 0 : i32
        %dma_start3A_812 = tpu.memref_slice %arg8[%dma_start3A_804, %dma_start3A_805, %dma_start3A_811] : memref<2x2x128xi32, #tpu.memory_space<vmem>> -> memref<1x1x128xi32, #tpu.memory_space<vmem>>
        %dma_start3A_813 = tpu.memref_squeeze %dma_start3A_812 : memref<1x1x128xi32, #tpu.memory_space<vmem>> -> memref<128xi32, #tpu.memory_space<vmem>>
        %dma_start3A_814 = arith.constant 0 : i32
        %dma_start3A_815 = arith.constant 0 : i32
        %dma_start3A_816 = tpu.memref_slice %arg2[%dma_start3A_814, %dma_start3A_815] : memref<65536x80xi32, #tpu.memory_space<hbm>> -> memref<65536x80xi32, #tpu.memory_space<hbm>>
        tpu.enqueue_indirect_dma source(%dma_start3A_816 : memref<65536x80xi32, #tpu.memory_space<hbm>>) target(%dma_start3A_810 : memref<128x80xi32, #tpu.memory_space<vmem>>) offsets(%dma_start3A_813 : memref<128xi32, #tpu.memory_space<vmem>>) semaphore(%arg18 : memref<!tpu.dma_semaphore, #tpu.memory_space<semaphore_mem>>)
        %parallel_loop3A_817 = arith.constant 0 : i32
        %parallel_loop3A_818 = arith.constant 8 : i32
        %parallel_loop3A_819 = arith.constant 1 : i32
        scf.for %parallel_loop3A_833 = %parallel_loop3A_817 to %parallel_loop3A_818 step %parallel_loop3A_819  : i32 {
          %parallel_loop3A_834 = arith.constant 16 : i32
          %parallel_loop3A_835 = arith.muli %parallel_loop3A_833, %parallel_loop3A_834 : i32
          %parallel_loop3A_836 = arith.constant 128 : i32
          %parallel_loop3A_837 = arith.addi %parallel_loop3A_836, %parallel_loop3A_835 : i32
          %parallel_loop3A_838 = tpu.assume_multiple %parallel_loop3A_837, 16 : i32
          %parallel_loop3A_839 = arith.constant 1 : i32
          %parallel_loop3A_840 = arith.index_cast %parallel_loop3A_839 : i32 to index
          %parallel_loop3A_841 = arith.index_cast %parallel_loop3A_838 : i32 to index
          %parallel_loop3A_842 = tpu.vector_load %arg7[%parallel_loop3A_840, %parallel_loop3A_841] {strides = array<i32>} : memref<2x256xf32, #tpu.memory_space<vmem>>, vector<16xf32>,
          %parallel_loop3A_843 = arith.constant 1 : i32
          %parallel_loop3A_844 = arith.index_cast %parallel_loop3A_843 : i32 to index
          %parallel_loop3A_845 = arith.index_cast %parallel_loop3A_838 : i32 to index
          %parallel_loop3A_846 = tpu.vector_load %arg6[%parallel_loop3A_844, %parallel_loop3A_845] {strides = array<i32>} : memref<2x256xf32, #tpu.memory_space<vmem>>, vector<16xf32>,
          %parallel_loop3A_847 = arith.constant 1.280000e+02 : f32
          %parallel_loop3A_848 = vector.broadcast %parallel_loop3A_847 : f32 to vector<16xf32>
          %parallel_loop3A_849 = arith.mulf %parallel_loop3A_842, %parallel_loop3A_848 : vector<16xf32>
          %parallel_loop3A_850 = arith.constant 1.275000e+02 : f32
          %parallel_loop3A_851 = vector.broadcast %parallel_loop3A_850 : f32 to vector<16xf32>
          %parallel_loop3A_852 = arith.addf %parallel_loop3A_849, %parallel_loop3A_851 : vector<16xf32>
          %parallel_loop3A_853 = arith.constant 0.000000e+00 : f32
          %parallel_loop3A_854 = arith.constant 2.550000e+02 : f32
          %parallel_loop3A_855 = vector.broadcast %parallel_loop3A_853 : f32 to vector<16xf32>
          %parallel_loop3A_856 = arith.maximumf %parallel_loop3A_855, %parallel_loop3A_852 : vector<16xf32>
          %parallel_loop3A_857 = vector.broadcast %parallel_loop3A_854 : f32 to vector<16xf32>
          %parallel_loop3A_858 = arith.minimumf %parallel_loop3A_857, %parallel_loop3A_856 : vector<16xf32>
          %parallel_loop3A_859 = arith.constant 1.280000e+02 : f32
          %parallel_loop3A_860 = vector.broadcast %parallel_loop3A_859 : f32 to vector<16xf32>
          %parallel_loop3A_861 = arith.mulf %parallel_loop3A_846, %parallel_loop3A_860 : vector<16xf32>
          %parallel_loop3A_862 = arith.constant 1.275000e+02 : f32
          %parallel_loop3A_863 = vector.broadcast %parallel_loop3A_862 : f32 to vector<16xf32>
          %parallel_loop3A_864 = arith.addf %parallel_loop3A_861, %parallel_loop3A_863 : vector<16xf32>
          %parallel_loop3A_865 = arith.constant 0.000000e+00 : f32
          %parallel_loop3A_866 = arith.constant 2.550000e+02 : f32
          %parallel_loop3A_867 = vector.broadcast %parallel_loop3A_865 : f32 to vector<16xf32>
          %parallel_loop3A_868 = arith.maximumf %parallel_loop3A_867, %parallel_loop3A_864 : vector<16xf32>
          %parallel_loop3A_869 = vector.broadcast %parallel_loop3A_866 : f32 to vector<16xf32>
          %parallel_loop3A_870 = arith.minimumf %parallel_loop3A_869, %parallel_loop3A_868 : vector<16xf32>
          %parallel_loop3A_871 = arith.fptosi %parallel_loop3A_858 : vector<16xf32> to vector<16xi32>
          %parallel_loop3A_872 = arith.constant 254 : i32
          %parallel_loop3A_873 = vector.broadcast %parallel_loop3A_872 : i32 to vector<16xi32>
          %parallel_loop3A_874 = arith.minsi %parallel_loop3A_871, %parallel_loop3A_873 : vector<16xi32>
          %parallel_loop3A_875 = arith.fptosi %parallel_loop3A_870 : vector<16xf32> to vector<16xi32>
          %parallel_loop3A_876 = arith.constant 254 : i32
          %parallel_loop3A_877 = vector.broadcast %parallel_loop3A_876 : i32 to vector<16xi32>
          %parallel_loop3A_878 = arith.minsi %parallel_loop3A_875, %parallel_loop3A_877 : vector<16xi32>
          %parallel_loop3A_879 = arith.sitofp %parallel_loop3A_874 : vector<16xi32> to vector<16xf32>
          %parallel_loop3A_880 = arith.subf %parallel_loop3A_858, %parallel_loop3A_879 : vector<16xf32>
          %parallel_loop3A_881 = arith.sitofp %parallel_loop3A_878 : vector<16xi32> to vector<16xf32>
          %parallel_loop3A_882 = arith.subf %parallel_loop3A_870, %parallel_loop3A_881 : vector<16xf32>
          %parallel_loop3A_883 = arith.constant 1.000000e+00 : f32
          %parallel_loop3A_884 = vector.broadcast %parallel_loop3A_883 : f32 to vector<16xf32>
          %parallel_loop3A_885 = arith.subf %parallel_loop3A_884, %parallel_loop3A_880 : vector<16xf32>
          %parallel_loop3A_886 = arith.constant 1.000000e+00 : f32
          %parallel_loop3A_887 = vector.broadcast %parallel_loop3A_886 : f32 to vector<16xf32>
          %parallel_loop3A_888 = arith.subf %parallel_loop3A_887, %parallel_loop3A_882 : vector<16xf32>
          %parallel_loop3A_889 = arith.constant 256 : i32
          %parallel_loop3A_890 = vector.broadcast %parallel_loop3A_889 : i32 to vector<16xi32>
          %parallel_loop3A_891 = arith.muli %parallel_loop3A_878, %parallel_loop3A_890 : vector<16xi32>
          %parallel_loop3A_892 = arith.addi %parallel_loop3A_891, %parallel_loop3A_874 : vector<16xi32>
          %parallel_loop3A_893 = arith.constant 16 : i32
          %parallel_loop3A_894 = arith.muli %parallel_loop3A_833, %parallel_loop3A_893 : i32
          %parallel_loop3A_895 = arith.constant 1 : i32
          %parallel_loop3A_896 = arith.constant 1 : i32
          %parallel_loop3A_897 = arith.index_cast %parallel_loop3A_895 : i32 to index
          %parallel_loop3A_898 = arith.index_cast %parallel_loop3A_896 : i32 to index
          %parallel_loop3A_899 = arith.index_cast %parallel_loop3A_894 : i32 to index
          %parallel_loop3A_900 = tpu.vector_load %arg8[%parallel_loop3A_897, %parallel_loop3A_898, %parallel_loop3A_899] {strides = array<i32>} : memref<2x2x128xi32, #tpu.memory_space<vmem>>, vector<16xi32>,
          tpu.vector_store %arg8[%parallel_loop3A_897, %parallel_loop3A_898, %parallel_loop3A_899], %parallel_loop3A_892 {strides = array<i32>} : memref<2x2x128xi32, #tpu.memory_space<vmem>>, vector<16xi32>,
          %parallel_loop3A_901 = arith.mulf %parallel_loop3A_888, %parallel_loop3A_885 : vector<16xf32>
          %parallel_loop3A_902 = arith.constant 1 : i32
          %parallel_loop3A_903 = arith.index_cast %parallel_loop3A_902 : i32 to index
          %parallel_loop3A_904 = arith.index_cast %parallel_loop3A_838 : i32 to index
          %parallel_loop3A_905 = tpu.vector_load %arg9[%parallel_loop3A_903, %parallel_loop3A_904] {strides = array<i32>} : memref<2x256xf32, #tpu.memory_space<vmem>>, vector<16xf32>,
          tpu.vector_store %arg9[%parallel_loop3A_903, %parallel_loop3A_904], %parallel_loop3A_901 {strides = array<i32>} : memref<2x256xf32, #tpu.memory_space<vmem>>, vector<16xf32>,
          %parallel_loop3A_906 = arith.mulf %parallel_loop3A_888, %parallel_loop3A_880 : vector<16xf32>
          %parallel_loop3A_907 = arith.constant 1 : i32
          %parallel_loop3A_908 = arith.index_cast %parallel_loop3A_907 : i32 to index
          %parallel_loop3A_909 = arith.index_cast %parallel_loop3A_838 : i32 to index
          %parallel_loop3A_910 = tpu.vector_load %arg10[%parallel_loop3A_908, %parallel_loop3A_909] {strides = array<i32>} : memref<2x256xf32, #tpu.memory_space<vmem>>, vector<16xf32>,
          tpu.vector_store %arg10[%parallel_loop3A_908, %parallel_loop3A_909], %parallel_loop3A_906 {strides = array<i32>} : memref<2x256xf32, #tpu.memory_space<vmem>>, vector<16xf32>,
          %parallel_loop3A_911 = arith.mulf %parallel_loop3A_882, %parallel_loop3A_885 : vector<16xf32>
          %parallel_loop3A_912 = arith.constant 1 : i32
          %parallel_loop3A_913 = arith.index_cast %parallel_loop3A_912 : i32 to index
          %parallel_loop3A_914 = arith.index_cast %parallel_loop3A_838 : i32 to index
          %parallel_loop3A_915 = tpu.vector_load %arg11[%parallel_loop3A_913, %parallel_loop3A_914] {strides = array<i32>} : memref<2x256xf32, #tpu.memory_space<vmem>>, vector<16xf32>,
          tpu.vector_store %arg11[%parallel_loop3A_913, %parallel_loop3A_914], %parallel_loop3A_911 {strides = array<i32>} : memref<2x256xf32, #tpu.memory_space<vmem>>, vector<16xf32>,
          %parallel_loop3A_916 = arith.mulf %parallel_loop3A_882, %parallel_loop3A_880 : vector<16xf32>
          %parallel_loop3A_917 = arith.constant 1 : i32
          %parallel_loop3A_918 = arith.index_cast %parallel_loop3A_917 : i32 to index
          %parallel_loop3A_919 = arith.index_cast %parallel_loop3A_838 : i32 to index
          %parallel_loop3A_920 = tpu.vector_load %arg12[%parallel_loop3A_918, %parallel_loop3A_919] {strides = array<i32>} : memref<2x256xf32, #tpu.memory_space<vmem>>, vector<16xf32>,
          tpu.vector_store %arg12[%parallel_loop3A_918, %parallel_loop3A_919], %parallel_loop3A_916 {strides = array<i32>} : memref<2x256xf32, #tpu.memory_space<vmem>>, vector<16xf32>,
        } {sc.loop_unroll_factor = 2 : i64, sc.parallel_access}
        %dma_start3A_820 = arith.constant 1 : i32
        %dma_start3A_821 = arith.constant 1 : i32
        %dma_start3A_822 = arith.constant 1 : i32
        %dma_start3A_823 = arith.constant 128 : i32
        %dma_start3A_824 = arith.constant 0 : i32
        %dma_start3A_825 = tpu.memref_slice %arg13[%dma_start3A_822, %dma_start3A_823, %dma_start3A_824] : memref<2x256x80xi32, #tpu.memory_space<vmem>> -> memref<1x128x80xi32, #tpu.memory_space<vmem>>
        %dma_start3A_826 = tpu.memref_squeeze %dma_start3A_825 : memref<1x128x80xi32, #tpu.memory_space<vmem>> -> memref<128x80xi32, #tpu.memory_space<vmem>>
        %dma_start3A_827 = arith.constant 0 : i32
        %dma_start3A_828 = tpu.memref_slice %arg8[%dma_start3A_820, %dma_start3A_821, %dma_start3A_827] : memref<2x2x128xi32, #tpu.memory_space<vmem>> -> memref<1x1x128xi32, #tpu.memory_space<vmem>>
        %dma_start3A_829 = tpu.memref_squeeze %dma_start3A_828 : memref<1x1x128xi32, #tpu.memory_space<vmem>> -> memref<128xi32, #tpu.memory_space<vmem>>
        %dma_start3A_830 = arith.constant 0 : i32
        %dma_start3A_831 = arith.constant 0 : i32
        %dma_start3A_832 = tpu.memref_slice %arg2[%dma_start3A_830, %dma_start3A_831] : memref<65536x80xi32, #tpu.memory_space<hbm>> -> memref<65536x80xi32, #tpu.memory_space<hbm>>
        tpu.enqueue_indirect_dma source(%dma_start3A_832 : memref<65536x80xi32, #tpu.memory_space<hbm>>) target(%dma_start3A_826 : memref<128x80xi32, #tpu.memory_space<vmem>>) offsets(%dma_start3A_829 : memref<128xi32, #tpu.memory_space<vmem>>) semaphore(%arg18 : memref<!tpu.dma_semaphore, #tpu.memory_space<semaphore_mem>>)
      } else {
      }
      %add3A_402 = arith.constant 2 : i32
      %add3A_403 = arith.addi %add3A_395, %add3A_402 : i32
      %lt3A_404 = arith.constant 128 : i32
      %lt3A_405 = arith.cmpi slt, %add3A_403, %lt3A_404 : i32
      %convert_element_type3A_406 = arith.extui %lt3A_405 : i1 to i32
      %cond3A_407 = arith.constant 0 : i32
      %cond3A_408 = arith.cmpi ne, %convert_element_type3A_406, %cond3A_407 : i32
      scf.if %cond3A_408 {
        %add3A_779 = arith.constant 2 : i32
        %add3A_780 = arith.addi %add3A_396, %add3A_779 : i32
        %mul3A_781 = arith.constant 256 : i32
        %mul3A_782 = arith.muli %add3A_780, %mul3A_781 : i32
        %dma_start3A_783 = arith.constant 0 : i32
        %dma_start3A_784 = arith.constant 0 : i32
        %dma_start3A_785 = tpu.memref_slice %arg6[%dma_start3A_783, %dma_start3A_784] : memref<2x256xf32, #tpu.memory_space<vmem>> -> memref<1x256xf32, #tpu.memory_space<vmem>>
        %dma_start3A_786 = tpu.memref_squeeze %dma_start3A_785 : memref<1x256xf32, #tpu.memory_space<vmem>> -> memref<256xf32, #tpu.memory_space<vmem>>
        %dma_start3A_787 = tpu.memref_slice %arg3[%mul3A_782] : memref<1048576xf32, #tpu.memory_space<hbm>> -> memref<256xf32, #tpu.memory_space<hbm>>
        %dma_start3A_788 = arith.constant 0 : i32
        %dma_start3A_789 = tpu.memref_slice %arg6[%dma_start3A_783, %dma_start3A_788] : memref<2x256xf32, #tpu.memory_space<vmem>> -> memref<1x256xf32, #tpu.memory_space<vmem>>
        %dma_start3A_790 = tpu.memref_squeeze %dma_start3A_789 : memref<1x256xf32, #tpu.memory_space<vmem>> -> memref<256xf32, #tpu.memory_space<vmem>>
        %dma_start3A_791 = tpu.memref_slice %arg3[%mul3A_782] : memref<1048576xf32, #tpu.memory_space<hbm>> -> memref<256xf32, #tpu.memory_space<hbm>>
        tpu.enqueue_dma source(%dma_start3A_791 : memref<256xf32, #tpu.memory_space<hbm>>) target(%dma_start3A_790 : memref<256xf32, #tpu.memory_space<vmem>>) target_semaphore(%arg15 : memref<!tpu.dma_semaphore, #tpu.memory_space<semaphore_mem>>)
        %dma_start3A_792 = arith.constant 0 : i32
        %dma_start3A_793 = arith.constant 0 : i32
        %dma_start3A_794 = tpu.memref_slice %arg7[%dma_start3A_792, %dma_start3A_793] : memref<2x256xf32, #tpu.memory_space<vmem>> -> memref<1x256xf32, #tpu.memory_space<vmem>>
        %dma_start3A_795 = tpu.memref_squeeze %dma_start3A_794 : memref<1x256xf32, #tpu.memory_space<vmem>> -> memref<256xf32, #tpu.memory_space<vmem>>
        %dma_start3A_796 = tpu.memref_slice %arg4[%mul3A_782] : memref<1048576xf32, #tpu.memory_space<hbm>> -> memref<256xf32, #tpu.memory_space<hbm>>
        %dma_start3A_797 = arith.constant 0 : i32
        %dma_start3A_798 = tpu.memref_slice %arg7[%dma_start3A_792, %dma_start3A_797] : memref<2x256xf32, #tpu.memory_space<vmem>> -> memref<1x256xf32, #tpu.memory_space<vmem>>
        %dma_start3A_799 = tpu.memref_squeeze %dma_start3A_798 : memref<1x256xf32, #tpu.memory_space<vmem>> -> memref<256xf32, #tpu.memory_space<vmem>>
        %dma_start3A_800 = tpu.memref_slice %arg4[%mul3A_782] : memref<1048576xf32, #tpu.memory_space<hbm>> -> memref<256xf32, #tpu.memory_space<hbm>>
        tpu.enqueue_dma source(%dma_start3A_800 : memref<256xf32, #tpu.memory_space<hbm>>) target(%dma_start3A_799 : memref<256xf32, #tpu.memory_space<vmem>>) target_semaphore(%arg15 : memref<!tpu.dma_semaphore, #tpu.memory_space<semaphore_mem>>)
      } else {
      }
      %dma_wait3A_409 = arith.constant 0 : i32
      %dma_wait3A_410 = arith.constant 0 : i32
      %dma_wait3A_411 = arith.constant 0 : i32
      %dma_wait3A_412 = tpu.memref_slice %arg13[%dma_wait3A_409, %dma_wait3A_410, %dma_wait3A_411] : memref<2x256x80xi32, #tpu.memory_space<vmem>> -> memref<1x256x80xi32, #tpu.memory_space<vmem>>
      %dma_wait3A_413 = tpu.memref_squeeze %dma_wait3A_412 : memref<1x256x80xi32, #tpu.memory_space<vmem>> -> memref<256x80xi32, #tpu.memory_space<vmem>>
      %dma_wait3A_414 = arith.constant 0 : i32
      %dma_wait3A_415 = arith.constant 0 : i32
      %dma_wait3A_416 = tpu.memref_slice %arg2[%dma_wait3A_414, %dma_wait3A_415] : memref<65536x80xi32, #tpu.memory_space<hbm>> -> memref<256x80xi32, #tpu.memory_space<hbm>>
      %dma_wait3A_417 = arith.constant 0 : i32
      %dma_wait3A_418 = arith.constant 0 : i32
      %dma_wait3A_419 = tpu.memref_slice %arg13[%dma_wait3A_409, %dma_wait3A_417, %dma_wait3A_418] : memref<2x256x80xi32, #tpu.memory_space<vmem>> -> memref<1x256x80xi32, #tpu.memory_space<vmem>>
      %dma_wait3A_420 = tpu.memref_squeeze %dma_wait3A_419 : memref<1x256x80xi32, #tpu.memory_space<vmem>> -> memref<256x80xi32, #tpu.memory_space<vmem>>
      %dma_wait3A_421 = arith.constant 0 : i32
      %dma_wait3A_422 = arith.constant 0 : i32
      %dma_wait3A_423 = tpu.memref_slice %arg2[%dma_wait3A_421, %dma_wait3A_422] : memref<65536x80xi32, #tpu.memory_space<hbm>> -> memref<256x80xi32, #tpu.memory_space<hbm>>
      tpu.wait_dma2 semaphore(%arg17 : memref<!tpu.dma_semaphore, #tpu.memory_space<semaphore_mem>>) src(%dma_wait3A_423 : memref<256x80xi32, #tpu.memory_space<hbm>>) dst(%dma_wait3A_420 : memref<256x80xi32, #tpu.memory_space<vmem>>)
      %jit3A_424 = arith.constant 1024 : i32
      %div3A_425 = arith.divsi %add3A_396, %jit3A_424 : i32
      %sign3A_426 = arith.constant 0 : i32
      %sign3A_427 = arith.cmpi sgt, %add3A_396, %sign3A_426 : i32
      %sign3A_428 = arith.extui %sign3A_427 : i1 to i32
      %sign3A_429 = arith.constant 0 : i32
      %sign3A_430 = arith.cmpi slt, %add3A_396, %sign3A_429 : i32
      %sign3A_431 = arith.extui %sign3A_430 : i1 to i32
      %sign3A_432 = arith.subi %sign3A_428, %sign3A_431 : i32
      %sign3A_433 = arith.constant 0 : i32
      %sign3A_434 = arith.cmpi sgt, %jit3A_424, %sign3A_433 : i32
      %sign3A_435 = arith.extui %sign3A_434 : i1 to i32
      %sign3A_436 = arith.constant 0 : i32
      %sign3A_437 = arith.cmpi slt, %jit3A_424, %sign3A_436 : i32
      %sign3A_438 = arith.extui %sign3A_437 : i1 to i32
      %sign3A_439 = arith.subi %sign3A_435, %sign3A_438 : i32
      %ne3A_440 = arith.cmpi ne, %sign3A_432, %sign3A_439 : i32
      %rem3A_441 = arith.remsi %add3A_396, %jit3A_424 : i32
      %ne3A_442 = arith.constant 0 : i32
      %ne3A_443 = arith.cmpi ne, %rem3A_441, %ne3A_442 : i32
      %and3A_444 = arith.andi %ne3A_440, %ne3A_443 : i1
      %sub3A_445 = arith.constant 1 : i32
      %sub3A_446 = arith.subi %div3A_425, %sub3A_445 : i32
      %select_n3A_447 = arith.select %and3A_444, %sub3A_446, %div3A_425 : i32
      %jit3A_448 = arith.constant 16 : i32
      %div3A_449 = arith.divsi %add3A_396, %jit3A_448 : i32
      %sign3A_450 = arith.constant 0 : i32
      %sign3A_451 = arith.cmpi sgt, %add3A_396, %sign3A_450 : i32
      %sign3A_452 = arith.extui %sign3A_451 : i1 to i32
      %sign3A_453 = arith.constant 0 : i32
      %sign3A_454 = arith.cmpi slt, %add3A_396, %sign3A_453 : i32
      %sign3A_455 = arith.extui %sign3A_454 : i1 to i32
      %sign3A_456 = arith.subi %sign3A_452, %sign3A_455 : i32
      %sign3A_457 = arith.constant 0 : i32
      %sign3A_458 = arith.cmpi sgt, %jit3A_448, %sign3A_457 : i32
      %sign3A_459 = arith.extui %sign3A_458 : i1 to i32
      %sign3A_460 = arith.constant 0 : i32
      %sign3A_461 = arith.cmpi slt, %jit3A_448, %sign3A_460 : i32
      %sign3A_462 = arith.extui %sign3A_461 : i1 to i32
      %sign3A_463 = arith.subi %sign3A_459, %sign3A_462 : i32
      %ne3A_464 = arith.cmpi ne, %sign3A_456, %sign3A_463 : i32
      %rem3A_465 = arith.remsi %add3A_396, %jit3A_448 : i32
      %ne3A_466 = arith.constant 0 : i32
      %ne3A_467 = arith.cmpi ne, %rem3A_465, %ne3A_466 : i32
      %and3A_468 = arith.andi %ne3A_464, %ne3A_467 : i1
      %sub3A_469 = arith.constant 1 : i32
      %sub3A_470 = arith.subi %div3A_449, %sub3A_469 : i32
      %select_n3A_471 = arith.select %and3A_468, %sub3A_470, %div3A_449 : i32
      %jit3A_472 = arith.constant 64 : i32
      %eq3A_473 = arith.constant 0 : i32
      %eq3A_474 = arith.cmpi eq, %jit3A_472, %eq3A_473 : i32
      %jit3A_475 = arith.constant 1 : i32
      %select_n3A_476 = arith.select %eq3A_474, %jit3A_475, %jit3A_472 : i32
      %rem3A_477 = arith.remsi %select_n3A_471, %select_n3A_476 : i32
      %ne3A_478 = arith.constant 0 : i32
      %ne3A_479 = arith.cmpi ne, %rem3A_477, %ne3A_478 : i32
      %lt3A_480 = arith.constant 0 : i32
      %lt3A_481 = arith.cmpi slt, %rem3A_477, %lt3A_480 : i32
      %lt3A_482 = arith.constant 0 : i32
      %lt3A_483 = arith.cmpi slt, %select_n3A_476, %lt3A_482 : i32
      %ne3A_484 = arith.xori %lt3A_481, %lt3A_483 : i1
      %and3A_485 = arith.andi %ne3A_484, %ne3A_479 : i1
      %add3A_486 = arith.addi %rem3A_477, %select_n3A_476 : i32
      %select_n3A_487 = arith.select %and3A_485, %add3A_486, %rem3A_477 : i32
      %jit3A_488 = arith.constant 4 : i32
      %div3A_489 = arith.divsi %add3A_396, %jit3A_488 : i32
      %sign3A_490 = arith.constant 0 : i32
      %sign3A_491 = arith.cmpi sgt, %add3A_396, %sign3A_490 : i32
      %sign3A_492 = arith.extui %sign3A_491 : i1 to i32
      %sign3A_493 = arith.constant 0 : i32
      %sign3A_494 = arith.cmpi slt, %add3A_396, %sign3A_493 : i32
      %sign3A_495 = arith.extui %sign3A_494 : i1 to i32
      %sign3A_496 = arith.subi %sign3A_492, %sign3A_495 : i32
      %sign3A_497 = arith.constant 0 : i32
      %sign3A_498 = arith.cmpi sgt, %jit3A_488, %sign3A_497 : i32
      %sign3A_499 = arith.extui %sign3A_498 : i1 to i32
      %sign3A_500 = arith.constant 0 : i32
      %sign3A_501 = arith.cmpi slt, %jit3A_488, %sign3A_500 : i32
      %sign3A_502 = arith.extui %sign3A_501 : i1 to i32
      %sign3A_503 = arith.subi %sign3A_499, %sign3A_502 : i32
      %ne3A_504 = arith.cmpi ne, %sign3A_496, %sign3A_503 : i32
      %rem3A_505 = arith.remsi %add3A_396, %jit3A_488 : i32
      %ne3A_506 = arith.constant 0 : i32
      %ne3A_507 = arith.cmpi ne, %rem3A_505, %ne3A_506 : i32
      %and3A_508 = arith.andi %ne3A_504, %ne3A_507 : i1
      %sub3A_509 = arith.constant 1 : i32
      %sub3A_510 = arith.subi %div3A_489, %sub3A_509 : i32
      %select_n3A_511 = arith.select %and3A_508, %sub3A_510, %div3A_489 : i32
      %jit3A_512 = arith.constant 4 : i32
      %eq3A_513 = arith.constant 0 : i32
      %eq3A_514 = arith.cmpi eq, %jit3A_512, %eq3A_513 : i32
      %jit3A_515 = arith.constant 1 : i32
      %select_n3A_516 = arith.select %eq3A_514, %jit3A_515, %jit3A_512 : i32
      %rem3A_517 = arith.remsi %select_n3A_511, %select_n3A_516 : i32
      %ne3A_518 = arith.constant 0 : i32
      %ne3A_519 = arith.cmpi ne, %rem3A_517, %ne3A_518 : i32
      %lt3A_520 = arith.constant 0 : i32
      %lt3A_521 = arith.cmpi slt, %rem3A_517, %lt3A_520 : i32
      %lt3A_522 = arith.constant 0 : i32
      %lt3A_523 = arith.cmpi slt, %select_n3A_516, %lt3A_522 : i32
      %ne3A_524 = arith.xori %lt3A_521, %lt3A_523 : i1
      %and3A_525 = arith.andi %ne3A_524, %ne3A_519 : i1
      %add3A_526 = arith.addi %rem3A_517, %select_n3A_516 : i32
      %select_n3A_527 = arith.select %and3A_525, %add3A_526, %rem3A_517 : i32
      %jit3A_528 = arith.constant 4 : i32
      %eq3A_529 = arith.constant 0 : i32
      %eq3A_530 = arith.cmpi eq, %jit3A_528, %eq3A_529 : i32
      %jit3A_531 = arith.constant 1 : i32
      %select_n3A_532 = arith.select %eq3A_530, %jit3A_531, %jit3A_528 : i32
      %rem3A_533 = arith.remsi %add3A_396, %select_n3A_532 : i32
      %ne3A_534 = arith.constant 0 : i32
      %ne3A_535 = arith.cmpi ne, %rem3A_533, %ne3A_534 : i32
      %lt3A_536 = arith.constant 0 : i32
      %lt3A_537 = arith.cmpi slt, %rem3A_533, %lt3A_536 : i32
      %lt3A_538 = arith.constant 0 : i32
      %lt3A_539 = arith.cmpi slt, %select_n3A_532, %lt3A_538 : i32
      %ne3A_540 = arith.xori %lt3A_537, %lt3A_539 : i1
      %and3A_541 = arith.andi %ne3A_540, %ne3A_535 : i1
      %add3A_542 = arith.addi %rem3A_533, %select_n3A_532 : i32
      %select_n3A_543 = arith.select %and3A_541, %add3A_542, %rem3A_533 : i32
      %mul3A_544 = arith.constant 2 : i32
      %mul3A_545 = arith.muli %select_n3A_543, %mul3A_544 : i32
      %ge3A = arith.constant 2 : i32
      %ge3A_546 = arith.cmpi sge, %add3A_395, %ge3A : i32
      %convert_element_type3A_547 = arith.extui %ge3A_546 : i1 to i32
      %cond3A_548 = arith.constant 0 : i32
      %cond3A_549 = arith.cmpi ne, %convert_element_type3A_547, %cond3A_548 : i32
      scf.if %cond3A_549 {
        %dma_wait3A_779 = arith.constant 0 : i32
        %dma_wait3A_780 = arith.constant 0 : i32
        %dma_wait3A_781 = arith.constant 0 : i32
        %dma_wait3A_782 = arith.constant 0 : i32
        %dma_wait3A_783 = arith.constant 0 : i32
        %dma_wait3A_784 = arith.constant 0 : i32
        %dma_wait3A_785 = arith.constant 0 : i32
        %dma_wait3A_786 = tpu.memref_slice %arg14[%dma_wait3A_779, %dma_wait3A_780, %dma_wait3A_781, %dma_wait3A_782, %dma_wait3A_783, %dma_wait3A_784, %dma_wait3A_785] : memref<2x1x33x1x1x2x128xf32, #tpu.memory_space<vmem>> -> memref<1x1x33x1x1x2x128xf32, #tpu.memory_space<vmem>>
        %dma_wait3A_787 = tpu.memref_squeeze %dma_wait3A_786 : memref<1x1x33x1x1x2x128xf32, #tpu.memory_space<vmem>> -> memref<1x33x1x1x2x128xf32, #tpu.memory_space<vmem>>
        %dma_wait3A_788 = arith.constant 0 : i32
        %dma_wait3A_789 = arith.constant 0 : i32
        %dma_wait3A_790 = tpu.memref_slice %arg5[%select_n3A_447, %dma_wait3A_788, %select_n3A_487, %select_n3A_527, %mul3A_545, %dma_wait3A_789] : memref<4x33x64x4x8x128xf32, #tpu.memory_space<hbm>> -> memref<1x33x1x1x2x128xf32, #tpu.memory_space<hbm>>
        %dma_wait3A_791 = arith.constant 0 : i32
        %dma_wait3A_792 = arith.constant 0 : i32
        %dma_wait3A_793 = tpu.memref_slice %arg5[%select_n3A_447, %dma_wait3A_791, %select_n3A_487, %select_n3A_527, %mul3A_545, %dma_wait3A_792] : memref<4x33x64x4x8x128xf32, #tpu.memory_space<hbm>> -> memref<1x33x1x1x2x128xf32, #tpu.memory_space<hbm>>
        %dma_wait3A_794 = arith.constant 0 : i32
        %dma_wait3A_795 = arith.constant 0 : i32
        %dma_wait3A_796 = arith.constant 0 : i32
        %dma_wait3A_797 = arith.constant 0 : i32
        %dma_wait3A_798 = arith.constant 0 : i32
        %dma_wait3A_799 = arith.constant 0 : i32
        %dma_wait3A_800 = tpu.memref_slice %arg14[%dma_wait3A_779, %dma_wait3A_794, %dma_wait3A_795, %dma_wait3A_796, %dma_wait3A_797, %dma_wait3A_798, %dma_wait3A_799] : memref<2x1x33x1x1x2x128xf32, #tpu.memory_space<vmem>> -> memref<1x1x33x1x1x2x128xf32, #tpu.memory_space<vmem>>
        %dma_wait3A_801 = tpu.memref_squeeze %dma_wait3A_800 : memref<1x1x33x1x1x2x128xf32, #tpu.memory_space<vmem>> -> memref<1x33x1x1x2x128xf32, #tpu.memory_space<vmem>>
        tpu.wait_dma2 semaphore(%arg19 : memref<!tpu.dma_semaphore, #tpu.memory_space<semaphore_mem>>) src(%dma_wait3A_801 : memref<1x33x1x1x2x128xf32, #tpu.memory_space<vmem>>) dst(%dma_wait3A_793 : memref<1x33x1x1x2x128xf32, #tpu.memory_space<hbm>>)
      } else {
      }
      %broadcast_in_dim3A = arith.constant 0 : i32
      %broadcast_in_dim3A_550 = vector.broadcast %broadcast_in_dim3A : i32 to vector<16xi32>
      %iota3A = tpu.iota {dimensions = array<i32: 0>} : vector<16xi32>
      %mul3A_551 = arith.constant 80 : i32
      %mul3A_552 = vector.broadcast %mul3A_551 : i32 to vector<16xi32>
      %mul3A_553 = arith.muli %iota3A, %mul3A_552 : vector<16xi32>
      %scan3A_554 = arith.constant 0 : i32
      %scan3A_555 = arith.constant 0 : i32
      %scan3A_556 = arith.constant 16 : i32
      %scan3A_557 = arith.addi %scan3A_555, %scan3A_556 : i32
      %scan3A_558 = arith.constant 1 : i32
      scf.for %scan3A_779 = %scan3A_555 to %scan3A_557 step %scan3A_558  : i32 {
        %mul3A_780 = arith.constant 16 : i32
        %mul3A_781 = arith.muli %scan3A_779, %mul3A_780 : i32
        %multiple_of3A = tpu.assume_multiple %mul3A_781, 16 : i32
        %get3A = arith.constant 0 : i32
        %get3A_782 = arith.index_cast %get3A : i32 to index
        %get3A_783 = arith.index_cast %multiple_of3A : i32 to index
        %get3A_784 = tpu.vector_load %arg9[%get3A_782, %get3A_783] {strides = array<i32>} : memref<2x256xf32, #tpu.memory_space<vmem>>, vector<16xf32>,
        %get3A_785 = arith.constant 0 : i32
        %get3A_786 = arith.index_cast %get3A_785 : i32 to index
        %get3A_787 = arith.index_cast %multiple_of3A : i32 to index
        %get3A_788 = tpu.vector_load %arg10[%get3A_786, %get3A_787] {strides = array<i32>} : memref<2x256xf32, #tpu.memory_space<vmem>>, vector<16xf32>,
        %get3A_789 = arith.constant 0 : i32
        %get3A_790 = arith.index_cast %get3A_789 : i32 to index
        %get3A_791 = arith.index_cast %multiple_of3A : i32 to index
        %get3A_792 = tpu.vector_load %arg11[%get3A_790, %get3A_791] {strides = array<i32>} : memref<2x256xf32, #tpu.memory_space<vmem>>, vector<16xf32>,
        %get3A_793 = arith.constant 0 : i32
        %get3A_794 = arith.index_cast %get3A_793 : i32 to index
        %get3A_795 = arith.index_cast %multiple_of3A : i32 to index
        %get3A_796 = tpu.vector_load %arg12[%get3A_794, %get3A_795] {strides = array<i32>} : memref<2x256xf32, #tpu.memory_space<vmem>>, vector<16xf32>,
        %mul3A_797 = arith.constant 80 : i32
        %mul3A_798 = arith.muli %multiple_of3A, %mul3A_797 : i32
        %add3A_799 = arith.constant 0 : i32
        %add3A_800 = arith.addi %add3A_799, %mul3A_798 : i32
        %add3A_801 = vector.broadcast %add3A_800 : i32 to vector<16xi32>
        %add3A_802 = arith.addi %mul3A_553, %add3A_801 : vector<16xi32>
        %add3A_803 = arith.constant 20 : i32
        %add3A_804 = vector.broadcast %add3A_803 : i32 to vector<16xi32>
        %add3A_805 = arith.addi %add3A_802, %add3A_804 : vector<16xi32>
        %add3A_806 = arith.constant 40 : i32
        %add3A_807 = vector.broadcast %add3A_806 : i32 to vector<16xi32>
        %add3A_808 = arith.addi %add3A_802, %add3A_807 : vector<16xi32>
        %add3A_809 = arith.constant 60 : i32
        %add3A_810 = vector.broadcast %add3A_809 : i32 to vector<16xi32>
        %add3A_811 = arith.addi %add3A_802, %add3A_810 : vector<16xi32>
        %parallel_loop3A_812 = arith.constant 0 : i32
        %parallel_loop3A_813 = arith.constant 16 : i32
        %parallel_loop3A_814 = arith.constant 1 : i32
        %parallel_loop3A_815:4 = scf.for %parallel_loop3A_900 = %parallel_loop3A_812 to %parallel_loop3A_813 step %parallel_loop3A_814 iter_args(%parallel_loop3A_901 = %add3A_802, %parallel_loop3A_902 = %add3A_805, %parallel_loop3A_903 = %add3A_808, %parallel_loop3A_904 = %add3A_811) -> (vector<16xi32>, vector<16xi32>, vector<16xi32>, vector<16xi32>)  : i32 {
          %parallel_loop3A_905 = tpu.vector_load_idx %arg13[%broadcast_in_dim3A_550, %broadcast_in_dim3A_550, %parallel_loop3A_901] : memref<2x256x80xi32, #tpu.memory_space<vmem>>[vector<16xi32>, vector<16xi32>, vector<16xi32>], vector<16xi32>,
          %parallel_loop3A_906 = vector.bitcast %parallel_loop3A_905 : vector<16xi32> to vector<32xbf16>
          %parallel_loop3A_907 = tpu.unpack_subelements %parallel_loop3A_906, 0 {pack_format = #tpu.pack_format<interleaved>} : vector<32xbf16> -> vector<16xf32>
          %parallel_loop3A_908 = tpu.unpack_subelements %parallel_loop3A_906, 1 {pack_format = #tpu.pack_format<interleaved>} : vector<32xbf16> -> vector<16xf32>
          %parallel_loop3A_909 = tpu.vector_load_idx %arg13[%broadcast_in_dim3A_550, %broadcast_in_dim3A_550, %parallel_loop3A_902] : memref<2x256x80xi32, #tpu.memory_space<vmem>>[vector<16xi32>, vector<16xi32>, vector<16xi32>], vector<16xi32>,
          %parallel_loop3A_910 = vector.bitcast %parallel_loop3A_909 : vector<16xi32> to vector<32xbf16>
          %parallel_loop3A_911 = tpu.unpack_subelements %parallel_loop3A_910, 0 {pack_format = #tpu.pack_format<interleaved>} : vector<32xbf16> -> vector<16xf32>
          %parallel_loop3A_912 = tpu.unpack_subelements %parallel_loop3A_910, 1 {pack_format = #tpu.pack_format<interleaved>} : vector<32xbf16> -> vector<16xf32>
          %parallel_loop3A_913 = tpu.vector_load_idx %arg13[%broadcast_in_dim3A_550, %broadcast_in_dim3A_550, %parallel_loop3A_903] : memref<2x256x80xi32, #tpu.memory_space<vmem>>[vector<16xi32>, vector<16xi32>, vector<16xi32>], vector<16xi32>,
          %parallel_loop3A_914 = vector.bitcast %parallel_loop3A_913 : vector<16xi32> to vector<32xbf16>
          %parallel_loop3A_915 = tpu.unpack_subelements %parallel_loop3A_914, 0 {pack_format = #tpu.pack_format<interleaved>} : vector<32xbf16> -> vector<16xf32>
          %parallel_loop3A_916 = tpu.unpack_subelements %parallel_loop3A_914, 1 {pack_format = #tpu.pack_format<interleaved>} : vector<32xbf16> -> vector<16xf32>
          %parallel_loop3A_917 = tpu.vector_load_idx %arg13[%broadcast_in_dim3A_550, %broadcast_in_dim3A_550, %parallel_loop3A_904] : memref<2x256x80xi32, #tpu.memory_space<vmem>>[vector<16xi32>, vector<16xi32>, vector<16xi32>], vector<16xi32>,
          %parallel_loop3A_918 = vector.bitcast %parallel_loop3A_917 : vector<16xi32> to vector<32xbf16>
          %parallel_loop3A_919 = tpu.unpack_subelements %parallel_loop3A_918, 0 {pack_format = #tpu.pack_format<interleaved>} : vector<32xbf16> -> vector<16xf32>
          %parallel_loop3A_920 = tpu.unpack_subelements %parallel_loop3A_918, 1 {pack_format = #tpu.pack_format<interleaved>} : vector<32xbf16> -> vector<16xf32>
          %parallel_loop3A_921 = arith.mulf %get3A_784, %parallel_loop3A_907 : vector<16xf32>
          %parallel_loop3A_922 = arith.mulf %get3A_788, %parallel_loop3A_911 : vector<16xf32>
          %parallel_loop3A_923 = arith.addf %parallel_loop3A_921, %parallel_loop3A_922 : vector<16xf32>
          %parallel_loop3A_924 = arith.mulf %get3A_792, %parallel_loop3A_915 : vector<16xf32>
          %parallel_loop3A_925 = arith.mulf %get3A_796, %parallel_loop3A_919 : vector<16xf32>
          %parallel_loop3A_926 = arith.addf %parallel_loop3A_924, %parallel_loop3A_925 : vector<16xf32>
          %parallel_loop3A_927 = arith.addf %parallel_loop3A_923, %parallel_loop3A_926 : vector<16xf32>
          %parallel_loop3A_928 = arith.constant 2 : i32
          %parallel_loop3A_929 = arith.muli %parallel_loop3A_928, %parallel_loop3A_900 : i32
          %parallel_loop3A_930 = arith.constant 128 : i32
          %parallel_loop3A_931 = arith.divsi %multiple_of3A, %parallel_loop3A_930 : i32
          %parallel_loop3A_932 = arith.constant 0 : i32
          %parallel_loop3A_933 = arith.cmpi sgt, %multiple_of3A, %parallel_loop3A_932 : i32
          %parallel_loop3A_934 = arith.extui %parallel_loop3A_933 : i1 to i32
          %parallel_loop3A_935 = arith.constant 0 : i32
          %parallel_loop3A_936 = arith.cmpi slt, %multiple_of3A, %parallel_loop3A_935 : i32
          %parallel_loop3A_937 = arith.extui %parallel_loop3A_936 : i1 to i32
          %parallel_loop3A_938 = arith.subi %parallel_loop3A_934, %parallel_loop3A_937 : i32
          %parallel_loop3A_939 = arith.constant 0 : i32
          %parallel_loop3A_940 = arith.cmpi sgt, %parallel_loop3A_930, %parallel_loop3A_939 : i32
          %parallel_loop3A_941 = arith.extui %parallel_loop3A_940 : i1 to i32
          %parallel_loop3A_942 = arith.constant 0 : i32
          %parallel_loop3A_943 = arith.cmpi slt, %parallel_loop3A_930, %parallel_loop3A_942 : i32
          %parallel_loop3A_944 = arith.extui %parallel_loop3A_943 : i1 to i32
          %parallel_loop3A_945 = arith.subi %parallel_loop3A_941, %parallel_loop3A_944 : i32
          %parallel_loop3A_946 = arith.cmpi ne, %parallel_loop3A_938, %parallel_loop3A_945 : i32
          %parallel_loop3A_947 = arith.remsi %multiple_of3A, %parallel_loop3A_930 : i32
          %parallel_loop3A_948 = arith.constant 0 : i32
          %parallel_loop3A_949 = arith.cmpi ne, %parallel_loop3A_947, %parallel_loop3A_948 : i32
          %parallel_loop3A_950 = arith.andi %parallel_loop3A_946, %parallel_loop3A_949 : i1
          %parallel_loop3A_951 = arith.constant 1 : i32
          %parallel_loop3A_952 = arith.subi %parallel_loop3A_931, %parallel_loop3A_951 : i32
          %parallel_loop3A_953 = arith.select %parallel_loop3A_950, %parallel_loop3A_952, %parallel_loop3A_931 : i32
          %parallel_loop3A_954 = arith.constant 128 : i32
          %parallel_loop3A_955 = arith.constant 0 : i32
          %parallel_loop3A_956 = arith.cmpi eq, %parallel_loop3A_954, %parallel_loop3A_955 : i32
          %parallel_loop3A_957 = arith.constant 1 : i32
          %parallel_loop3A_958 = arith.select %parallel_loop3A_956, %parallel_loop3A_957, %parallel_loop3A_954 : i32
          %parallel_loop3A_959 = arith.remsi %multiple_of3A, %parallel_loop3A_958 : i32
          %parallel_loop3A_960 = arith.constant 0 : i32
          %parallel_loop3A_961 = arith.cmpi ne, %parallel_loop3A_959, %parallel_loop3A_960 : i32
          %parallel_loop3A_962 = arith.constant 0 : i32
          %parallel_loop3A_963 = arith.cmpi slt, %parallel_loop3A_959, %parallel_loop3A_962 : i32
          %parallel_loop3A_964 = arith.constant 0 : i32
          %parallel_loop3A_965 = arith.cmpi slt, %parallel_loop3A_958, %parallel_loop3A_964 : i32
          %parallel_loop3A_966 = arith.xori %parallel_loop3A_963, %parallel_loop3A_965 : i1
          %parallel_loop3A_967 = arith.andi %parallel_loop3A_966, %parallel_loop3A_961 : i1
          %parallel_loop3A_968 = arith.addi %parallel_loop3A_959, %parallel_loop3A_958 : i32
          %parallel_loop3A_969 = arith.select %parallel_loop3A_967, %parallel_loop3A_968, %parallel_loop3A_959 : i32
          %parallel_loop3A_970 = arith.constant 0 : i32
          %parallel_loop3A_971 = arith.constant 0 : i32
          %parallel_loop3A_972 = arith.constant 0 : i32
          %parallel_loop3A_973 = arith.constant 0 : i32
          %parallel_loop3A_974 = arith.index_cast %parallel_loop3A_970 : i32 to index
          %parallel_loop3A_975 = arith.index_cast %parallel_loop3A_971 : i32 to index
          %parallel_loop3A_976 = arith.index_cast %parallel_loop3A_929 : i32 to index
          %parallel_loop3A_977 = arith.index_cast %parallel_loop3A_972 : i32 to index
          %parallel_loop3A_978 = arith.index_cast %parallel_loop3A_973 : i32 to index
          %parallel_loop3A_979 = arith.index_cast %parallel_loop3A_953 : i32 to index
          %parallel_loop3A_980 = arith.index_cast %parallel_loop3A_969 : i32 to index
          %parallel_loop3A_981 = tpu.vector_load %arg14[%parallel_loop3A_974, %parallel_loop3A_975, %parallel_loop3A_976, %parallel_loop3A_977, %parallel_loop3A_978, %parallel_loop3A_979, %parallel_loop3A_980] {strides = array<i32>} : memref<2x1x33x1x1x2x128xf32, #tpu.memory_space<vmem>>, vector<16xf32>,
          tpu.vector_store %arg14[%parallel_loop3A_974, %parallel_loop3A_975, %parallel_loop3A_976, %parallel_loop3A_977, %parallel_loop3A_978, %parallel_loop3A_979, %parallel_loop3A_980], %parallel_loop3A_927 {strides = array<i32>} : memref<2x1x33x1x1x2x128xf32, #tpu.memory_space<vmem>>, vector<16xf32>,
          %parallel_loop3A_982 = arith.mulf %get3A_784, %parallel_loop3A_908 : vector<16xf32>
          %parallel_loop3A_983 = arith.mulf %get3A_788, %parallel_loop3A_912 : vector<16xf32>
          %parallel_loop3A_984 = arith.addf %parallel_loop3A_982, %parallel_loop3A_983 : vector<16xf32>
          %parallel_loop3A_985 = arith.mulf %get3A_792, %parallel_loop3A_916 : vector<16xf32>
          %parallel_loop3A_986 = arith.mulf %get3A_796, %parallel_loop3A_920 : vector<16xf32>
          %parallel_loop3A_987 = arith.addf %parallel_loop3A_985, %parallel_loop3A_986 : vector<16xf32>
          %parallel_loop3A_988 = arith.addf %parallel_loop3A_984, %parallel_loop3A_987 : vector<16xf32>
          %parallel_loop3A_989 = arith.constant 2 : i32
          %parallel_loop3A_990 = arith.muli %parallel_loop3A_989, %parallel_loop3A_900 : i32
          %parallel_loop3A_991 = arith.constant 1 : i32
          %parallel_loop3A_992 = arith.addi %parallel_loop3A_990, %parallel_loop3A_991 : i32
          %parallel_loop3A_993 = arith.constant 128 : i32
          %parallel_loop3A_994 = arith.divsi %multiple_of3A, %parallel_loop3A_993 : i32
          %parallel_loop3A_995 = arith.constant 0 : i32
          %parallel_loop3A_996 = arith.cmpi sgt, %multiple_of3A, %parallel_loop3A_995 : i32
          %parallel_loop3A_997 = arith.extui %parallel_loop3A_996 : i1 to i32
          %parallel_loop3A_998 = arith.constant 0 : i32
          %parallel_loop3A_999 = arith.cmpi slt, %multiple_of3A, %parallel_loop3A_998 : i32
          %parallel_loop3A_1000 = arith.extui %parallel_loop3A_999 : i1 to i32
          %parallel_loop3A_1001 = arith.subi %parallel_loop3A_997, %parallel_loop3A_1000 : i32
          %parallel_loop3A_1002 = arith.constant 0 : i32
          %parallel_loop3A_1003 = arith.cmpi sgt, %parallel_loop3A_993, %parallel_loop3A_1002 : i32
          %parallel_loop3A_1004 = arith.extui %parallel_loop3A_1003 : i1 to i32
          %parallel_loop3A_1005 = arith.constant 0 : i32
          %parallel_loop3A_1006 = arith.cmpi slt, %parallel_loop3A_993, %parallel_loop3A_1005 : i32
          %parallel_loop3A_1007 = arith.extui %parallel_loop3A_1006 : i1 to i32
          %parallel_loop3A_1008 = arith.subi %parallel_loop3A_1004, %parallel_loop3A_1007 : i32
          %parallel_loop3A_1009 = arith.cmpi ne, %parallel_loop3A_1001, %parallel_loop3A_1008 : i32
          %parallel_loop3A_1010 = arith.remsi %multiple_of3A, %parallel_loop3A_993 : i32
          %parallel_loop3A_1011 = arith.constant 0 : i32
          %parallel_loop3A_1012 = arith.cmpi ne, %parallel_loop3A_1010, %parallel_loop3A_1011 : i32
          %parallel_loop3A_1013 = arith.andi %parallel_loop3A_1009, %parallel_loop3A_1012 : i1
          %parallel_loop3A_1014 = arith.constant 1 : i32
          %parallel_loop3A_1015 = arith.subi %parallel_loop3A_994, %parallel_loop3A_1014 : i32
          %parallel_loop3A_1016 = arith.select %parallel_loop3A_1013, %parallel_loop3A_1015, %parallel_loop3A_994 : i32
          %parallel_loop3A_1017 = arith.constant 128 : i32
          %parallel_loop3A_1018 = arith.constant 0 : i32
          %parallel_loop3A_1019 = arith.cmpi eq, %parallel_loop3A_1017, %parallel_loop3A_1018 : i32
          %parallel_loop3A_1020 = arith.constant 1 : i32
          %parallel_loop3A_1021 = arith.select %parallel_loop3A_1019, %parallel_loop3A_1020, %parallel_loop3A_1017 : i32
          %parallel_loop3A_1022 = arith.remsi %multiple_of3A, %parallel_loop3A_1021 : i32
          %parallel_loop3A_1023 = arith.constant 0 : i32
          %parallel_loop3A_1024 = arith.cmpi ne, %parallel_loop3A_1022, %parallel_loop3A_1023 : i32
          %parallel_loop3A_1025 = arith.constant 0 : i32
          %parallel_loop3A_1026 = arith.cmpi slt, %parallel_loop3A_1022, %parallel_loop3A_1025 : i32
          %parallel_loop3A_1027 = arith.constant 0 : i32
          %parallel_loop3A_1028 = arith.cmpi slt, %parallel_loop3A_1021, %parallel_loop3A_1027 : i32
          %parallel_loop3A_1029 = arith.xori %parallel_loop3A_1026, %parallel_loop3A_1028 : i1
          %parallel_loop3A_1030 = arith.andi %parallel_loop3A_1029, %parallel_loop3A_1024 : i1
          %parallel_loop3A_1031 = arith.addi %parallel_loop3A_1022, %parallel_loop3A_1021 : i32
          %parallel_loop3A_1032 = arith.select %parallel_loop3A_1030, %parallel_loop3A_1031, %parallel_loop3A_1022 : i32
          %parallel_loop3A_1033 = arith.constant 0 : i32
          %parallel_loop3A_1034 = arith.constant 0 : i32
          %parallel_loop3A_1035 = arith.constant 0 : i32
          %parallel_loop3A_1036 = arith.constant 0 : i32
          %parallel_loop3A_1037 = arith.index_cast %parallel_loop3A_1033 : i32 to index
          %parallel_loop3A_1038 = arith.index_cast %parallel_loop3A_1034 : i32 to index
          %parallel_loop3A_1039 = arith.index_cast %parallel_loop3A_992 : i32 to index
          %parallel_loop3A_1040 = arith.index_cast %parallel_loop3A_1035 : i32 to index
          %parallel_loop3A_1041 = arith.index_cast %parallel_loop3A_1036 : i32 to index
          %parallel_loop3A_1042 = arith.index_cast %parallel_loop3A_1016 : i32 to index
          %parallel_loop3A_1043 = arith.index_cast %parallel_loop3A_1032 : i32 to index
          %parallel_loop3A_1044 = tpu.vector_load %arg14[%parallel_loop3A_1037, %parallel_loop3A_1038, %parallel_loop3A_1039, %parallel_loop3A_1040, %parallel_loop3A_1041, %parallel_loop3A_1042, %parallel_loop3A_1043] {strides = array<i32>} : memref<2x1x33x1x1x2x128xf32, #tpu.memory_space<vmem>>, vector<16xf32>,
          tpu.vector_store %arg14[%parallel_loop3A_1037, %parallel_loop3A_1038, %parallel_loop3A_1039, %parallel_loop3A_1040, %parallel_loop3A_1041, %parallel_loop3A_1042, %parallel_loop3A_1043], %parallel_loop3A_988 {strides = array<i32>} : memref<2x1x33x1x1x2x128xf32, #tpu.memory_space<vmem>>, vector<16xf32>,
          %parallel_loop3A_1045 = arith.constant 1 : i32
          %parallel_loop3A_1046 = vector.broadcast %parallel_loop3A_1045 : i32 to vector<16xi32>
          %parallel_loop3A_1047 = arith.addi %parallel_loop3A_901, %parallel_loop3A_1046 : vector<16xi32>
          %parallel_loop3A_1048 = arith.constant 1 : i32
          %parallel_loop3A_1049 = vector.broadcast %parallel_loop3A_1048 : i32 to vector<16xi32>
          %parallel_loop3A_1050 = arith.addi %parallel_loop3A_902, %parallel_loop3A_1049 : vector<16xi32>
          %parallel_loop3A_1051 = arith.constant 1 : i32
          %parallel_loop3A_1052 = vector.broadcast %parallel_loop3A_1051 : i32 to vector<16xi32>
          %parallel_loop3A_1053 = arith.addi %parallel_loop3A_903, %parallel_loop3A_1052 : vector<16xi32>
          %parallel_loop3A_1054 = arith.constant 1 : i32
          %parallel_loop3A_1055 = vector.broadcast %parallel_loop3A_1054 : i32 to vector<16xi32>
          %parallel_loop3A_1056 = arith.addi %parallel_loop3A_904, %parallel_loop3A_1055 : vector<16xi32>
          scf.yield %parallel_loop3A_1047, %parallel_loop3A_1050, %parallel_loop3A_1053, %parallel_loop3A_1056 : vector<16xi32>, vector<16xi32>, vector<16xi32>, vector<16xi32>
        } {sc.loop_unroll_factor = 4 : i64, sc.parallel_access}
        %gather3A = tpu.vector_load_idx %arg13[%broadcast_in_dim3A_550, %broadcast_in_dim3A_550, %parallel_loop3A_815#0] : memref<2x256x80xi32, #tpu.memory_space<vmem>>[vector<16xi32>, vector<16xi32>, vector<16xi32>], vector<16xi32>,
        %bitcast3A = vector.bitcast %gather3A : vector<16xi32> to vector<32xbf16>
        %unpack3A = tpu.unpack_subelements %bitcast3A, 0 {pack_format = #tpu.pack_format<interleaved>} : vector<32xbf16> -> vector<16xf32>
        %unpack3A_816 = tpu.unpack_subelements %bitcast3A, 1 {pack_format = #tpu.pack_format<interleaved>} : vector<32xbf16> -> vector<16xf32>
        %gather3A_817 = tpu.vector_load_idx %arg13[%broadcast_in_dim3A_550, %broadcast_in_dim3A_550, %parallel_loop3A_815#1] : memref<2x256x80xi32, #tpu.memory_space<vmem>>[vector<16xi32>, vector<16xi32>, vector<16xi32>], vector<16xi32>,
        %bitcast3A_818 = vector.bitcast %gather3A_817 : vector<16xi32> to vector<32xbf16>
        %unpack3A_819 = tpu.unpack_subelements %bitcast3A_818, 0 {pack_format = #tpu.pack_format<interleaved>} : vector<32xbf16> -> vector<16xf32>
        %unpack3A_820 = tpu.unpack_subelements %bitcast3A_818, 1 {pack_format = #tpu.pack_format<interleaved>} : vector<32xbf16> -> vector<16xf32>
        %gather3A_821 = tpu.vector_load_idx %arg13[%broadcast_in_dim3A_550, %broadcast_in_dim3A_550, %parallel_loop3A_815#2] : memref<2x256x80xi32, #tpu.memory_space<vmem>>[vector<16xi32>, vector<16xi32>, vector<16xi32>], vector<16xi32>,
        %bitcast3A_822 = vector.bitcast %gather3A_821 : vector<16xi32> to vector<32xbf16>
        %unpack3A_823 = tpu.unpack_subelements %bitcast3A_822, 0 {pack_format = #tpu.pack_format<interleaved>} : vector<32xbf16> -> vector<16xf32>
        %unpack3A_824 = tpu.unpack_subelements %bitcast3A_822, 1 {pack_format = #tpu.pack_format<interleaved>} : vector<32xbf16> -> vector<16xf32>
        %gather3A_825 = tpu.vector_load_idx %arg13[%broadcast_in_dim3A_550, %broadcast_in_dim3A_550, %parallel_loop3A_815#3] : memref<2x256x80xi32, #tpu.memory_space<vmem>>[vector<16xi32>, vector<16xi32>, vector<16xi32>], vector<16xi32>,
        %bitcast3A_826 = vector.bitcast %gather3A_825 : vector<16xi32> to vector<32xbf16>
        %unpack3A_827 = tpu.unpack_subelements %bitcast3A_826, 0 {pack_format = #tpu.pack_format<interleaved>} : vector<32xbf16> -> vector<16xf32>
        %unpack3A_828 = tpu.unpack_subelements %bitcast3A_826, 1 {pack_format = #tpu.pack_format<interleaved>} : vector<32xbf16> -> vector<16xf32>
        %mul3A_829 = arith.mulf %get3A_784, %unpack3A : vector<16xf32>
        %mul3A_830 = arith.mulf %get3A_788, %unpack3A_819 : vector<16xf32>
        %add3A_831 = arith.addf %mul3A_829, %mul3A_830 : vector<16xf32>
        %mul3A_832 = arith.mulf %get3A_792, %unpack3A_823 : vector<16xf32>
        %mul3A_833 = arith.mulf %get3A_796, %unpack3A_827 : vector<16xf32>
        %add3A_834 = arith.addf %mul3A_832, %mul3A_833 : vector<16xf32>
        %add3A_835 = arith.addf %add3A_831, %add3A_834 : vector<16xf32>
        %jit3A_836 = arith.constant 128 : i32
        %div3A_837 = arith.divsi %multiple_of3A, %jit3A_836 : i32
        %sign3A_838 = arith.constant 0 : i32
        %sign3A_839 = arith.cmpi sgt, %multiple_of3A, %sign3A_838 : i32
        %sign3A_840 = arith.extui %sign3A_839 : i1 to i32
        %sign3A_841 = arith.constant 0 : i32
        %sign3A_842 = arith.cmpi slt, %multiple_of3A, %sign3A_841 : i32
        %sign3A_843 = arith.extui %sign3A_842 : i1 to i32
        %sign3A_844 = arith.subi %sign3A_840, %sign3A_843 : i32
        %sign3A_845 = arith.constant 0 : i32
        %sign3A_846 = arith.cmpi sgt, %jit3A_836, %sign3A_845 : i32
        %sign3A_847 = arith.extui %sign3A_846 : i1 to i32
        %sign3A_848 = arith.constant 0 : i32
        %sign3A_849 = arith.cmpi slt, %jit3A_836, %sign3A_848 : i32
        %sign3A_850 = arith.extui %sign3A_849 : i1 to i32
        %sign3A_851 = arith.subi %sign3A_847, %sign3A_850 : i32
        %ne3A_852 = arith.cmpi ne, %sign3A_844, %sign3A_851 : i32
        %rem3A_853 = arith.remsi %multiple_of3A, %jit3A_836 : i32
        %ne3A_854 = arith.constant 0 : i32
        %ne3A_855 = arith.cmpi ne, %rem3A_853, %ne3A_854 : i32
        %and3A_856 = arith.andi %ne3A_852, %ne3A_855 : i1
        %sub3A_857 = arith.constant 1 : i32
        %sub3A_858 = arith.subi %div3A_837, %sub3A_857 : i32
        %select_n3A_859 = arith.select %and3A_856, %sub3A_858, %div3A_837 : i32
        %jit3A_860 = arith.constant 128 : i32
        %eq3A_861 = arith.constant 0 : i32
        %eq3A_862 = arith.cmpi eq, %jit3A_860, %eq3A_861 : i32
        %jit3A_863 = arith.constant 1 : i32
        %select_n3A_864 = arith.select %eq3A_862, %jit3A_863, %jit3A_860 : i32
        %rem3A_865 = arith.remsi %multiple_of3A, %select_n3A_864 : i32
        %ne3A_866 = arith.constant 0 : i32
        %ne3A_867 = arith.cmpi ne, %rem3A_865, %ne3A_866 : i32
        %lt3A_868 = arith.constant 0 : i32
        %lt3A_869 = arith.cmpi slt, %rem3A_865, %lt3A_868 : i32
        %lt3A_870 = arith.constant 0 : i32
        %lt3A_871 = arith.cmpi slt, %select_n3A_864, %lt3A_870 : i32
        %ne3A_872 = arith.xori %lt3A_869, %lt3A_871 : i1
        %and3A_873 = arith.andi %ne3A_872, %ne3A_867 : i1
        %add3A_874 = arith.addi %rem3A_865, %select_n3A_864 : i32
        %select_n3A_875 = arith.select %and3A_873, %add3A_874, %rem3A_865 : i32
        %swap3A = arith.constant 0 : i32
        %swap3A_876 = arith.constant 0 : i32
        %swap3A_877 = arith.constant 32 : i32
        %swap3A_878 = arith.constant 0 : i32
        %swap3A_879 = arith.constant 0 : i32
        %swap3A_880 = arith.index_cast %swap3A : i32 to index
        %swap3A_881 = arith.index_cast %swap3A_876 : i32 to index
        %swap3A_882 = arith.index_cast %swap3A_877 : i32 to index
        %swap3A_883 = arith.index_cast %swap3A_878 : i32 to index
        %swap3A_884 = arith.index_cast %swap3A_879 : i32 to index
        %swap3A_885 = arith.index_cast %select_n3A_859 : i32 to index
        %swap3A_886 = arith.index_cast %select_n3A_875 : i32 to index
        %swap3A_887 = tpu.vector_load %arg14[%swap3A_880, %swap3A_881, %swap3A_882, %swap3A_883, %swap3A_884, %swap3A_885, %swap3A_886] {strides = array<i32>} : memref<2x1x33x1x1x2x128xf32, #tpu.memory_space<vmem>>, vector<16xf32>,
        tpu.vector_store %arg14[%swap3A_880, %swap3A_881, %swap3A_882, %swap3A_883, %swap3A_884, %swap3A_885, %swap3A_886], %add3A_835 {strides = array<i32>} : memref<2x1x33x1x1x2x128xf32, #tpu.memory_space<vmem>>, vector<16xf32>,
        %add3A_888 = arith.constant 1 : i32
        %add3A_889 = vector.broadcast %add3A_888 : i32 to vector<16xi32>
        %add3A_890 = arith.addi %parallel_loop3A_815#0, %add3A_889 : vector<16xi32>
        %add3A_891 = arith.constant 1 : i32
        %add3A_892 = vector.broadcast %add3A_891 : i32 to vector<16xi32>
        %add3A_893 = arith.addi %parallel_loop3A_815#1, %add3A_892 : vector<16xi32>
        %add3A_894 = arith.constant 1 : i32
        %add3A_895 = vector.broadcast %add3A_894 : i32 to vector<16xi32>
        %add3A_896 = arith.addi %parallel_loop3A_815#2, %add3A_895 : vector<16xi32>
        %add3A_897 = arith.constant 1 : i32
        %add3A_898 = vector.broadcast %add3A_897 : i32 to vector<16xi32>
        %add3A_899 = arith.addi %parallel_loop3A_815#3, %add3A_898 : vector<16xi32>
      }
      %scan3A_559 = arith.constant 16 : i32
      %dma_start3A_560 = arith.constant 0 : i32
      %dma_start3A_561 = arith.constant 0 : i32
      %dma_start3A_562 = arith.constant 0 : i32
      %dma_start3A_563 = arith.constant 0 : i32
      %dma_start3A_564 = arith.constant 0 : i32
      %dma_start3A_565 = arith.constant 0 : i32
      %dma_start3A_566 = arith.constant 0 : i32
      %dma_start3A_567 = tpu.memref_slice %arg14[%dma_start3A_560, %dma_start3A_561, %dma_start3A_562, %dma_start3A_563, %dma_start3A_564, %dma_start3A_565, %dma_start3A_566] : memref<2x1x33x1x1x2x128xf32, #tpu.memory_space<vmem>> -> memref<1x1x33x1x1x2x128xf32, #tpu.memory_space<vmem>>
      %dma_start3A_568 = tpu.memref_squeeze %dma_start3A_567 : memref<1x1x33x1x1x2x128xf32, #tpu.memory_space<vmem>> -> memref<1x33x1x1x2x128xf32, #tpu.memory_space<vmem>>
      %dma_start3A_569 = arith.constant 0 : i32
      %dma_start3A_570 = arith.constant 0 : i32
      %dma_start3A_571 = tpu.memref_slice %arg5[%select_n3A_447, %dma_start3A_569, %select_n3A_487, %select_n3A_527, %mul3A_545, %dma_start3A_570] : memref<4x33x64x4x8x128xf32, #tpu.memory_space<hbm>> -> memref<1x33x1x1x2x128xf32, #tpu.memory_space<hbm>>
      %dma_start3A_572 = arith.constant 0 : i32
      %dma_start3A_573 = arith.constant 0 : i32
      %dma_start3A_574 = tpu.memref_slice %arg5[%select_n3A_447, %dma_start3A_572, %select_n3A_487, %select_n3A_527, %mul3A_545, %dma_start3A_573] : memref<4x33x64x4x8x128xf32, #tpu.memory_space<hbm>> -> memref<1x33x1x1x2x128xf32, #tpu.memory_space<hbm>>
      %dma_start3A_575 = arith.constant 0 : i32
      %dma_start3A_576 = arith.constant 0 : i32
      %dma_start3A_577 = arith.constant 0 : i32
      %dma_start3A_578 = arith.constant 0 : i32
      %dma_start3A_579 = arith.constant 0 : i32
      %dma_start3A_580 = arith.constant 0 : i32
      %dma_start3A_581 = tpu.memref_slice %arg14[%dma_start3A_560, %dma_start3A_575, %dma_start3A_576, %dma_start3A_577, %dma_start3A_578, %dma_start3A_579, %dma_start3A_580] : memref<2x1x33x1x1x2x128xf32, #tpu.memory_space<vmem>> -> memref<1x1x33x1x1x2x128xf32, #tpu.memory_space<vmem>>
      %dma_start3A_582 = tpu.memref_squeeze %dma_start3A_581 : memref<1x1x33x1x1x2x128xf32, #tpu.memory_space<vmem>> -> memref<1x33x1x1x2x128xf32, #tpu.memory_space<vmem>>
      tpu.enqueue_dma source(%dma_start3A_582 : memref<1x33x1x1x2x128xf32, #tpu.memory_space<vmem>>) target(%dma_start3A_574 : memref<1x33x1x1x2x128xf32, #tpu.memory_space<hbm>>) target_semaphore(%arg19 : memref<!tpu.dma_semaphore, #tpu.memory_space<semaphore_mem>>)
      %mul3A_583 = arith.constant 2 : i32
      %mul3A_584 = arith.muli %mul3A_583, %scan3A_391 : i32
      %add3A_585 = arith.constant 1 : i32
      %add3A_586 = arith.addi %mul3A_584, %add3A_585 : i32
      %add3A_587 = arith.addi %mul3A_2, %add3A_586 : i32
      %add3A_588 = arith.constant 1 : i32
      %add3A_589 = arith.addi %add3A_586, %add3A_588 : i32
      %lt3A_590 = arith.constant 128 : i32
      %lt3A_591 = arith.cmpi slt, %add3A_589, %lt3A_590 : i32
      %convert_element_type3A_592 = arith.extui %lt3A_591 : i1 to i32
      %cond3A_593 = arith.constant 0 : i32
      %cond3A_594 = arith.cmpi ne, %convert_element_type3A_592, %cond3A_593 : i32
      scf.if %cond3A_594 {
        %add3A_779 = arith.constant 1 : i32
        %add3A_780 = arith.addi %add3A_587, %add3A_779 : i32
        %mul3A_781 = arith.constant 256 : i32
        %mul3A_782 = arith.muli %add3A_780, %mul3A_781 : i32
        %dma_wait3A_783 = arith.constant 0 : i32
        %dma_wait3A_784 = arith.constant 0 : i32
        %dma_wait3A_785 = tpu.memref_slice %arg6[%dma_wait3A_783, %dma_wait3A_784] : memref<2x256xf32, #tpu.memory_space<vmem>> -> memref<1x256xf32, #tpu.memory_space<vmem>>
        %dma_wait3A_786 = tpu.memref_squeeze %dma_wait3A_785 : memref<1x256xf32, #tpu.memory_space<vmem>> -> memref<256xf32, #tpu.memory_space<vmem>>
        %dma_wait3A_787 = tpu.memref_slice %arg3[%mul3A_782] : memref<1048576xf32, #tpu.memory_space<hbm>> -> memref<256xf32, #tpu.memory_space<hbm>>
        %dma_wait3A_788 = arith.constant 0 : i32
        %dma_wait3A_789 = tpu.memref_slice %arg6[%dma_wait3A_783, %dma_wait3A_788] : memref<2x256xf32, #tpu.memory_space<vmem>> -> memref<1x256xf32, #tpu.memory_space<vmem>>
        %dma_wait3A_790 = tpu.memref_squeeze %dma_wait3A_789 : memref<1x256xf32, #tpu.memory_space<vmem>> -> memref<256xf32, #tpu.memory_space<vmem>>
        %dma_wait3A_791 = tpu.memref_slice %arg3[%mul3A_782] : memref<1048576xf32, #tpu.memory_space<hbm>> -> memref<256xf32, #tpu.memory_space<hbm>>
        tpu.wait_dma2 semaphore(%arg15 : memref<!tpu.dma_semaphore, #tpu.memory_space<semaphore_mem>>) src(%dma_wait3A_791 : memref<256xf32, #tpu.memory_space<hbm>>) dst(%dma_wait3A_790 : memref<256xf32, #tpu.memory_space<vmem>>)
        %dma_wait3A_792 = arith.constant 0 : i32
        %dma_wait3A_793 = arith.constant 0 : i32
        %dma_wait3A_794 = tpu.memref_slice %arg7[%dma_wait3A_792, %dma_wait3A_793] : memref<2x256xf32, #tpu.memory_space<vmem>> -> memref<1x256xf32, #tpu.memory_space<vmem>>
        %dma_wait3A_795 = tpu.memref_squeeze %dma_wait3A_794 : memref<1x256xf32, #tpu.memory_space<vmem>> -> memref<256xf32, #tpu.memory_space<vmem>>
        %dma_wait3A_796 = tpu.memref_slice %arg4[%mul3A_782] : memref<1048576xf32, #tpu.memory_space<hbm>> -> memref<256xf32, #tpu.memory_space<hbm>>
        %dma_wait3A_797 = arith.constant 0 : i32
        %dma_wait3A_798 = tpu.memref_slice %arg7[%dma_wait3A_792, %dma_wait3A_797] : memref<2x256xf32, #tpu.memory_space<vmem>> -> memref<1x256xf32, #tpu.memory_space<vmem>>
        %dma_wait3A_799 = tpu.memref_squeeze %dma_wait3A_798 : memref<1x256xf32, #tpu.memory_space<vmem>> -> memref<256xf32, #tpu.memory_space<vmem>>
        %dma_wait3A_800 = tpu.memref_slice %arg4[%mul3A_782] : memref<1048576xf32, #tpu.memory_space<hbm>> -> memref<256xf32, #tpu.memory_space<hbm>>
        tpu.wait_dma2 semaphore(%arg15 : memref<!tpu.dma_semaphore, #tpu.memory_space<semaphore_mem>>) src(%dma_wait3A_800 : memref<256xf32, #tpu.memory_space<hbm>>) dst(%dma_wait3A_799 : memref<256xf32, #tpu.memory_space<vmem>>)
        %parallel_loop3A_801 = arith.constant 0 : i32
        %parallel_loop3A_802 = arith.constant 8 : i32
        %parallel_loop3A_803 = arith.constant 1 : i32
        scf.for %parallel_loop3A_833 = %parallel_loop3A_801 to %parallel_loop3A_802 step %parallel_loop3A_803  : i32 {
          %parallel_loop3A_834 = arith.constant 16 : i32
          %parallel_loop3A_835 = arith.muli %parallel_loop3A_833, %parallel_loop3A_834 : i32
          %parallel_loop3A_836 = arith.constant 0 : i32
          %parallel_loop3A_837 = arith.addi %parallel_loop3A_836, %parallel_loop3A_835 : i32
          %parallel_loop3A_838 = tpu.assume_multiple %parallel_loop3A_837, 16 : i32
          %parallel_loop3A_839 = arith.constant 0 : i32
          %parallel_loop3A_840 = arith.index_cast %parallel_loop3A_839 : i32 to index
          %parallel_loop3A_841 = arith.index_cast %parallel_loop3A_838 : i32 to index
          %parallel_loop3A_842 = tpu.vector_load %arg7[%parallel_loop3A_840, %parallel_loop3A_841] {strides = array<i32>} : memref<2x256xf32, #tpu.memory_space<vmem>>, vector<16xf32>,
          %parallel_loop3A_843 = arith.constant 0 : i32
          %parallel_loop3A_844 = arith.index_cast %parallel_loop3A_843 : i32 to index
          %parallel_loop3A_845 = arith.index_cast %parallel_loop3A_838 : i32 to index
          %parallel_loop3A_846 = tpu.vector_load %arg6[%parallel_loop3A_844, %parallel_loop3A_845] {strides = array<i32>} : memref<2x256xf32, #tpu.memory_space<vmem>>, vector<16xf32>,
          %parallel_loop3A_847 = arith.constant 1.280000e+02 : f32
          %parallel_loop3A_848 = vector.broadcast %parallel_loop3A_847 : f32 to vector<16xf32>
          %parallel_loop3A_849 = arith.mulf %parallel_loop3A_842, %parallel_loop3A_848 : vector<16xf32>
          %parallel_loop3A_850 = arith.constant 1.275000e+02 : f32
          %parallel_loop3A_851 = vector.broadcast %parallel_loop3A_850 : f32 to vector<16xf32>
          %parallel_loop3A_852 = arith.addf %parallel_loop3A_849, %parallel_loop3A_851 : vector<16xf32>
          %parallel_loop3A_853 = arith.constant 0.000000e+00 : f32
          %parallel_loop3A_854 = arith.constant 2.550000e+02 : f32
          %parallel_loop3A_855 = vector.broadcast %parallel_loop3A_853 : f32 to vector<16xf32>
          %parallel_loop3A_856 = arith.maximumf %parallel_loop3A_855, %parallel_loop3A_852 : vector<16xf32>
          %parallel_loop3A_857 = vector.broadcast %parallel_loop3A_854 : f32 to vector<16xf32>
          %parallel_loop3A_858 = arith.minimumf %parallel_loop3A_857, %parallel_loop3A_856 : vector<16xf32>
          %parallel_loop3A_859 = arith.constant 1.280000e+02 : f32
          %parallel_loop3A_860 = vector.broadcast %parallel_loop3A_859 : f32 to vector<16xf32>
          %parallel_loop3A_861 = arith.mulf %parallel_loop3A_846, %parallel_loop3A_860 : vector<16xf32>
          %parallel_loop3A_862 = arith.constant 1.275000e+02 : f32
          %parallel_loop3A_863 = vector.broadcast %parallel_loop3A_862 : f32 to vector<16xf32>
          %parallel_loop3A_864 = arith.addf %parallel_loop3A_861, %parallel_loop3A_863 : vector<16xf32>
          %parallel_loop3A_865 = arith.constant 0.000000e+00 : f32
          %parallel_loop3A_866 = arith.constant 2.550000e+02 : f32
          %parallel_loop3A_867 = vector.broadcast %parallel_loop3A_865 : f32 to vector<16xf32>
          %parallel_loop3A_868 = arith.maximumf %parallel_loop3A_867, %parallel_loop3A_864 : vector<16xf32>
          %parallel_loop3A_869 = vector.broadcast %parallel_loop3A_866 : f32 to vector<16xf32>
          %parallel_loop3A_870 = arith.minimumf %parallel_loop3A_869, %parallel_loop3A_868 : vector<16xf32>
          %parallel_loop3A_871 = arith.fptosi %parallel_loop3A_858 : vector<16xf32> to vector<16xi32>
          %parallel_loop3A_872 = arith.constant 254 : i32
          %parallel_loop3A_873 = vector.broadcast %parallel_loop3A_872 : i32 to vector<16xi32>
          %parallel_loop3A_874 = arith.minsi %parallel_loop3A_871, %parallel_loop3A_873 : vector<16xi32>
          %parallel_loop3A_875 = arith.fptosi %parallel_loop3A_870 : vector<16xf32> to vector<16xi32>
          %parallel_loop3A_876 = arith.constant 254 : i32
          %parallel_loop3A_877 = vector.broadcast %parallel_loop3A_876 : i32 to vector<16xi32>
          %parallel_loop3A_878 = arith.minsi %parallel_loop3A_875, %parallel_loop3A_877 : vector<16xi32>
          %parallel_loop3A_879 = arith.sitofp %parallel_loop3A_874 : vector<16xi32> to vector<16xf32>
          %parallel_loop3A_880 = arith.subf %parallel_loop3A_858, %parallel_loop3A_879 : vector<16xf32>
          %parallel_loop3A_881 = arith.sitofp %parallel_loop3A_878 : vector<16xi32> to vector<16xf32>
          %parallel_loop3A_882 = arith.subf %parallel_loop3A_870, %parallel_loop3A_881 : vector<16xf32>
          %parallel_loop3A_883 = arith.constant 1.000000e+00 : f32
          %parallel_loop3A_884 = vector.broadcast %parallel_loop3A_883 : f32 to vector<16xf32>
          %parallel_loop3A_885 = arith.subf %parallel_loop3A_884, %parallel_loop3A_880 : vector<16xf32>
          %parallel_loop3A_886 = arith.constant 1.000000e+00 : f32
          %parallel_loop3A_887 = vector.broadcast %parallel_loop3A_886 : f32 to vector<16xf32>
          %parallel_loop3A_888 = arith.subf %parallel_loop3A_887, %parallel_loop3A_882 : vector<16xf32>
          %parallel_loop3A_889 = arith.constant 256 : i32
          %parallel_loop3A_890 = vector.broadcast %parallel_loop3A_889 : i32 to vector<16xi32>
          %parallel_loop3A_891 = arith.muli %parallel_loop3A_878, %parallel_loop3A_890 : vector<16xi32>
          %parallel_loop3A_892 = arith.addi %parallel_loop3A_891, %parallel_loop3A_874 : vector<16xi32>
          %parallel_loop3A_893 = arith.constant 16 : i32
          %parallel_loop3A_894 = arith.muli %parallel_loop3A_833, %parallel_loop3A_893 : i32
          %parallel_loop3A_895 = arith.constant 0 : i32
          %parallel_loop3A_896 = arith.constant 0 : i32
          %parallel_loop3A_897 = arith.index_cast %parallel_loop3A_895 : i32 to index
          %parallel_loop3A_898 = arith.index_cast %parallel_loop3A_896 : i32 to index
          %parallel_loop3A_899 = arith.index_cast %parallel_loop3A_894 : i32 to index
          %parallel_loop3A_900 = tpu.vector_load %arg8[%parallel_loop3A_897, %parallel_loop3A_898, %parallel_loop3A_899] {strides = array<i32>} : memref<2x2x128xi32, #tpu.memory_space<vmem>>, vector<16xi32>,
          tpu.vector_store %arg8[%parallel_loop3A_897, %parallel_loop3A_898, %parallel_loop3A_899], %parallel_loop3A_892 {strides = array<i32>} : memref<2x2x128xi32, #tpu.memory_space<vmem>>, vector<16xi32>,
          %parallel_loop3A_901 = arith.mulf %parallel_loop3A_888, %parallel_loop3A_885 : vector<16xf32>
          %parallel_loop3A_902 = arith.constant 0 : i32
          %parallel_loop3A_903 = arith.index_cast %parallel_loop3A_902 : i32 to index
          %parallel_loop3A_904 = arith.index_cast %parallel_loop3A_838 : i32 to index
          %parallel_loop3A_905 = tpu.vector_load %arg9[%parallel_loop3A_903, %parallel_loop3A_904] {strides = array<i32>} : memref<2x256xf32, #tpu.memory_space<vmem>>, vector<16xf32>,
          tpu.vector_store %arg9[%parallel_loop3A_903, %parallel_loop3A_904], %parallel_loop3A_901 {strides = array<i32>} : memref<2x256xf32, #tpu.memory_space<vmem>>, vector<16xf32>,
          %parallel_loop3A_906 = arith.mulf %parallel_loop3A_888, %parallel_loop3A_880 : vector<16xf32>
          %parallel_loop3A_907 = arith.constant 0 : i32
          %parallel_loop3A_908 = arith.index_cast %parallel_loop3A_907 : i32 to index
          %parallel_loop3A_909 = arith.index_cast %parallel_loop3A_838 : i32 to index
          %parallel_loop3A_910 = tpu.vector_load %arg10[%parallel_loop3A_908, %parallel_loop3A_909] {strides = array<i32>} : memref<2x256xf32, #tpu.memory_space<vmem>>, vector<16xf32>,
          tpu.vector_store %arg10[%parallel_loop3A_908, %parallel_loop3A_909], %parallel_loop3A_906 {strides = array<i32>} : memref<2x256xf32, #tpu.memory_space<vmem>>, vector<16xf32>,
          %parallel_loop3A_911 = arith.mulf %parallel_loop3A_882, %parallel_loop3A_885 : vector<16xf32>
          %parallel_loop3A_912 = arith.constant 0 : i32
          %parallel_loop3A_913 = arith.index_cast %parallel_loop3A_912 : i32 to index
          %parallel_loop3A_914 = arith.index_cast %parallel_loop3A_838 : i32 to index
          %parallel_loop3A_915 = tpu.vector_load %arg11[%parallel_loop3A_913, %parallel_loop3A_914] {strides = array<i32>} : memref<2x256xf32, #tpu.memory_space<vmem>>, vector<16xf32>,
          tpu.vector_store %arg11[%parallel_loop3A_913, %parallel_loop3A_914], %parallel_loop3A_911 {strides = array<i32>} : memref<2x256xf32, #tpu.memory_space<vmem>>, vector<16xf32>,
          %parallel_loop3A_916 = arith.mulf %parallel_loop3A_882, %parallel_loop3A_880 : vector<16xf32>
          %parallel_loop3A_917 = arith.constant 0 : i32
          %parallel_loop3A_918 = arith.index_cast %parallel_loop3A_917 : i32 to index
          %parallel_loop3A_919 = arith.index_cast %parallel_loop3A_838 : i32 to index
          %parallel_loop3A_920 = tpu.vector_load %arg12[%parallel_loop3A_918, %parallel_loop3A_919] {strides = array<i32>} : memref<2x256xf32, #tpu.memory_space<vmem>>, vector<16xf32>,
          tpu.vector_store %arg12[%parallel_loop3A_918, %parallel_loop3A_919], %parallel_loop3A_916 {strides = array<i32>} : memref<2x256xf32, #tpu.memory_space<vmem>>, vector<16xf32>,
        } {sc.loop_unroll_factor = 2 : i64, sc.parallel_access}
        %dma_start3A_804 = arith.constant 0 : i32
        %dma_start3A_805 = arith.constant 0 : i32
        %dma_start3A_806 = arith.constant 0 : i32
        %dma_start3A_807 = arith.constant 0 : i32
        %dma_start3A_808 = arith.constant 0 : i32
        %dma_start3A_809 = tpu.memref_slice %arg13[%dma_start3A_806, %dma_start3A_807, %dma_start3A_808] : memref<2x256x80xi32, #tpu.memory_space<vmem>> -> memref<1x128x80xi32, #tpu.memory_space<vmem>>
        %dma_start3A_810 = tpu.memref_squeeze %dma_start3A_809 : memref<1x128x80xi32, #tpu.memory_space<vmem>> -> memref<128x80xi32, #tpu.memory_space<vmem>>
        %dma_start3A_811 = arith.constant 0 : i32
        %dma_start3A_812 = tpu.memref_slice %arg8[%dma_start3A_804, %dma_start3A_805, %dma_start3A_811] : memref<2x2x128xi32, #tpu.memory_space<vmem>> -> memref<1x1x128xi32, #tpu.memory_space<vmem>>
        %dma_start3A_813 = tpu.memref_squeeze %dma_start3A_812 : memref<1x1x128xi32, #tpu.memory_space<vmem>> -> memref<128xi32, #tpu.memory_space<vmem>>
        %dma_start3A_814 = arith.constant 0 : i32
        %dma_start3A_815 = arith.constant 0 : i32
        %dma_start3A_816 = tpu.memref_slice %arg2[%dma_start3A_814, %dma_start3A_815] : memref<65536x80xi32, #tpu.memory_space<hbm>> -> memref<65536x80xi32, #tpu.memory_space<hbm>>
        tpu.enqueue_indirect_dma source(%dma_start3A_816 : memref<65536x80xi32, #tpu.memory_space<hbm>>) target(%dma_start3A_810 : memref<128x80xi32, #tpu.memory_space<vmem>>) offsets(%dma_start3A_813 : memref<128xi32, #tpu.memory_space<vmem>>) semaphore(%arg17 : memref<!tpu.dma_semaphore, #tpu.memory_space<semaphore_mem>>)
        %parallel_loop3A_817 = arith.constant 0 : i32
        %parallel_loop3A_818 = arith.constant 8 : i32
        %parallel_loop3A_819 = arith.constant 1 : i32
        scf.for %parallel_loop3A_833 = %parallel_loop3A_817 to %parallel_loop3A_818 step %parallel_loop3A_819  : i32 {
          %parallel_loop3A_834 = arith.constant 16 : i32
          %parallel_loop3A_835 = arith.muli %parallel_loop3A_833, %parallel_loop3A_834 : i32
          %parallel_loop3A_836 = arith.constant 128 : i32
          %parallel_loop3A_837 = arith.addi %parallel_loop3A_836, %parallel_loop3A_835 : i32
          %parallel_loop3A_838 = tpu.assume_multiple %parallel_loop3A_837, 16 : i32
          %parallel_loop3A_839 = arith.constant 0 : i32
          %parallel_loop3A_840 = arith.index_cast %parallel_loop3A_839 : i32 to index
          %parallel_loop3A_841 = arith.index_cast %parallel_loop3A_838 : i32 to index
          %parallel_loop3A_842 = tpu.vector_load %arg7[%parallel_loop3A_840, %parallel_loop3A_841] {strides = array<i32>} : memref<2x256xf32, #tpu.memory_space<vmem>>, vector<16xf32>,
          %parallel_loop3A_843 = arith.constant 0 : i32
          %parallel_loop3A_844 = arith.index_cast %parallel_loop3A_843 : i32 to index
          %parallel_loop3A_845 = arith.index_cast %parallel_loop3A_838 : i32 to index
          %parallel_loop3A_846 = tpu.vector_load %arg6[%parallel_loop3A_844, %parallel_loop3A_845] {strides = array<i32>} : memref<2x256xf32, #tpu.memory_space<vmem>>, vector<16xf32>,
          %parallel_loop3A_847 = arith.constant 1.280000e+02 : f32
          %parallel_loop3A_848 = vector.broadcast %parallel_loop3A_847 : f32 to vector<16xf32>
          %parallel_loop3A_849 = arith.mulf %parallel_loop3A_842, %parallel_loop3A_848 : vector<16xf32>
          %parallel_loop3A_850 = arith.constant 1.275000e+02 : f32
          %parallel_loop3A_851 = vector.broadcast %parallel_loop3A_850 : f32 to vector<16xf32>
          %parallel_loop3A_852 = arith.addf %parallel_loop3A_849, %parallel_loop3A_851 : vector<16xf32>
          %parallel_loop3A_853 = arith.constant 0.000000e+00 : f32
          %parallel_loop3A_854 = arith.constant 2.550000e+02 : f32
          %parallel_loop3A_855 = vector.broadcast %parallel_loop3A_853 : f32 to vector<16xf32>
          %parallel_loop3A_856 = arith.maximumf %parallel_loop3A_855, %parallel_loop3A_852 : vector<16xf32>
          %parallel_loop3A_857 = vector.broadcast %parallel_loop3A_854 : f32 to vector<16xf32>
          %parallel_loop3A_858 = arith.minimumf %parallel_loop3A_857, %parallel_loop3A_856 : vector<16xf32>
          %parallel_loop3A_859 = arith.constant 1.280000e+02 : f32
          %parallel_loop3A_860 = vector.broadcast %parallel_loop3A_859 : f32 to vector<16xf32>
          %parallel_loop3A_861 = arith.mulf %parallel_loop3A_846, %parallel_loop3A_860 : vector<16xf32>
          %parallel_loop3A_862 = arith.constant 1.275000e+02 : f32
          %parallel_loop3A_863 = vector.broadcast %parallel_loop3A_862 : f32 to vector<16xf32>
          %parallel_loop3A_864 = arith.addf %parallel_loop3A_861, %parallel_loop3A_863 : vector<16xf32>
          %parallel_loop3A_865 = arith.constant 0.000000e+00 : f32
          %parallel_loop3A_866 = arith.constant 2.550000e+02 : f32
          %parallel_loop3A_867 = vector.broadcast %parallel_loop3A_865 : f32 to vector<16xf32>
          %parallel_loop3A_868 = arith.maximumf %parallel_loop3A_867, %parallel_loop3A_864 : vector<16xf32>
          %parallel_loop3A_869 = vector.broadcast %parallel_loop3A_866 : f32 to vector<16xf32>
          %parallel_loop3A_870 = arith.minimumf %parallel_loop3A_869, %parallel_loop3A_868 : vector<16xf32>
          %parallel_loop3A_871 = arith.fptosi %parallel_loop3A_858 : vector<16xf32> to vector<16xi32>
          %parallel_loop3A_872 = arith.constant 254 : i32
          %parallel_loop3A_873 = vector.broadcast %parallel_loop3A_872 : i32 to vector<16xi32>
          %parallel_loop3A_874 = arith.minsi %parallel_loop3A_871, %parallel_loop3A_873 : vector<16xi32>
          %parallel_loop3A_875 = arith.fptosi %parallel_loop3A_870 : vector<16xf32> to vector<16xi32>
          %parallel_loop3A_876 = arith.constant 254 : i32
          %parallel_loop3A_877 = vector.broadcast %parallel_loop3A_876 : i32 to vector<16xi32>
          %parallel_loop3A_878 = arith.minsi %parallel_loop3A_875, %parallel_loop3A_877 : vector<16xi32>
          %parallel_loop3A_879 = arith.sitofp %parallel_loop3A_874 : vector<16xi32> to vector<16xf32>
          %parallel_loop3A_880 = arith.subf %parallel_loop3A_858, %parallel_loop3A_879 : vector<16xf32>
          %parallel_loop3A_881 = arith.sitofp %parallel_loop3A_878 : vector<16xi32> to vector<16xf32>
          %parallel_loop3A_882 = arith.subf %parallel_loop3A_870, %parallel_loop3A_881 : vector<16xf32>
          %parallel_loop3A_883 = arith.constant 1.000000e+00 : f32
          %parallel_loop3A_884 = vector.broadcast %parallel_loop3A_883 : f32 to vector<16xf32>
          %parallel_loop3A_885 = arith.subf %parallel_loop3A_884, %parallel_loop3A_880 : vector<16xf32>
          %parallel_loop3A_886 = arith.constant 1.000000e+00 : f32
          %parallel_loop3A_887 = vector.broadcast %parallel_loop3A_886 : f32 to vector<16xf32>
          %parallel_loop3A_888 = arith.subf %parallel_loop3A_887, %parallel_loop3A_882 : vector<16xf32>
          %parallel_loop3A_889 = arith.constant 256 : i32
          %parallel_loop3A_890 = vector.broadcast %parallel_loop3A_889 : i32 to vector<16xi32>
          %parallel_loop3A_891 = arith.muli %parallel_loop3A_878, %parallel_loop3A_890 : vector<16xi32>
          %parallel_loop3A_892 = arith.addi %parallel_loop3A_891, %parallel_loop3A_874 : vector<16xi32>
          %parallel_loop3A_893 = arith.constant 16 : i32
          %parallel_loop3A_894 = arith.muli %parallel_loop3A_833, %parallel_loop3A_893 : i32
          %parallel_loop3A_895 = arith.constant 0 : i32
          %parallel_loop3A_896 = arith.constant 1 : i32
          %parallel_loop3A_897 = arith.index_cast %parallel_loop3A_895 : i32 to index
          %parallel_loop3A_898 = arith.index_cast %parallel_loop3A_896 : i32 to index
          %parallel_loop3A_899 = arith.index_cast %parallel_loop3A_894 : i32 to index
          %parallel_loop3A_900 = tpu.vector_load %arg8[%parallel_loop3A_897, %parallel_loop3A_898, %parallel_loop3A_899] {strides = array<i32>} : memref<2x2x128xi32, #tpu.memory_space<vmem>>, vector<16xi32>,
          tpu.vector_store %arg8[%parallel_loop3A_897, %parallel_loop3A_898, %parallel_loop3A_899], %parallel_loop3A_892 {strides = array<i32>} : memref<2x2x128xi32, #tpu.memory_space<vmem>>, vector<16xi32>,
          %parallel_loop3A_901 = arith.mulf %parallel_loop3A_888, %parallel_loop3A_885 : vector<16xf32>
          %parallel_loop3A_902 = arith.constant 0 : i32
          %parallel_loop3A_903 = arith.index_cast %parallel_loop3A_902 : i32 to index
          %parallel_loop3A_904 = arith.index_cast %parallel_loop3A_838 : i32 to index
          %parallel_loop3A_905 = tpu.vector_load %arg9[%parallel_loop3A_903, %parallel_loop3A_904] {strides = array<i32>} : memref<2x256xf32, #tpu.memory_space<vmem>>, vector<16xf32>,
          tpu.vector_store %arg9[%parallel_loop3A_903, %parallel_loop3A_904], %parallel_loop3A_901 {strides = array<i32>} : memref<2x256xf32, #tpu.memory_space<vmem>>, vector<16xf32>,
          %parallel_loop3A_906 = arith.mulf %parallel_loop3A_888, %parallel_loop3A_880 : vector<16xf32>
          %parallel_loop3A_907 = arith.constant 0 : i32
          %parallel_loop3A_908 = arith.index_cast %parallel_loop3A_907 : i32 to index
          %parallel_loop3A_909 = arith.index_cast %parallel_loop3A_838 : i32 to index
          %parallel_loop3A_910 = tpu.vector_load %arg10[%parallel_loop3A_908, %parallel_loop3A_909] {strides = array<i32>} : memref<2x256xf32, #tpu.memory_space<vmem>>, vector<16xf32>,
          tpu.vector_store %arg10[%parallel_loop3A_908, %parallel_loop3A_909], %parallel_loop3A_906 {strides = array<i32>} : memref<2x256xf32, #tpu.memory_space<vmem>>, vector<16xf32>,
          %parallel_loop3A_911 = arith.mulf %parallel_loop3A_882, %parallel_loop3A_885 : vector<16xf32>
          %parallel_loop3A_912 = arith.constant 0 : i32
          %parallel_loop3A_913 = arith.index_cast %parallel_loop3A_912 : i32 to index
          %parallel_loop3A_914 = arith.index_cast %parallel_loop3A_838 : i32 to index
          %parallel_loop3A_915 = tpu.vector_load %arg11[%parallel_loop3A_913, %parallel_loop3A_914] {strides = array<i32>} : memref<2x256xf32, #tpu.memory_space<vmem>>, vector<16xf32>,
          tpu.vector_store %arg11[%parallel_loop3A_913, %parallel_loop3A_914], %parallel_loop3A_911 {strides = array<i32>} : memref<2x256xf32, #tpu.memory_space<vmem>>, vector<16xf32>,
          %parallel_loop3A_916 = arith.mulf %parallel_loop3A_882, %parallel_loop3A_880 : vector<16xf32>
          %parallel_loop3A_917 = arith.constant 0 : i32
          %parallel_loop3A_918 = arith.index_cast %parallel_loop3A_917 : i32 to index
          %parallel_loop3A_919 = arith.index_cast %parallel_loop3A_838 : i32 to index
          %parallel_loop3A_920 = tpu.vector_load %arg12[%parallel_loop3A_918, %parallel_loop3A_919] {strides = array<i32>} : memref<2x256xf32, #tpu.memory_space<vmem>>, vector<16xf32>,
          tpu.vector_store %arg12[%parallel_loop3A_918, %parallel_loop3A_919], %parallel_loop3A_916 {strides = array<i32>} : memref<2x256xf32, #tpu.memory_space<vmem>>, vector<16xf32>,
        } {sc.loop_unroll_factor = 2 : i64, sc.parallel_access}
        %dma_start3A_820 = arith.constant 0 : i32
        %dma_start3A_821 = arith.constant 1 : i32
        %dma_start3A_822 = arith.constant 0 : i32
        %dma_start3A_823 = arith.constant 128 : i32
        %dma_start3A_824 = arith.constant 0 : i32
        %dma_start3A_825 = tpu.memref_slice %arg13[%dma_start3A_822, %dma_start3A_823, %dma_start3A_824] : memref<2x256x80xi32, #tpu.memory_space<vmem>> -> memref<1x128x80xi32, #tpu.memory_space<vmem>>
        %dma_start3A_826 = tpu.memref_squeeze %dma_start3A_825 : memref<1x128x80xi32, #tpu.memory_space<vmem>> -> memref<128x80xi32, #tpu.memory_space<vmem>>
        %dma_start3A_827 = arith.constant 0 : i32
        %dma_start3A_828 = tpu.memref_slice %arg8[%dma_start3A_820, %dma_start3A_821, %dma_start3A_827] : memref<2x2x128xi32, #tpu.memory_space<vmem>> -> memref<1x1x128xi32, #tpu.memory_space<vmem>>
        %dma_start3A_829 = tpu.memref_squeeze %dma_start3A_828 : memref<1x1x128xi32, #tpu.memory_space<vmem>> -> memref<128xi32, #tpu.memory_space<vmem>>
        %dma_start3A_830 = arith.constant 0 : i32
        %dma_start3A_831 = arith.constant 0 : i32
        %dma_start3A_832 = tpu.memref_slice %arg2[%dma_start3A_830, %dma_start3A_831] : memref<65536x80xi32, #tpu.memory_space<hbm>> -> memref<65536x80xi32, #tpu.memory_space<hbm>>
        tpu.enqueue_indirect_dma source(%dma_start3A_832 : memref<65536x80xi32, #tpu.memory_space<hbm>>) target(%dma_start3A_826 : memref<128x80xi32, #tpu.memory_space<vmem>>) offsets(%dma_start3A_829 : memref<128xi32, #tpu.memory_space<vmem>>) semaphore(%arg17 : memref<!tpu.dma_semaphore, #tpu.memory_space<semaphore_mem>>)
      } else {
      }
      %add3A_595 = arith.constant 2 : i32
      %add3A_596 = arith.addi %add3A_586, %add3A_595 : i32
      %lt3A_597 = arith.constant 128 : i32
      %lt3A_598 = arith.cmpi slt, %add3A_596, %lt3A_597 : i32
      %convert_element_type3A_599 = arith.extui %lt3A_598 : i1 to i32
      %cond3A_600 = arith.constant 0 : i32
      %cond3A_601 = arith.cmpi ne, %convert_element_type3A_599, %cond3A_600 : i32
      scf.if %cond3A_601 {
        %add3A_779 = arith.constant 2 : i32
        %add3A_780 = arith.addi %add3A_587, %add3A_779 : i32
        %mul3A_781 = arith.constant 256 : i32
        %mul3A_782 = arith.muli %add3A_780, %mul3A_781 : i32
        %dma_start3A_783 = arith.constant 1 : i32
        %dma_start3A_784 = arith.constant 0 : i32
        %dma_start3A_785 = tpu.memref_slice %arg6[%dma_start3A_783, %dma_start3A_784] : memref<2x256xf32, #tpu.memory_space<vmem>> -> memref<1x256xf32, #tpu.memory_space<vmem>>
        %dma_start3A_786 = tpu.memref_squeeze %dma_start3A_785 : memref<1x256xf32, #tpu.memory_space<vmem>> -> memref<256xf32, #tpu.memory_space<vmem>>
        %dma_start3A_787 = tpu.memref_slice %arg3[%mul3A_782] : memref<1048576xf32, #tpu.memory_space<hbm>> -> memref<256xf32, #tpu.memory_space<hbm>>
        %dma_start3A_788 = arith.constant 0 : i32
        %dma_start3A_789 = tpu.memref_slice %arg6[%dma_start3A_783, %dma_start3A_788] : memref<2x256xf32, #tpu.memory_space<vmem>> -> memref<1x256xf32, #tpu.memory_space<vmem>>
        %dma_start3A_790 = tpu.memref_squeeze %dma_start3A_789 : memref<1x256xf32, #tpu.memory_space<vmem>> -> memref<256xf32, #tpu.memory_space<vmem>>
        %dma_start3A_791 = tpu.memref_slice %arg3[%mul3A_782] : memref<1048576xf32, #tpu.memory_space<hbm>> -> memref<256xf32, #tpu.memory_space<hbm>>
        tpu.enqueue_dma source(%dma_start3A_791 : memref<256xf32, #tpu.memory_space<hbm>>) target(%dma_start3A_790 : memref<256xf32, #tpu.memory_space<vmem>>) target_semaphore(%arg16 : memref<!tpu.dma_semaphore, #tpu.memory_space<semaphore_mem>>)
        %dma_start3A_792 = arith.constant 1 : i32
        %dma_start3A_793 = arith.constant 0 : i32
        %dma_start3A_794 = tpu.memref_slice %arg7[%dma_start3A_792, %dma_start3A_793] : memref<2x256xf32, #tpu.memory_space<vmem>> -> memref<1x256xf32, #tpu.memory_space<vmem>>
        %dma_start3A_795 = tpu.memref_squeeze %dma_start3A_794 : memref<1x256xf32, #tpu.memory_space<vmem>> -> memref<256xf32, #tpu.memory_space<vmem>>
        %dma_start3A_796 = tpu.memref_slice %arg4[%mul3A_782] : memref<1048576xf32, #tpu.memory_space<hbm>> -> memref<256xf32, #tpu.memory_space<hbm>>
        %dma_start3A_797 = arith.constant 0 : i32
        %dma_start3A_798 = tpu.memref_slice %arg7[%dma_start3A_792, %dma_start3A_797] : memref<2x256xf32, #tpu.memory_space<vmem>> -> memref<1x256xf32, #tpu.memory_space<vmem>>
        %dma_start3A_799 = tpu.memref_squeeze %dma_start3A_798 : memref<1x256xf32, #tpu.memory_space<vmem>> -> memref<256xf32, #tpu.memory_space<vmem>>
        %dma_start3A_800 = tpu.memref_slice %arg4[%mul3A_782] : memref<1048576xf32, #tpu.memory_space<hbm>> -> memref<256xf32, #tpu.memory_space<hbm>>
        tpu.enqueue_dma source(%dma_start3A_800 : memref<256xf32, #tpu.memory_space<hbm>>) target(%dma_start3A_799 : memref<256xf32, #tpu.memory_space<vmem>>) target_semaphore(%arg16 : memref<!tpu.dma_semaphore, #tpu.memory_space<semaphore_mem>>)
      } else {
      }
      %dma_wait3A_602 = arith.constant 1 : i32
      %dma_wait3A_603 = arith.constant 0 : i32
      %dma_wait3A_604 = arith.constant 0 : i32
      %dma_wait3A_605 = tpu.memref_slice %arg13[%dma_wait3A_602, %dma_wait3A_603, %dma_wait3A_604] : memref<2x256x80xi32, #tpu.memory_space<vmem>> -> memref<1x256x80xi32, #tpu.memory_space<vmem>>
      %dma_wait3A_606 = tpu.memref_squeeze %dma_wait3A_605 : memref<1x256x80xi32, #tpu.memory_space<vmem>> -> memref<256x80xi32, #tpu.memory_space<vmem>>
      %dma_wait3A_607 = arith.constant 0 : i32
      %dma_wait3A_608 = arith.constant 0 : i32
      %dma_wait3A_609 = tpu.memref_slice %arg2[%dma_wait3A_607, %dma_wait3A_608] : memref<65536x80xi32, #tpu.memory_space<hbm>> -> memref<256x80xi32, #tpu.memory_space<hbm>>
      %dma_wait3A_610 = arith.constant 0 : i32
      %dma_wait3A_611 = arith.constant 0 : i32
      %dma_wait3A_612 = tpu.memref_slice %arg13[%dma_wait3A_602, %dma_wait3A_610, %dma_wait3A_611] : memref<2x256x80xi32, #tpu.memory_space<vmem>> -> memref<1x256x80xi32, #tpu.memory_space<vmem>>
      %dma_wait3A_613 = tpu.memref_squeeze %dma_wait3A_612 : memref<1x256x80xi32, #tpu.memory_space<vmem>> -> memref<256x80xi32, #tpu.memory_space<vmem>>
      %dma_wait3A_614 = arith.constant 0 : i32
      %dma_wait3A_615 = arith.constant 0 : i32
      %dma_wait3A_616 = tpu.memref_slice %arg2[%dma_wait3A_614, %dma_wait3A_615] : memref<65536x80xi32, #tpu.memory_space<hbm>> -> memref<256x80xi32, #tpu.memory_space<hbm>>
      tpu.wait_dma2 semaphore(%arg18 : memref<!tpu.dma_semaphore, #tpu.memory_space<semaphore_mem>>) src(%dma_wait3A_616 : memref<256x80xi32, #tpu.memory_space<hbm>>) dst(%dma_wait3A_613 : memref<256x80xi32, #tpu.memory_space<vmem>>)
      %jit3A_617 = arith.constant 1024 : i32
      %div3A_618 = arith.divsi %add3A_587, %jit3A_617 : i32
      %sign3A_619 = arith.constant 0 : i32
      %sign3A_620 = arith.cmpi sgt, %add3A_587, %sign3A_619 : i32
      %sign3A_621 = arith.extui %sign3A_620 : i1 to i32
      %sign3A_622 = arith.constant 0 : i32
      %sign3A_623 = arith.cmpi slt, %add3A_587, %sign3A_622 : i32
      %sign3A_624 = arith.extui %sign3A_623 : i1 to i32
      %sign3A_625 = arith.subi %sign3A_621, %sign3A_624 : i32
      %sign3A_626 = arith.constant 0 : i32
      %sign3A_627 = arith.cmpi sgt, %jit3A_617, %sign3A_626 : i32
      %sign3A_628 = arith.extui %sign3A_627 : i1 to i32
      %sign3A_629 = arith.constant 0 : i32
      %sign3A_630 = arith.cmpi slt, %jit3A_617, %sign3A_629 : i32
      %sign3A_631 = arith.extui %sign3A_630 : i1 to i32
      %sign3A_632 = arith.subi %sign3A_628, %sign3A_631 : i32
      %ne3A_633 = arith.cmpi ne, %sign3A_625, %sign3A_632 : i32
      %rem3A_634 = arith.remsi %add3A_587, %jit3A_617 : i32
      %ne3A_635 = arith.constant 0 : i32
      %ne3A_636 = arith.cmpi ne, %rem3A_634, %ne3A_635 : i32
      %and3A_637 = arith.andi %ne3A_633, %ne3A_636 : i1
      %sub3A_638 = arith.constant 1 : i32
      %sub3A_639 = arith.subi %div3A_618, %sub3A_638 : i32
      %select_n3A_640 = arith.select %and3A_637, %sub3A_639, %div3A_618 : i32
      %jit3A_641 = arith.constant 16 : i32
      %div3A_642 = arith.divsi %add3A_587, %jit3A_641 : i32
      %sign3A_643 = arith.constant 0 : i32
      %sign3A_644 = arith.cmpi sgt, %add3A_587, %sign3A_643 : i32
      %sign3A_645 = arith.extui %sign3A_644 : i1 to i32
      %sign3A_646 = arith.constant 0 : i32
      %sign3A_647 = arith.cmpi slt, %add3A_587, %sign3A_646 : i32
      %sign3A_648 = arith.extui %sign3A_647 : i1 to i32
      %sign3A_649 = arith.subi %sign3A_645, %sign3A_648 : i32
      %sign3A_650 = arith.constant 0 : i32
      %sign3A_651 = arith.cmpi sgt, %jit3A_641, %sign3A_650 : i32
      %sign3A_652 = arith.extui %sign3A_651 : i1 to i32
      %sign3A_653 = arith.constant 0 : i32
      %sign3A_654 = arith.cmpi slt, %jit3A_641, %sign3A_653 : i32
      %sign3A_655 = arith.extui %sign3A_654 : i1 to i32
      %sign3A_656 = arith.subi %sign3A_652, %sign3A_655 : i32
      %ne3A_657 = arith.cmpi ne, %sign3A_649, %sign3A_656 : i32
      %rem3A_658 = arith.remsi %add3A_587, %jit3A_641 : i32
      %ne3A_659 = arith.constant 0 : i32
      %ne3A_660 = arith.cmpi ne, %rem3A_658, %ne3A_659 : i32
      %and3A_661 = arith.andi %ne3A_657, %ne3A_660 : i1
      %sub3A_662 = arith.constant 1 : i32
      %sub3A_663 = arith.subi %div3A_642, %sub3A_662 : i32
      %select_n3A_664 = arith.select %and3A_661, %sub3A_663, %div3A_642 : i32
      %jit3A_665 = arith.constant 64 : i32
      %eq3A_666 = arith.constant 0 : i32
      %eq3A_667 = arith.cmpi eq, %jit3A_665, %eq3A_666 : i32
      %jit3A_668 = arith.constant 1 : i32
      %select_n3A_669 = arith.select %eq3A_667, %jit3A_668, %jit3A_665 : i32
      %rem3A_670 = arith.remsi %select_n3A_664, %select_n3A_669 : i32
      %ne3A_671 = arith.constant 0 : i32
      %ne3A_672 = arith.cmpi ne, %rem3A_670, %ne3A_671 : i32
      %lt3A_673 = arith.constant 0 : i32
      %lt3A_674 = arith.cmpi slt, %rem3A_670, %lt3A_673 : i32
      %lt3A_675 = arith.constant 0 : i32
      %lt3A_676 = arith.cmpi slt, %select_n3A_669, %lt3A_675 : i32
      %ne3A_677 = arith.xori %lt3A_674, %lt3A_676 : i1
      %and3A_678 = arith.andi %ne3A_677, %ne3A_672 : i1
      %add3A_679 = arith.addi %rem3A_670, %select_n3A_669 : i32
      %select_n3A_680 = arith.select %and3A_678, %add3A_679, %rem3A_670 : i32
      %jit3A_681 = arith.constant 4 : i32
      %div3A_682 = arith.divsi %add3A_587, %jit3A_681 : i32
      %sign3A_683 = arith.constant 0 : i32
      %sign3A_684 = arith.cmpi sgt, %add3A_587, %sign3A_683 : i32
      %sign3A_685 = arith.extui %sign3A_684 : i1 to i32
      %sign3A_686 = arith.constant 0 : i32
      %sign3A_687 = arith.cmpi slt, %add3A_587, %sign3A_686 : i32
      %sign3A_688 = arith.extui %sign3A_687 : i1 to i32
      %sign3A_689 = arith.subi %sign3A_685, %sign3A_688 : i32
      %sign3A_690 = arith.constant 0 : i32
      %sign3A_691 = arith.cmpi sgt, %jit3A_681, %sign3A_690 : i32
      %sign3A_692 = arith.extui %sign3A_691 : i1 to i32
      %sign3A_693 = arith.constant 0 : i32
      %sign3A_694 = arith.cmpi slt, %jit3A_681, %sign3A_693 : i32
      %sign3A_695 = arith.extui %sign3A_694 : i1 to i32
      %sign3A_696 = arith.subi %sign3A_692, %sign3A_695 : i32
      %ne3A_697 = arith.cmpi ne, %sign3A_689, %sign3A_696 : i32
      %rem3A_698 = arith.remsi %add3A_587, %jit3A_681 : i32
      %ne3A_699 = arith.constant 0 : i32
      %ne3A_700 = arith.cmpi ne, %rem3A_698, %ne3A_699 : i32
      %and3A_701 = arith.andi %ne3A_697, %ne3A_700 : i1
      %sub3A_702 = arith.constant 1 : i32
      %sub3A_703 = arith.subi %div3A_682, %sub3A_702 : i32
      %select_n3A_704 = arith.select %and3A_701, %sub3A_703, %div3A_682 : i32
      %jit3A_705 = arith.constant 4 : i32
      %eq3A_706 = arith.constant 0 : i32
      %eq3A_707 = arith.cmpi eq, %jit3A_705, %eq3A_706 : i32
      %jit3A_708 = arith.constant 1 : i32
      %select_n3A_709 = arith.select %eq3A_707, %jit3A_708, %jit3A_705 : i32
      %rem3A_710 = arith.remsi %select_n3A_704, %select_n3A_709 : i32
      %ne3A_711 = arith.constant 0 : i32
      %ne3A_712 = arith.cmpi ne, %rem3A_710, %ne3A_711 : i32
      %lt3A_713 = arith.constant 0 : i32
      %lt3A_714 = arith.cmpi slt, %rem3A_710, %lt3A_713 : i32
      %lt3A_715 = arith.constant 0 : i32
      %lt3A_716 = arith.cmpi slt, %select_n3A_709, %lt3A_715 : i32
      %ne3A_717 = arith.xori %lt3A_714, %lt3A_716 : i1
      %and3A_718 = arith.andi %ne3A_717, %ne3A_712 : i1
      %add3A_719 = arith.addi %rem3A_710, %select_n3A_709 : i32
      %select_n3A_720 = arith.select %and3A_718, %add3A_719, %rem3A_710 : i32
      %jit3A_721 = arith.constant 4 : i32
      %eq3A_722 = arith.constant 0 : i32
      %eq3A_723 = arith.cmpi eq, %jit3A_721, %eq3A_722 : i32
      %jit3A_724 = arith.constant 1 : i32
      %select_n3A_725 = arith.select %eq3A_723, %jit3A_724, %jit3A_721 : i32
      %rem3A_726 = arith.remsi %add3A_587, %select_n3A_725 : i32
      %ne3A_727 = arith.constant 0 : i32
      %ne3A_728 = arith.cmpi ne, %rem3A_726, %ne3A_727 : i32
      %lt3A_729 = arith.constant 0 : i32
      %lt3A_730 = arith.cmpi slt, %rem3A_726, %lt3A_729 : i32
      %lt3A_731 = arith.constant 0 : i32
      %lt3A_732 = arith.cmpi slt, %select_n3A_725, %lt3A_731 : i32
      %ne3A_733 = arith.xori %lt3A_730, %lt3A_732 : i1
      %and3A_734 = arith.andi %ne3A_733, %ne3A_728 : i1
      %add3A_735 = arith.addi %rem3A_726, %select_n3A_725 : i32
      %select_n3A_736 = arith.select %and3A_734, %add3A_735, %rem3A_726 : i32
      %mul3A_737 = arith.constant 2 : i32
      %mul3A_738 = arith.muli %select_n3A_736, %mul3A_737 : i32
      %ge3A_739 = arith.constant 2 : i32
      %ge3A_740 = arith.cmpi sge, %add3A_586, %ge3A_739 : i32
      %convert_element_type3A_741 = arith.extui %ge3A_740 : i1 to i32
      %cond3A_742 = arith.constant 0 : i32
      %cond3A_743 = arith.cmpi ne, %convert_element_type3A_741, %cond3A_742 : i32
      scf.if %cond3A_743 {
        %dma_wait3A_779 = arith.constant 1 : i32
        %dma_wait3A_780 = arith.constant 0 : i32
        %dma_wait3A_781 = arith.constant 0 : i32
        %dma_wait3A_782 = arith.constant 0 : i32
        %dma_wait3A_783 = arith.constant 0 : i32
        %dma_wait3A_784 = arith.constant 0 : i32
        %dma_wait3A_785 = arith.constant 0 : i32
        %dma_wait3A_786 = tpu.memref_slice %arg14[%dma_wait3A_779, %dma_wait3A_780, %dma_wait3A_781, %dma_wait3A_782, %dma_wait3A_783, %dma_wait3A_784, %dma_wait3A_785] : memref<2x1x33x1x1x2x128xf32, #tpu.memory_space<vmem>> -> memref<1x1x33x1x1x2x128xf32, #tpu.memory_space<vmem>>
        %dma_wait3A_787 = tpu.memref_squeeze %dma_wait3A_786 : memref<1x1x33x1x1x2x128xf32, #tpu.memory_space<vmem>> -> memref<1x33x1x1x2x128xf32, #tpu.memory_space<vmem>>
        %dma_wait3A_788 = arith.constant 0 : i32
        %dma_wait3A_789 = arith.constant 0 : i32
        %dma_wait3A_790 = tpu.memref_slice %arg5[%select_n3A_640, %dma_wait3A_788, %select_n3A_680, %select_n3A_720, %mul3A_738, %dma_wait3A_789] : memref<4x33x64x4x8x128xf32, #tpu.memory_space<hbm>> -> memref<1x33x1x1x2x128xf32, #tpu.memory_space<hbm>>
        %dma_wait3A_791 = arith.constant 0 : i32
        %dma_wait3A_792 = arith.constant 0 : i32
        %dma_wait3A_793 = tpu.memref_slice %arg5[%select_n3A_640, %dma_wait3A_791, %select_n3A_680, %select_n3A_720, %mul3A_738, %dma_wait3A_792] : memref<4x33x64x4x8x128xf32, #tpu.memory_space<hbm>> -> memref<1x33x1x1x2x128xf32, #tpu.memory_space<hbm>>
        %dma_wait3A_794 = arith.constant 0 : i32
        %dma_wait3A_795 = arith.constant 0 : i32
        %dma_wait3A_796 = arith.constant 0 : i32
        %dma_wait3A_797 = arith.constant 0 : i32
        %dma_wait3A_798 = arith.constant 0 : i32
        %dma_wait3A_799 = arith.constant 0 : i32
        %dma_wait3A_800 = tpu.memref_slice %arg14[%dma_wait3A_779, %dma_wait3A_794, %dma_wait3A_795, %dma_wait3A_796, %dma_wait3A_797, %dma_wait3A_798, %dma_wait3A_799] : memref<2x1x33x1x1x2x128xf32, #tpu.memory_space<vmem>> -> memref<1x1x33x1x1x2x128xf32, #tpu.memory_space<vmem>>
        %dma_wait3A_801 = tpu.memref_squeeze %dma_wait3A_800 : memref<1x1x33x1x1x2x128xf32, #tpu.memory_space<vmem>> -> memref<1x33x1x1x2x128xf32, #tpu.memory_space<vmem>>
        tpu.wait_dma2 semaphore(%arg20 : memref<!tpu.dma_semaphore, #tpu.memory_space<semaphore_mem>>) src(%dma_wait3A_801 : memref<1x33x1x1x2x128xf32, #tpu.memory_space<vmem>>) dst(%dma_wait3A_793 : memref<1x33x1x1x2x128xf32, #tpu.memory_space<hbm>>)
      } else {
      }
      %broadcast_in_dim3A_744 = arith.constant 0 : i32
      %broadcast_in_dim3A_745 = vector.broadcast %broadcast_in_dim3A_744 : i32 to vector<16xi32>
      %iota3A_746 = tpu.iota {dimensions = array<i32: 0>} : vector<16xi32>
      %mul3A_747 = arith.constant 80 : i32
      %mul3A_748 = vector.broadcast %mul3A_747 : i32 to vector<16xi32>
      %mul3A_749 = arith.muli %iota3A_746, %mul3A_748 : vector<16xi32>
      %scan3A_750 = arith.constant 0 : i32
      %scan3A_751 = arith.constant 0 : i32
      %scan3A_752 = arith.constant 16 : i32
      %scan3A_753 = arith.addi %scan3A_751, %scan3A_752 : i32
      %scan3A_754 = arith.constant 1 : i32
      scf.for %scan3A_779 = %scan3A_751 to %scan3A_753 step %scan3A_754  : i32 {
        %mul3A_780 = arith.constant 16 : i32
        %mul3A_781 = arith.muli %scan3A_779, %mul3A_780 : i32
        %multiple_of3A = tpu.assume_multiple %mul3A_781, 16 : i32
        %get3A = arith.constant 1 : i32
        %get3A_782 = arith.index_cast %get3A : i32 to index
        %get3A_783 = arith.index_cast %multiple_of3A : i32 to index
        %get3A_784 = tpu.vector_load %arg9[%get3A_782, %get3A_783] {strides = array<i32>} : memref<2x256xf32, #tpu.memory_space<vmem>>, vector<16xf32>,
        %get3A_785 = arith.constant 1 : i32
        %get3A_786 = arith.index_cast %get3A_785 : i32 to index
        %get3A_787 = arith.index_cast %multiple_of3A : i32 to index
        %get3A_788 = tpu.vector_load %arg10[%get3A_786, %get3A_787] {strides = array<i32>} : memref<2x256xf32, #tpu.memory_space<vmem>>, vector<16xf32>,
        %get3A_789 = arith.constant 1 : i32
        %get3A_790 = arith.index_cast %get3A_789 : i32 to index
        %get3A_791 = arith.index_cast %multiple_of3A : i32 to index
        %get3A_792 = tpu.vector_load %arg11[%get3A_790, %get3A_791] {strides = array<i32>} : memref<2x256xf32, #tpu.memory_space<vmem>>, vector<16xf32>,
        %get3A_793 = arith.constant 1 : i32
        %get3A_794 = arith.index_cast %get3A_793 : i32 to index
        %get3A_795 = arith.index_cast %multiple_of3A : i32 to index
        %get3A_796 = tpu.vector_load %arg12[%get3A_794, %get3A_795] {strides = array<i32>} : memref<2x256xf32, #tpu.memory_space<vmem>>, vector<16xf32>,
        %mul3A_797 = arith.constant 80 : i32
        %mul3A_798 = arith.muli %multiple_of3A, %mul3A_797 : i32
        %add3A_799 = arith.constant 20480 : i32
        %add3A_800 = arith.addi %add3A_799, %mul3A_798 : i32
        %add3A_801 = vector.broadcast %add3A_800 : i32 to vector<16xi32>
        %add3A_802 = arith.addi %mul3A_749, %add3A_801 : vector<16xi32>
        %add3A_803 = arith.constant 20 : i32
        %add3A_804 = vector.broadcast %add3A_803 : i32 to vector<16xi32>
        %add3A_805 = arith.addi %add3A_802, %add3A_804 : vector<16xi32>
        %add3A_806 = arith.constant 40 : i32
        %add3A_807 = vector.broadcast %add3A_806 : i32 to vector<16xi32>
        %add3A_808 = arith.addi %add3A_802, %add3A_807 : vector<16xi32>
        %add3A_809 = arith.constant 60 : i32
        %add3A_810 = vector.broadcast %add3A_809 : i32 to vector<16xi32>
        %add3A_811 = arith.addi %add3A_802, %add3A_810 : vector<16xi32>
        %parallel_loop3A_812 = arith.constant 0 : i32
        %parallel_loop3A_813 = arith.constant 16 : i32
        %parallel_loop3A_814 = arith.constant 1 : i32
        %parallel_loop3A_815:4 = scf.for %parallel_loop3A_900 = %parallel_loop3A_812 to %parallel_loop3A_813 step %parallel_loop3A_814 iter_args(%parallel_loop3A_901 = %add3A_802, %parallel_loop3A_902 = %add3A_805, %parallel_loop3A_903 = %add3A_808, %parallel_loop3A_904 = %add3A_811) -> (vector<16xi32>, vector<16xi32>, vector<16xi32>, vector<16xi32>)  : i32 {
          %parallel_loop3A_905 = tpu.vector_load_idx %arg13[%broadcast_in_dim3A_745, %broadcast_in_dim3A_745, %parallel_loop3A_901] : memref<2x256x80xi32, #tpu.memory_space<vmem>>[vector<16xi32>, vector<16xi32>, vector<16xi32>], vector<16xi32>,
          %parallel_loop3A_906 = vector.bitcast %parallel_loop3A_905 : vector<16xi32> to vector<32xbf16>
          %parallel_loop3A_907 = tpu.unpack_subelements %parallel_loop3A_906, 0 {pack_format = #tpu.pack_format<interleaved>} : vector<32xbf16> -> vector<16xf32>
          %parallel_loop3A_908 = tpu.unpack_subelements %parallel_loop3A_906, 1 {pack_format = #tpu.pack_format<interleaved>} : vector<32xbf16> -> vector<16xf32>
          %parallel_loop3A_909 = tpu.vector_load_idx %arg13[%broadcast_in_dim3A_745, %broadcast_in_dim3A_745, %parallel_loop3A_902] : memref<2x256x80xi32, #tpu.memory_space<vmem>>[vector<16xi32>, vector<16xi32>, vector<16xi32>], vector<16xi32>,
          %parallel_loop3A_910 = vector.bitcast %parallel_loop3A_909 : vector<16xi32> to vector<32xbf16>
          %parallel_loop3A_911 = tpu.unpack_subelements %parallel_loop3A_910, 0 {pack_format = #tpu.pack_format<interleaved>} : vector<32xbf16> -> vector<16xf32>
          %parallel_loop3A_912 = tpu.unpack_subelements %parallel_loop3A_910, 1 {pack_format = #tpu.pack_format<interleaved>} : vector<32xbf16> -> vector<16xf32>
          %parallel_loop3A_913 = tpu.vector_load_idx %arg13[%broadcast_in_dim3A_745, %broadcast_in_dim3A_745, %parallel_loop3A_903] : memref<2x256x80xi32, #tpu.memory_space<vmem>>[vector<16xi32>, vector<16xi32>, vector<16xi32>], vector<16xi32>,
          %parallel_loop3A_914 = vector.bitcast %parallel_loop3A_913 : vector<16xi32> to vector<32xbf16>
          %parallel_loop3A_915 = tpu.unpack_subelements %parallel_loop3A_914, 0 {pack_format = #tpu.pack_format<interleaved>} : vector<32xbf16> -> vector<16xf32>
          %parallel_loop3A_916 = tpu.unpack_subelements %parallel_loop3A_914, 1 {pack_format = #tpu.pack_format<interleaved>} : vector<32xbf16> -> vector<16xf32>
          %parallel_loop3A_917 = tpu.vector_load_idx %arg13[%broadcast_in_dim3A_745, %broadcast_in_dim3A_745, %parallel_loop3A_904] : memref<2x256x80xi32, #tpu.memory_space<vmem>>[vector<16xi32>, vector<16xi32>, vector<16xi32>], vector<16xi32>,
          %parallel_loop3A_918 = vector.bitcast %parallel_loop3A_917 : vector<16xi32> to vector<32xbf16>
          %parallel_loop3A_919 = tpu.unpack_subelements %parallel_loop3A_918, 0 {pack_format = #tpu.pack_format<interleaved>} : vector<32xbf16> -> vector<16xf32>
          %parallel_loop3A_920 = tpu.unpack_subelements %parallel_loop3A_918, 1 {pack_format = #tpu.pack_format<interleaved>} : vector<32xbf16> -> vector<16xf32>
          %parallel_loop3A_921 = arith.mulf %get3A_784, %parallel_loop3A_907 : vector<16xf32>
          %parallel_loop3A_922 = arith.mulf %get3A_788, %parallel_loop3A_911 : vector<16xf32>
          %parallel_loop3A_923 = arith.addf %parallel_loop3A_921, %parallel_loop3A_922 : vector<16xf32>
          %parallel_loop3A_924 = arith.mulf %get3A_792, %parallel_loop3A_915 : vector<16xf32>
          %parallel_loop3A_925 = arith.mulf %get3A_796, %parallel_loop3A_919 : vector<16xf32>
          %parallel_loop3A_926 = arith.addf %parallel_loop3A_924, %parallel_loop3A_925 : vector<16xf32>
          %parallel_loop3A_927 = arith.addf %parallel_loop3A_923, %parallel_loop3A_926 : vector<16xf32>
          %parallel_loop3A_928 = arith.constant 2 : i32
          %parallel_loop3A_929 = arith.muli %parallel_loop3A_928, %parallel_loop3A_900 : i32
          %parallel_loop3A_930 = arith.constant 128 : i32
          %parallel_loop3A_931 = arith.divsi %multiple_of3A, %parallel_loop3A_930 : i32
          %parallel_loop3A_932 = arith.constant 0 : i32
          %parallel_loop3A_933 = arith.cmpi sgt, %multiple_of3A, %parallel_loop3A_932 : i32
          %parallel_loop3A_934 = arith.extui %parallel_loop3A_933 : i1 to i32
          %parallel_loop3A_935 = arith.constant 0 : i32
          %parallel_loop3A_936 = arith.cmpi slt, %multiple_of3A, %parallel_loop3A_935 : i32
          %parallel_loop3A_937 = arith.extui %parallel_loop3A_936 : i1 to i32
          %parallel_loop3A_938 = arith.subi %parallel_loop3A_934, %parallel_loop3A_937 : i32
          %parallel_loop3A_939 = arith.constant 0 : i32
          %parallel_loop3A_940 = arith.cmpi sgt, %parallel_loop3A_930, %parallel_loop3A_939 : i32
          %parallel_loop3A_941 = arith.extui %parallel_loop3A_940 : i1 to i32
          %parallel_loop3A_942 = arith.constant 0 : i32
          %parallel_loop3A_943 = arith.cmpi slt, %parallel_loop3A_930, %parallel_loop3A_942 : i32
          %parallel_loop3A_944 = arith.extui %parallel_loop3A_943 : i1 to i32
          %parallel_loop3A_945 = arith.subi %parallel_loop3A_941, %parallel_loop3A_944 : i32
          %parallel_loop3A_946 = arith.cmpi ne, %parallel_loop3A_938, %parallel_loop3A_945 : i32
          %parallel_loop3A_947 = arith.remsi %multiple_of3A, %parallel_loop3A_930 : i32
          %parallel_loop3A_948 = arith.constant 0 : i32
          %parallel_loop3A_949 = arith.cmpi ne, %parallel_loop3A_947, %parallel_loop3A_948 : i32
          %parallel_loop3A_950 = arith.andi %parallel_loop3A_946, %parallel_loop3A_949 : i1
          %parallel_loop3A_951 = arith.constant 1 : i32
          %parallel_loop3A_952 = arith.subi %parallel_loop3A_931, %parallel_loop3A_951 : i32
          %parallel_loop3A_953 = arith.select %parallel_loop3A_950, %parallel_loop3A_952, %parallel_loop3A_931 : i32
          %parallel_loop3A_954 = arith.constant 128 : i32
          %parallel_loop3A_955 = arith.constant 0 : i32
          %parallel_loop3A_956 = arith.cmpi eq, %parallel_loop3A_954, %parallel_loop3A_955 : i32
          %parallel_loop3A_957 = arith.constant 1 : i32
          %parallel_loop3A_958 = arith.select %parallel_loop3A_956, %parallel_loop3A_957, %parallel_loop3A_954 : i32
          %parallel_loop3A_959 = arith.remsi %multiple_of3A, %parallel_loop3A_958 : i32
          %parallel_loop3A_960 = arith.constant 0 : i32
          %parallel_loop3A_961 = arith.cmpi ne, %parallel_loop3A_959, %parallel_loop3A_960 : i32
          %parallel_loop3A_962 = arith.constant 0 : i32
          %parallel_loop3A_963 = arith.cmpi slt, %parallel_loop3A_959, %parallel_loop3A_962 : i32
          %parallel_loop3A_964 = arith.constant 0 : i32
          %parallel_loop3A_965 = arith.cmpi slt, %parallel_loop3A_958, %parallel_loop3A_964 : i32
          %parallel_loop3A_966 = arith.xori %parallel_loop3A_963, %parallel_loop3A_965 : i1
          %parallel_loop3A_967 = arith.andi %parallel_loop3A_966, %parallel_loop3A_961 : i1
          %parallel_loop3A_968 = arith.addi %parallel_loop3A_959, %parallel_loop3A_958 : i32
          %parallel_loop3A_969 = arith.select %parallel_loop3A_967, %parallel_loop3A_968, %parallel_loop3A_959 : i32
          %parallel_loop3A_970 = arith.constant 1 : i32
          %parallel_loop3A_971 = arith.constant 0 : i32
          %parallel_loop3A_972 = arith.constant 0 : i32
          %parallel_loop3A_973 = arith.constant 0 : i32
          %parallel_loop3A_974 = arith.index_cast %parallel_loop3A_970 : i32 to index
          %parallel_loop3A_975 = arith.index_cast %parallel_loop3A_971 : i32 to index
          %parallel_loop3A_976 = arith.index_cast %parallel_loop3A_929 : i32 to index
          %parallel_loop3A_977 = arith.index_cast %parallel_loop3A_972 : i32 to index
          %parallel_loop3A_978 = arith.index_cast %parallel_loop3A_973 : i32 to index
          %parallel_loop3A_979 = arith.index_cast %parallel_loop3A_953 : i32 to index
          %parallel_loop3A_980 = arith.index_cast %parallel_loop3A_969 : i32 to index
          %parallel_loop3A_981 = tpu.vector_load %arg14[%parallel_loop3A_974, %parallel_loop3A_975, %parallel_loop3A_976, %parallel_loop3A_977, %parallel_loop3A_978, %parallel_loop3A_979, %parallel_loop3A_980] {strides = array<i32>} : memref<2x1x33x1x1x2x128xf32, #tpu.memory_space<vmem>>, vector<16xf32>,
          tpu.vector_store %arg14[%parallel_loop3A_974, %parallel_loop3A_975, %parallel_loop3A_976, %parallel_loop3A_977, %parallel_loop3A_978, %parallel_loop3A_979, %parallel_loop3A_980], %parallel_loop3A_927 {strides = array<i32>} : memref<2x1x33x1x1x2x128xf32, #tpu.memory_space<vmem>>, vector<16xf32>,
          %parallel_loop3A_982 = arith.mulf %get3A_784, %parallel_loop3A_908 : vector<16xf32>
          %parallel_loop3A_983 = arith.mulf %get3A_788, %parallel_loop3A_912 : vector<16xf32>
          %parallel_loop3A_984 = arith.addf %parallel_loop3A_982, %parallel_loop3A_983 : vector<16xf32>
          %parallel_loop3A_985 = arith.mulf %get3A_792, %parallel_loop3A_916 : vector<16xf32>
          %parallel_loop3A_986 = arith.mulf %get3A_796, %parallel_loop3A_920 : vector<16xf32>
          %parallel_loop3A_987 = arith.addf %parallel_loop3A_985, %parallel_loop3A_986 : vector<16xf32>
          %parallel_loop3A_988 = arith.addf %parallel_loop3A_984, %parallel_loop3A_987 : vector<16xf32>
          %parallel_loop3A_989 = arith.constant 2 : i32
          %parallel_loop3A_990 = arith.muli %parallel_loop3A_989, %parallel_loop3A_900 : i32
          %parallel_loop3A_991 = arith.constant 1 : i32
          %parallel_loop3A_992 = arith.addi %parallel_loop3A_990, %parallel_loop3A_991 : i32
          %parallel_loop3A_993 = arith.constant 128 : i32
          %parallel_loop3A_994 = arith.divsi %multiple_of3A, %parallel_loop3A_993 : i32
          %parallel_loop3A_995 = arith.constant 0 : i32
          %parallel_loop3A_996 = arith.cmpi sgt, %multiple_of3A, %parallel_loop3A_995 : i32
          %parallel_loop3A_997 = arith.extui %parallel_loop3A_996 : i1 to i32
          %parallel_loop3A_998 = arith.constant 0 : i32
          %parallel_loop3A_999 = arith.cmpi slt, %multiple_of3A, %parallel_loop3A_998 : i32
          %parallel_loop3A_1000 = arith.extui %parallel_loop3A_999 : i1 to i32
          %parallel_loop3A_1001 = arith.subi %parallel_loop3A_997, %parallel_loop3A_1000 : i32
          %parallel_loop3A_1002 = arith.constant 0 : i32
          %parallel_loop3A_1003 = arith.cmpi sgt, %parallel_loop3A_993, %parallel_loop3A_1002 : i32
          %parallel_loop3A_1004 = arith.extui %parallel_loop3A_1003 : i1 to i32
          %parallel_loop3A_1005 = arith.constant 0 : i32
          %parallel_loop3A_1006 = arith.cmpi slt, %parallel_loop3A_993, %parallel_loop3A_1005 : i32
          %parallel_loop3A_1007 = arith.extui %parallel_loop3A_1006 : i1 to i32
          %parallel_loop3A_1008 = arith.subi %parallel_loop3A_1004, %parallel_loop3A_1007 : i32
          %parallel_loop3A_1009 = arith.cmpi ne, %parallel_loop3A_1001, %parallel_loop3A_1008 : i32
          %parallel_loop3A_1010 = arith.remsi %multiple_of3A, %parallel_loop3A_993 : i32
          %parallel_loop3A_1011 = arith.constant 0 : i32
          %parallel_loop3A_1012 = arith.cmpi ne, %parallel_loop3A_1010, %parallel_loop3A_1011 : i32
          %parallel_loop3A_1013 = arith.andi %parallel_loop3A_1009, %parallel_loop3A_1012 : i1
          %parallel_loop3A_1014 = arith.constant 1 : i32
          %parallel_loop3A_1015 = arith.subi %parallel_loop3A_994, %parallel_loop3A_1014 : i32
          %parallel_loop3A_1016 = arith.select %parallel_loop3A_1013, %parallel_loop3A_1015, %parallel_loop3A_994 : i32
          %parallel_loop3A_1017 = arith.constant 128 : i32
          %parallel_loop3A_1018 = arith.constant 0 : i32
          %parallel_loop3A_1019 = arith.cmpi eq, %parallel_loop3A_1017, %parallel_loop3A_1018 : i32
          %parallel_loop3A_1020 = arith.constant 1 : i32
          %parallel_loop3A_1021 = arith.select %parallel_loop3A_1019, %parallel_loop3A_1020, %parallel_loop3A_1017 : i32
          %parallel_loop3A_1022 = arith.remsi %multiple_of3A, %parallel_loop3A_1021 : i32
          %parallel_loop3A_1023 = arith.constant 0 : i32
          %parallel_loop3A_1024 = arith.cmpi ne, %parallel_loop3A_1022, %parallel_loop3A_1023 : i32
          %parallel_loop3A_1025 = arith.constant 0 : i32
          %parallel_loop3A_1026 = arith.cmpi slt, %parallel_loop3A_1022, %parallel_loop3A_1025 : i32
          %parallel_loop3A_1027 = arith.constant 0 : i32
          %parallel_loop3A_1028 = arith.cmpi slt, %parallel_loop3A_1021, %parallel_loop3A_1027 : i32
          %parallel_loop3A_1029 = arith.xori %parallel_loop3A_1026, %parallel_loop3A_1028 : i1
          %parallel_loop3A_1030 = arith.andi %parallel_loop3A_1029, %parallel_loop3A_1024 : i1
          %parallel_loop3A_1031 = arith.addi %parallel_loop3A_1022, %parallel_loop3A_1021 : i32
          %parallel_loop3A_1032 = arith.select %parallel_loop3A_1030, %parallel_loop3A_1031, %parallel_loop3A_1022 : i32
          %parallel_loop3A_1033 = arith.constant 1 : i32
          %parallel_loop3A_1034 = arith.constant 0 : i32
          %parallel_loop3A_1035 = arith.constant 0 : i32
          %parallel_loop3A_1036 = arith.constant 0 : i32
          %parallel_loop3A_1037 = arith.index_cast %parallel_loop3A_1033 : i32 to index
          %parallel_loop3A_1038 = arith.index_cast %parallel_loop3A_1034 : i32 to index
          %parallel_loop3A_1039 = arith.index_cast %parallel_loop3A_992 : i32 to index
          %parallel_loop3A_1040 = arith.index_cast %parallel_loop3A_1035 : i32 to index
          %parallel_loop3A_1041 = arith.index_cast %parallel_loop3A_1036 : i32 to index
          %parallel_loop3A_1042 = arith.index_cast %parallel_loop3A_1016 : i32 to index
          %parallel_loop3A_1043 = arith.index_cast %parallel_loop3A_1032 : i32 to index
          %parallel_loop3A_1044 = tpu.vector_load %arg14[%parallel_loop3A_1037, %parallel_loop3A_1038, %parallel_loop3A_1039, %parallel_loop3A_1040, %parallel_loop3A_1041, %parallel_loop3A_1042, %parallel_loop3A_1043] {strides = array<i32>} : memref<2x1x33x1x1x2x128xf32, #tpu.memory_space<vmem>>, vector<16xf32>,
          tpu.vector_store %arg14[%parallel_loop3A_1037, %parallel_loop3A_1038, %parallel_loop3A_1039, %parallel_loop3A_1040, %parallel_loop3A_1041, %parallel_loop3A_1042, %parallel_loop3A_1043], %parallel_loop3A_988 {strides = array<i32>} : memref<2x1x33x1x1x2x128xf32, #tpu.memory_space<vmem>>, vector<16xf32>,
          %parallel_loop3A_1045 = arith.constant 1 : i32
          %parallel_loop3A_1046 = vector.broadcast %parallel_loop3A_1045 : i32 to vector<16xi32>
          %parallel_loop3A_1047 = arith.addi %parallel_loop3A_901, %parallel_loop3A_1046 : vector<16xi32>
          %parallel_loop3A_1048 = arith.constant 1 : i32
          %parallel_loop3A_1049 = vector.broadcast %parallel_loop3A_1048 : i32 to vector<16xi32>
          %parallel_loop3A_1050 = arith.addi %parallel_loop3A_902, %parallel_loop3A_1049 : vector<16xi32>
          %parallel_loop3A_1051 = arith.constant 1 : i32
          %parallel_loop3A_1052 = vector.broadcast %parallel_loop3A_1051 : i32 to vector<16xi32>
          %parallel_loop3A_1053 = arith.addi %parallel_loop3A_903, %parallel_loop3A_1052 : vector<16xi32>
          %parallel_loop3A_1054 = arith.constant 1 : i32
          %parallel_loop3A_1055 = vector.broadcast %parallel_loop3A_1054 : i32 to vector<16xi32>
          %parallel_loop3A_1056 = arith.addi %parallel_loop3A_904, %parallel_loop3A_1055 : vector<16xi32>
          scf.yield %parallel_loop3A_1047, %parallel_loop3A_1050, %parallel_loop3A_1053, %parallel_loop3A_1056 : vector<16xi32>, vector<16xi32>, vector<16xi32>, vector<16xi32>
        } {sc.loop_unroll_factor = 4 : i64, sc.parallel_access}
        %gather3A = tpu.vector_load_idx %arg13[%broadcast_in_dim3A_745, %broadcast_in_dim3A_745, %parallel_loop3A_815#0] : memref<2x256x80xi32, #tpu.memory_space<vmem>>[vector<16xi32>, vector<16xi32>, vector<16xi32>], vector<16xi32>,
        %bitcast3A = vector.bitcast %gather3A : vector<16xi32> to vector<32xbf16>
        %unpack3A = tpu.unpack_subelements %bitcast3A, 0 {pack_format = #tpu.pack_format<interleaved>} : vector<32xbf16> -> vector<16xf32>
        %unpack3A_816 = tpu.unpack_subelements %bitcast3A, 1 {pack_format = #tpu.pack_format<interleaved>} : vector<32xbf16> -> vector<16xf32>
        %gather3A_817 = tpu.vector_load_idx %arg13[%broadcast_in_dim3A_745, %broadcast_in_dim3A_745, %parallel_loop3A_815#1] : memref<2x256x80xi32, #tpu.memory_space<vmem>>[vector<16xi32>, vector<16xi32>, vector<16xi32>], vector<16xi32>,
        %bitcast3A_818 = vector.bitcast %gather3A_817 : vector<16xi32> to vector<32xbf16>
        %unpack3A_819 = tpu.unpack_subelements %bitcast3A_818, 0 {pack_format = #tpu.pack_format<interleaved>} : vector<32xbf16> -> vector<16xf32>
        %unpack3A_820 = tpu.unpack_subelements %bitcast3A_818, 1 {pack_format = #tpu.pack_format<interleaved>} : vector<32xbf16> -> vector<16xf32>
        %gather3A_821 = tpu.vector_load_idx %arg13[%broadcast_in_dim3A_745, %broadcast_in_dim3A_745, %parallel_loop3A_815#2] : memref<2x256x80xi32, #tpu.memory_space<vmem>>[vector<16xi32>, vector<16xi32>, vector<16xi32>], vector<16xi32>,
        %bitcast3A_822 = vector.bitcast %gather3A_821 : vector<16xi32> to vector<32xbf16>
        %unpack3A_823 = tpu.unpack_subelements %bitcast3A_822, 0 {pack_format = #tpu.pack_format<interleaved>} : vector<32xbf16> -> vector<16xf32>
        %unpack3A_824 = tpu.unpack_subelements %bitcast3A_822, 1 {pack_format = #tpu.pack_format<interleaved>} : vector<32xbf16> -> vector<16xf32>
        %gather3A_825 = tpu.vector_load_idx %arg13[%broadcast_in_dim3A_745, %broadcast_in_dim3A_745, %parallel_loop3A_815#3] : memref<2x256x80xi32, #tpu.memory_space<vmem>>[vector<16xi32>, vector<16xi32>, vector<16xi32>], vector<16xi32>,
        %bitcast3A_826 = vector.bitcast %gather3A_825 : vector<16xi32> to vector<32xbf16>
        %unpack3A_827 = tpu.unpack_subelements %bitcast3A_826, 0 {pack_format = #tpu.pack_format<interleaved>} : vector<32xbf16> -> vector<16xf32>
        %unpack3A_828 = tpu.unpack_subelements %bitcast3A_826, 1 {pack_format = #tpu.pack_format<interleaved>} : vector<32xbf16> -> vector<16xf32>
        %mul3A_829 = arith.mulf %get3A_784, %unpack3A : vector<16xf32>
        %mul3A_830 = arith.mulf %get3A_788, %unpack3A_819 : vector<16xf32>
        %add3A_831 = arith.addf %mul3A_829, %mul3A_830 : vector<16xf32>
        %mul3A_832 = arith.mulf %get3A_792, %unpack3A_823 : vector<16xf32>
        %mul3A_833 = arith.mulf %get3A_796, %unpack3A_827 : vector<16xf32>
        %add3A_834 = arith.addf %mul3A_832, %mul3A_833 : vector<16xf32>
        %add3A_835 = arith.addf %add3A_831, %add3A_834 : vector<16xf32>
        %jit3A_836 = arith.constant 128 : i32
        %div3A_837 = arith.divsi %multiple_of3A, %jit3A_836 : i32
        %sign3A_838 = arith.constant 0 : i32
        %sign3A_839 = arith.cmpi sgt, %multiple_of3A, %sign3A_838 : i32
        %sign3A_840 = arith.extui %sign3A_839 : i1 to i32
        %sign3A_841 = arith.constant 0 : i32
        %sign3A_842 = arith.cmpi slt, %multiple_of3A, %sign3A_841 : i32
        %sign3A_843 = arith.extui %sign3A_842 : i1 to i32
        %sign3A_844 = arith.subi %sign3A_840, %sign3A_843 : i32
        %sign3A_845 = arith.constant 0 : i32
        %sign3A_846 = arith.cmpi sgt, %jit3A_836, %sign3A_845 : i32
        %sign3A_847 = arith.extui %sign3A_846 : i1 to i32
        %sign3A_848 = arith.constant 0 : i32
        %sign3A_849 = arith.cmpi slt, %jit3A_836, %sign3A_848 : i32
        %sign3A_850 = arith.extui %sign3A_849 : i1 to i32
        %sign3A_851 = arith.subi %sign3A_847, %sign3A_850 : i32
        %ne3A_852 = arith.cmpi ne, %sign3A_844, %sign3A_851 : i32
        %rem3A_853 = arith.remsi %multiple_of3A, %jit3A_836 : i32
        %ne3A_854 = arith.constant 0 : i32
        %ne3A_855 = arith.cmpi ne, %rem3A_853, %ne3A_854 : i32
        %and3A_856 = arith.andi %ne3A_852, %ne3A_855 : i1
        %sub3A_857 = arith.constant 1 : i32
        %sub3A_858 = arith.subi %div3A_837, %sub3A_857 : i32
        %select_n3A_859 = arith.select %and3A_856, %sub3A_858, %div3A_837 : i32
        %jit3A_860 = arith.constant 128 : i32
        %eq3A_861 = arith.constant 0 : i32
        %eq3A_862 = arith.cmpi eq, %jit3A_860, %eq3A_861 : i32
        %jit3A_863 = arith.constant 1 : i32
        %select_n3A_864 = arith.select %eq3A_862, %jit3A_863, %jit3A_860 : i32
        %rem3A_865 = arith.remsi %multiple_of3A, %select_n3A_864 : i32
        %ne3A_866 = arith.constant 0 : i32
        %ne3A_867 = arith.cmpi ne, %rem3A_865, %ne3A_866 : i32
        %lt3A_868 = arith.constant 0 : i32
        %lt3A_869 = arith.cmpi slt, %rem3A_865, %lt3A_868 : i32
        %lt3A_870 = arith.constant 0 : i32
        %lt3A_871 = arith.cmpi slt, %select_n3A_864, %lt3A_870 : i32
        %ne3A_872 = arith.xori %lt3A_869, %lt3A_871 : i1
        %and3A_873 = arith.andi %ne3A_872, %ne3A_867 : i1
        %add3A_874 = arith.addi %rem3A_865, %select_n3A_864 : i32
        %select_n3A_875 = arith.select %and3A_873, %add3A_874, %rem3A_865 : i32
        %swap3A = arith.constant 1 : i32
        %swap3A_876 = arith.constant 0 : i32
        %swap3A_877 = arith.constant 32 : i32
        %swap3A_878 = arith.constant 0 : i32
        %swap3A_879 = arith.constant 0 : i32
        %swap3A_880 = arith.index_cast %swap3A : i32 to index
        %swap3A_881 = arith.index_cast %swap3A_876 : i32 to index
        %swap3A_882 = arith.index_cast %swap3A_877 : i32 to index
        %swap3A_883 = arith.index_cast %swap3A_878 : i32 to index
        %swap3A_884 = arith.index_cast %swap3A_879 : i32 to index
        %swap3A_885 = arith.index_cast %select_n3A_859 : i32 to index
        %swap3A_886 = arith.index_cast %select_n3A_875 : i32 to index
        %swap3A_887 = tpu.vector_load %arg14[%swap3A_880, %swap3A_881, %swap3A_882, %swap3A_883, %swap3A_884, %swap3A_885, %swap3A_886] {strides = array<i32>} : memref<2x1x33x1x1x2x128xf32, #tpu.memory_space<vmem>>, vector<16xf32>,
        tpu.vector_store %arg14[%swap3A_880, %swap3A_881, %swap3A_882, %swap3A_883, %swap3A_884, %swap3A_885, %swap3A_886], %add3A_835 {strides = array<i32>} : memref<2x1x33x1x1x2x128xf32, #tpu.memory_space<vmem>>, vector<16xf32>,
        %add3A_888 = arith.constant 1 : i32
        %add3A_889 = vector.broadcast %add3A_888 : i32 to vector<16xi32>
        %add3A_890 = arith.addi %parallel_loop3A_815#0, %add3A_889 : vector<16xi32>
        %add3A_891 = arith.constant 1 : i32
        %add3A_892 = vector.broadcast %add3A_891 : i32 to vector<16xi32>
        %add3A_893 = arith.addi %parallel_loop3A_815#1, %add3A_892 : vector<16xi32>
        %add3A_894 = arith.constant 1 : i32
        %add3A_895 = vector.broadcast %add3A_894 : i32 to vector<16xi32>
        %add3A_896 = arith.addi %parallel_loop3A_815#2, %add3A_895 : vector<16xi32>
        %add3A_897 = arith.constant 1 : i32
        %add3A_898 = vector.broadcast %add3A_897 : i32 to vector<16xi32>
        %add3A_899 = arith.addi %parallel_loop3A_815#3, %add3A_898 : vector<16xi32>
      }
      %scan3A_755 = arith.constant 16 : i32
      %dma_start3A_756 = arith.constant 1 : i32
      %dma_start3A_757 = arith.constant 0 : i32
      %dma_start3A_758 = arith.constant 0 : i32
      %dma_start3A_759 = arith.constant 0 : i32
      %dma_start3A_760 = arith.constant 0 : i32
      %dma_start3A_761 = arith.constant 0 : i32
      %dma_start3A_762 = arith.constant 0 : i32
      %dma_start3A_763 = tpu.memref_slice %arg14[%dma_start3A_756, %dma_start3A_757, %dma_start3A_758, %dma_start3A_759, %dma_start3A_760, %dma_start3A_761, %dma_start3A_762] : memref<2x1x33x1x1x2x128xf32, #tpu.memory_space<vmem>> -> memref<1x1x33x1x1x2x128xf32, #tpu.memory_space<vmem>>
      %dma_start3A_764 = tpu.memref_squeeze %dma_start3A_763 : memref<1x1x33x1x1x2x128xf32, #tpu.memory_space<vmem>> -> memref<1x33x1x1x2x128xf32, #tpu.memory_space<vmem>>
      %dma_start3A_765 = arith.constant 0 : i32
      %dma_start3A_766 = arith.constant 0 : i32
      %dma_start3A_767 = tpu.memref_slice %arg5[%select_n3A_640, %dma_start3A_765, %select_n3A_680, %select_n3A_720, %mul3A_738, %dma_start3A_766] : memref<4x33x64x4x8x128xf32, #tpu.memory_space<hbm>> -> memref<1x33x1x1x2x128xf32, #tpu.memory_space<hbm>>
      %dma_start3A_768 = arith.constant 0 : i32
      %dma_start3A_769 = arith.constant 0 : i32
      %dma_start3A_770 = tpu.memref_slice %arg5[%select_n3A_640, %dma_start3A_768, %select_n3A_680, %select_n3A_720, %mul3A_738, %dma_start3A_769] : memref<4x33x64x4x8x128xf32, #tpu.memory_space<hbm>> -> memref<1x33x1x1x2x128xf32, #tpu.memory_space<hbm>>
      %dma_start3A_771 = arith.constant 0 : i32
      %dma_start3A_772 = arith.constant 0 : i32
      %dma_start3A_773 = arith.constant 0 : i32
      %dma_start3A_774 = arith.constant 0 : i32
      %dma_start3A_775 = arith.constant 0 : i32
      %dma_start3A_776 = arith.constant 0 : i32
      %dma_start3A_777 = tpu.memref_slice %arg14[%dma_start3A_756, %dma_start3A_771, %dma_start3A_772, %dma_start3A_773, %dma_start3A_774, %dma_start3A_775, %dma_start3A_776] : memref<2x1x33x1x1x2x128xf32, #tpu.memory_space<vmem>> -> memref<1x1x33x1x1x2x128xf32, #tpu.memory_space<vmem>>
      %dma_start3A_778 = tpu.memref_squeeze %dma_start3A_777 : memref<1x1x33x1x1x2x128xf32, #tpu.memory_space<vmem>> -> memref<1x33x1x1x2x128xf32, #tpu.memory_space<vmem>>
      tpu.enqueue_dma source(%dma_start3A_778 : memref<1x33x1x1x2x128xf32, #tpu.memory_space<vmem>>) target(%dma_start3A_770 : memref<1x33x1x1x2x128xf32, #tpu.memory_space<hbm>>) target_semaphore(%arg20 : memref<!tpu.dma_semaphore, #tpu.memory_space<semaphore_mem>>)
    }
    %scan3A_98 = arith.constant 64 : i32
    %add3A_99 = arith.constant 128 : i32
    %add3A_100 = arith.addi %mul3A_2, %add3A_99 : i32
    %sub3A = arith.constant 2 : i32
    %sub3A_101 = arith.subi %add3A_100, %sub3A : i32
    %add3A_102 = arith.constant 0 : i32
    %add3A_103 = arith.addi %sub3A_101, %add3A_102 : i32
    %jit3A = arith.constant 1024 : i32
    %div3A = arith.divsi %add3A_103, %jit3A : i32
    %sign3A = arith.constant 0 : i32
    %sign3A_104 = arith.cmpi sgt, %add3A_103, %sign3A : i32
    %sign3A_105 = arith.extui %sign3A_104 : i1 to i32
    %sign3A_106 = arith.constant 0 : i32
    %sign3A_107 = arith.cmpi slt, %add3A_103, %sign3A_106 : i32
    %sign3A_108 = arith.extui %sign3A_107 : i1 to i32
    %sign3A_109 = arith.subi %sign3A_105, %sign3A_108 : i32
    %sign3A_110 = arith.constant 0 : i32
    %sign3A_111 = arith.cmpi sgt, %jit3A, %sign3A_110 : i32
    %sign3A_112 = arith.extui %sign3A_111 : i1 to i32
    %sign3A_113 = arith.constant 0 : i32
    %sign3A_114 = arith.cmpi slt, %jit3A, %sign3A_113 : i32
    %sign3A_115 = arith.extui %sign3A_114 : i1 to i32
    %sign3A_116 = arith.subi %sign3A_112, %sign3A_115 : i32
    %ne3A = arith.cmpi ne, %sign3A_109, %sign3A_116 : i32
    %rem3A = arith.remsi %add3A_103, %jit3A : i32
    %ne3A_117 = arith.constant 0 : i32
    %ne3A_118 = arith.cmpi ne, %rem3A, %ne3A_117 : i32
    %and3A = arith.andi %ne3A, %ne3A_118 : i1
    %sub3A_119 = arith.constant 1 : i32
    %sub3A_120 = arith.subi %div3A, %sub3A_119 : i32
    %select_n3A = arith.select %and3A, %sub3A_120, %div3A : i32
    %jit3A_121 = arith.constant 16 : i32
    %div3A_122 = arith.divsi %add3A_103, %jit3A_121 : i32
    %sign3A_123 = arith.constant 0 : i32
    %sign3A_124 = arith.cmpi sgt, %add3A_103, %sign3A_123 : i32
    %sign3A_125 = arith.extui %sign3A_124 : i1 to i32
    %sign3A_126 = arith.constant 0 : i32
    %sign3A_127 = arith.cmpi slt, %add3A_103, %sign3A_126 : i32
    %sign3A_128 = arith.extui %sign3A_127 : i1 to i32
    %sign3A_129 = arith.subi %sign3A_125, %sign3A_128 : i32
    %sign3A_130 = arith.constant 0 : i32
    %sign3A_131 = arith.cmpi sgt, %jit3A_121, %sign3A_130 : i32
    %sign3A_132 = arith.extui %sign3A_131 : i1 to i32
    %sign3A_133 = arith.constant 0 : i32
    %sign3A_134 = arith.cmpi slt, %jit3A_121, %sign3A_133 : i32
    %sign3A_135 = arith.extui %sign3A_134 : i1 to i32
    %sign3A_136 = arith.subi %sign3A_132, %sign3A_135 : i32
    %ne3A_137 = arith.cmpi ne, %sign3A_129, %sign3A_136 : i32
    %rem3A_138 = arith.remsi %add3A_103, %jit3A_121 : i32
    %ne3A_139 = arith.constant 0 : i32
    %ne3A_140 = arith.cmpi ne, %rem3A_138, %ne3A_139 : i32
    %and3A_141 = arith.andi %ne3A_137, %ne3A_140 : i1
    %sub3A_142 = arith.constant 1 : i32
    %sub3A_143 = arith.subi %div3A_122, %sub3A_142 : i32
    %select_n3A_144 = arith.select %and3A_141, %sub3A_143, %div3A_122 : i32
    %jit3A_145 = arith.constant 64 : i32
    %eq3A = arith.constant 0 : i32
    %eq3A_146 = arith.cmpi eq, %jit3A_145, %eq3A : i32
    %jit3A_147 = arith.constant 1 : i32
    %select_n3A_148 = arith.select %eq3A_146, %jit3A_147, %jit3A_145 : i32
    %rem3A_149 = arith.remsi %select_n3A_144, %select_n3A_148 : i32
    %ne3A_150 = arith.constant 0 : i32
    %ne3A_151 = arith.cmpi ne, %rem3A_149, %ne3A_150 : i32
    %lt3A = arith.constant 0 : i32
    %lt3A_152 = arith.cmpi slt, %rem3A_149, %lt3A : i32
    %lt3A_153 = arith.constant 0 : i32
    %lt3A_154 = arith.cmpi slt, %select_n3A_148, %lt3A_153 : i32
    %ne3A_155 = arith.xori %lt3A_152, %lt3A_154 : i1
    %and3A_156 = arith.andi %ne3A_155, %ne3A_151 : i1
    %add3A_157 = arith.addi %rem3A_149, %select_n3A_148 : i32
    %select_n3A_158 = arith.select %and3A_156, %add3A_157, %rem3A_149 : i32
    %jit3A_159 = arith.constant 4 : i32
    %div3A_160 = arith.divsi %add3A_103, %jit3A_159 : i32
    %sign3A_161 = arith.constant 0 : i32
    %sign3A_162 = arith.cmpi sgt, %add3A_103, %sign3A_161 : i32
    %sign3A_163 = arith.extui %sign3A_162 : i1 to i32
    %sign3A_164 = arith.constant 0 : i32
    %sign3A_165 = arith.cmpi slt, %add3A_103, %sign3A_164 : i32
    %sign3A_166 = arith.extui %sign3A_165 : i1 to i32
    %sign3A_167 = arith.subi %sign3A_163, %sign3A_166 : i32
    %sign3A_168 = arith.constant 0 : i32
    %sign3A_169 = arith.cmpi sgt, %jit3A_159, %sign3A_168 : i32
    %sign3A_170 = arith.extui %sign3A_169 : i1 to i32
    %sign3A_171 = arith.constant 0 : i32
    %sign3A_172 = arith.cmpi slt, %jit3A_159, %sign3A_171 : i32
    %sign3A_173 = arith.extui %sign3A_172 : i1 to i32
    %sign3A_174 = arith.subi %sign3A_170, %sign3A_173 : i32
    %ne3A_175 = arith.cmpi ne, %sign3A_167, %sign3A_174 : i32
    %rem3A_176 = arith.remsi %add3A_103, %jit3A_159 : i32
    %ne3A_177 = arith.constant 0 : i32
    %ne3A_178 = arith.cmpi ne, %rem3A_176, %ne3A_177 : i32
    %and3A_179 = arith.andi %ne3A_175, %ne3A_178 : i1
    %sub3A_180 = arith.constant 1 : i32
    %sub3A_181 = arith.subi %div3A_160, %sub3A_180 : i32
    %select_n3A_182 = arith.select %and3A_179, %sub3A_181, %div3A_160 : i32
    %jit3A_183 = arith.constant 4 : i32
    %eq3A_184 = arith.constant 0 : i32
    %eq3A_185 = arith.cmpi eq, %jit3A_183, %eq3A_184 : i32
    %jit3A_186 = arith.constant 1 : i32
    %select_n3A_187 = arith.select %eq3A_185, %jit3A_186, %jit3A_183 : i32
    %rem3A_188 = arith.remsi %select_n3A_182, %select_n3A_187 : i32
    %ne3A_189 = arith.constant 0 : i32
    %ne3A_190 = arith.cmpi ne, %rem3A_188, %ne3A_189 : i32
    %lt3A_191 = arith.constant 0 : i32
    %lt3A_192 = arith.cmpi slt, %rem3A_188, %lt3A_191 : i32
    %lt3A_193 = arith.constant 0 : i32
    %lt3A_194 = arith.cmpi slt, %select_n3A_187, %lt3A_193 : i32
    %ne3A_195 = arith.xori %lt3A_192, %lt3A_194 : i1
    %and3A_196 = arith.andi %ne3A_195, %ne3A_190 : i1
    %add3A_197 = arith.addi %rem3A_188, %select_n3A_187 : i32
    %select_n3A_198 = arith.select %and3A_196, %add3A_197, %rem3A_188 : i32
    %jit3A_199 = arith.constant 4 : i32
    %eq3A_200 = arith.constant 0 : i32
    %eq3A_201 = arith.cmpi eq, %jit3A_199, %eq3A_200 : i32
    %jit3A_202 = arith.constant 1 : i32
    %select_n3A_203 = arith.select %eq3A_201, %jit3A_202, %jit3A_199 : i32
    %rem3A_204 = arith.remsi %add3A_103, %select_n3A_203 : i32
    %ne3A_205 = arith.constant 0 : i32
    %ne3A_206 = arith.cmpi ne, %rem3A_204, %ne3A_205 : i32
    %lt3A_207 = arith.constant 0 : i32
    %lt3A_208 = arith.cmpi slt, %rem3A_204, %lt3A_207 : i32
    %lt3A_209 = arith.constant 0 : i32
    %lt3A_210 = arith.cmpi slt, %select_n3A_203, %lt3A_209 : i32
    %ne3A_211 = arith.xori %lt3A_208, %lt3A_210 : i1
    %and3A_212 = arith.andi %ne3A_211, %ne3A_206 : i1
    %add3A_213 = arith.addi %rem3A_204, %select_n3A_203 : i32
    %select_n3A_214 = arith.select %and3A_212, %add3A_213, %rem3A_204 : i32
    %mul3A_215 = arith.constant 2 : i32
    %mul3A_216 = arith.muli %select_n3A_214, %mul3A_215 : i32
    %dma_wait3A_217 = arith.constant 0 : i32
    %dma_wait3A_218 = arith.constant 0 : i32
    %dma_wait3A_219 = arith.constant 0 : i32
    %dma_wait3A_220 = arith.constant 0 : i32
    %dma_wait3A_221 = arith.constant 0 : i32
    %dma_wait3A_222 = arith.constant 0 : i32
    %dma_wait3A_223 = arith.constant 0 : i32
    %dma_wait3A_224 = tpu.memref_slice %arg14[%dma_wait3A_217, %dma_wait3A_218, %dma_wait3A_219, %dma_wait3A_220, %dma_wait3A_221, %dma_wait3A_222, %dma_wait3A_223] : memref<2x1x33x1x1x2x128xf32, #tpu.memory_space<vmem>> -> memref<1x1x33x1x1x2x128xf32, #tpu.memory_space<vmem>>
    %dma_wait3A_225 = tpu.memref_squeeze %dma_wait3A_224 : memref<1x1x33x1x1x2x128xf32, #tpu.memory_space<vmem>> -> memref<1x33x1x1x2x128xf32, #tpu.memory_space<vmem>>
    %dma_wait3A_226 = arith.constant 0 : i32
    %dma_wait3A_227 = arith.constant 0 : i32
    %dma_wait3A_228 = tpu.memref_slice %arg5[%select_n3A, %dma_wait3A_226, %select_n3A_158, %select_n3A_198, %mul3A_216, %dma_wait3A_227] : memref<4x33x64x4x8x128xf32, #tpu.memory_space<hbm>> -> memref<1x33x1x1x2x128xf32, #tpu.memory_space<hbm>>
    %dma_wait3A_229 = arith.constant 0 : i32
    %dma_wait3A_230 = arith.constant 0 : i32
    %dma_wait3A_231 = tpu.memref_slice %arg5[%select_n3A, %dma_wait3A_229, %select_n3A_158, %select_n3A_198, %mul3A_216, %dma_wait3A_230] : memref<4x33x64x4x8x128xf32, #tpu.memory_space<hbm>> -> memref<1x33x1x1x2x128xf32, #tpu.memory_space<hbm>>
    %dma_wait3A_232 = arith.constant 0 : i32
    %dma_wait3A_233 = arith.constant 0 : i32
    %dma_wait3A_234 = arith.constant 0 : i32
    %dma_wait3A_235 = arith.constant 0 : i32
    %dma_wait3A_236 = arith.constant 0 : i32
    %dma_wait3A_237 = arith.constant 0 : i32
    %dma_wait3A_238 = tpu.memref_slice %arg14[%dma_wait3A_217, %dma_wait3A_232, %dma_wait3A_233, %dma_wait3A_234, %dma_wait3A_235, %dma_wait3A_236, %dma_wait3A_237] : memref<2x1x33x1x1x2x128xf32, #tpu.memory_space<vmem>> -> memref<1x1x33x1x1x2x128xf32, #tpu.memory_space<vmem>>
    %dma_wait3A_239 = tpu.memref_squeeze %dma_wait3A_238 : memref<1x1x33x1x1x2x128xf32, #tpu.memory_space<vmem>> -> memref<1x33x1x1x2x128xf32, #tpu.memory_space<vmem>>
    tpu.wait_dma2 semaphore(%arg19 : memref<!tpu.dma_semaphore, #tpu.memory_space<semaphore_mem>>) src(%dma_wait3A_239 : memref<1x33x1x1x2x128xf32, #tpu.memory_space<vmem>>) dst(%dma_wait3A_231 : memref<1x33x1x1x2x128xf32, #tpu.memory_space<hbm>>)
    %add3A_240 = arith.constant 128 : i32
    %add3A_241 = arith.addi %mul3A_2, %add3A_240 : i32
    %sub3A_242 = arith.constant 2 : i32
    %sub3A_243 = arith.subi %add3A_241, %sub3A_242 : i32
    %add3A_244 = arith.constant 1 : i32
    %add3A_245 = arith.addi %sub3A_243, %add3A_244 : i32
    %jit3A_246 = arith.constant 1024 : i32
    %div3A_247 = arith.divsi %add3A_245, %jit3A_246 : i32
    %sign3A_248 = arith.constant 0 : i32
    %sign3A_249 = arith.cmpi sgt, %add3A_245, %sign3A_248 : i32
    %sign3A_250 = arith.extui %sign3A_249 : i1 to i32
    %sign3A_251 = arith.constant 0 : i32
    %sign3A_252 = arith.cmpi slt, %add3A_245, %sign3A_251 : i32
    %sign3A_253 = arith.extui %sign3A_252 : i1 to i32
    %sign3A_254 = arith.subi %sign3A_250, %sign3A_253 : i32
    %sign3A_255 = arith.constant 0 : i32
    %sign3A_256 = arith.cmpi sgt, %jit3A_246, %sign3A_255 : i32
    %sign3A_257 = arith.extui %sign3A_256 : i1 to i32
    %sign3A_258 = arith.constant 0 : i32
    %sign3A_259 = arith.cmpi slt, %jit3A_246, %sign3A_258 : i32
    %sign3A_260 = arith.extui %sign3A_259 : i1 to i32
    %sign3A_261 = arith.subi %sign3A_257, %sign3A_260 : i32
    %ne3A_262 = arith.cmpi ne, %sign3A_254, %sign3A_261 : i32
    %rem3A_263 = arith.remsi %add3A_245, %jit3A_246 : i32
    %ne3A_264 = arith.constant 0 : i32
    %ne3A_265 = arith.cmpi ne, %rem3A_263, %ne3A_264 : i32
    %and3A_266 = arith.andi %ne3A_262, %ne3A_265 : i1
    %sub3A_267 = arith.constant 1 : i32
    %sub3A_268 = arith.subi %div3A_247, %sub3A_267 : i32
    %select_n3A_269 = arith.select %and3A_266, %sub3A_268, %div3A_247 : i32
    %jit3A_270 = arith.constant 16 : i32
    %div3A_271 = arith.divsi %add3A_245, %jit3A_270 : i32
    %sign3A_272 = arith.constant 0 : i32
    %sign3A_273 = arith.cmpi sgt, %add3A_245, %sign3A_272 : i32
    %sign3A_274 = arith.extui %sign3A_273 : i1 to i32
    %sign3A_275 = arith.constant 0 : i32
    %sign3A_276 = arith.cmpi slt, %add3A_245, %sign3A_275 : i32
    %sign3A_277 = arith.extui %sign3A_276 : i1 to i32
    %sign3A_278 = arith.subi %sign3A_274, %sign3A_277 : i32
    %sign3A_279 = arith.constant 0 : i32
    %sign3A_280 = arith.cmpi sgt, %jit3A_270, %sign3A_279 : i32
    %sign3A_281 = arith.extui %sign3A_280 : i1 to i32
    %sign3A_282 = arith.constant 0 : i32
    %sign3A_283 = arith.cmpi slt, %jit3A_270, %sign3A_282 : i32
    %sign3A_284 = arith.extui %sign3A_283 : i1 to i32
    %sign3A_285 = arith.subi %sign3A_281, %sign3A_284 : i32
    %ne3A_286 = arith.cmpi ne, %sign3A_278, %sign3A_285 : i32
    %rem3A_287 = arith.remsi %add3A_245, %jit3A_270 : i32
    %ne3A_288 = arith.constant 0 : i32
    %ne3A_289 = arith.cmpi ne, %rem3A_287, %ne3A_288 : i32
    %and3A_290 = arith.andi %ne3A_286, %ne3A_289 : i1
    %sub3A_291 = arith.constant 1 : i32
    %sub3A_292 = arith.subi %div3A_271, %sub3A_291 : i32
    %select_n3A_293 = arith.select %and3A_290, %sub3A_292, %div3A_271 : i32
    %jit3A_294 = arith.constant 64 : i32
    %eq3A_295 = arith.constant 0 : i32
    %eq3A_296 = arith.cmpi eq, %jit3A_294, %eq3A_295 : i32
    %jit3A_297 = arith.constant 1 : i32
    %select_n3A_298 = arith.select %eq3A_296, %jit3A_297, %jit3A_294 : i32
    %rem3A_299 = arith.remsi %select_n3A_293, %select_n3A_298 : i32
    %ne3A_300 = arith.constant 0 : i32
    %ne3A_301 = arith.cmpi ne, %rem3A_299, %ne3A_300 : i32
    %lt3A_302 = arith.constant 0 : i32
    %lt3A_303 = arith.cmpi slt, %rem3A_299, %lt3A_302 : i32
    %lt3A_304 = arith.constant 0 : i32
    %lt3A_305 = arith.cmpi slt, %select_n3A_298, %lt3A_304 : i32
    %ne3A_306 = arith.xori %lt3A_303, %lt3A_305 : i1
    %and3A_307 = arith.andi %ne3A_306, %ne3A_301 : i1
    %add3A_308 = arith.addi %rem3A_299, %select_n3A_298 : i32
    %select_n3A_309 = arith.select %and3A_307, %add3A_308, %rem3A_299 : i32
    %jit3A_310 = arith.constant 4 : i32
    %div3A_311 = arith.divsi %add3A_245, %jit3A_310 : i32
    %sign3A_312 = arith.constant 0 : i32
    %sign3A_313 = arith.cmpi sgt, %add3A_245, %sign3A_312 : i32
    %sign3A_314 = arith.extui %sign3A_313 : i1 to i32
    %sign3A_315 = arith.constant 0 : i32
    %sign3A_316 = arith.cmpi slt, %add3A_245, %sign3A_315 : i32
    %sign3A_317 = arith.extui %sign3A_316 : i1 to i32
    %sign3A_318 = arith.subi %sign3A_314, %sign3A_317 : i32
    %sign3A_319 = arith.constant 0 : i32
    %sign3A_320 = arith.cmpi sgt, %jit3A_310, %sign3A_319 : i32
    %sign3A_321 = arith.extui %sign3A_320 : i1 to i32
    %sign3A_322 = arith.constant 0 : i32
    %sign3A_323 = arith.cmpi slt, %jit3A_310, %sign3A_322 : i32
    %sign3A_324 = arith.extui %sign3A_323 : i1 to i32
    %sign3A_325 = arith.subi %sign3A_321, %sign3A_324 : i32
    %ne3A_326 = arith.cmpi ne, %sign3A_318, %sign3A_325 : i32
    %rem3A_327 = arith.remsi %add3A_245, %jit3A_310 : i32
    %ne3A_328 = arith.constant 0 : i32
    %ne3A_329 = arith.cmpi ne, %rem3A_327, %ne3A_328 : i32
    %and3A_330 = arith.andi %ne3A_326, %ne3A_329 : i1
    %sub3A_331 = arith.constant 1 : i32
    %sub3A_332 = arith.subi %div3A_311, %sub3A_331 : i32
    %select_n3A_333 = arith.select %and3A_330, %sub3A_332, %div3A_311 : i32
    %jit3A_334 = arith.constant 4 : i32
    %eq3A_335 = arith.constant 0 : i32
    %eq3A_336 = arith.cmpi eq, %jit3A_334, %eq3A_335 : i32
    %jit3A_337 = arith.constant 1 : i32
    %select_n3A_338 = arith.select %eq3A_336, %jit3A_337, %jit3A_334 : i32
    %rem3A_339 = arith.remsi %select_n3A_333, %select_n3A_338 : i32
    %ne3A_340 = arith.constant 0 : i32
    %ne3A_341 = arith.cmpi ne, %rem3A_339, %ne3A_340 : i32
    %lt3A_342 = arith.constant 0 : i32
    %lt3A_343 = arith.cmpi slt, %rem3A_339, %lt3A_342 : i32
    %lt3A_344 = arith.constant 0 : i32
    %lt3A_345 = arith.cmpi slt, %select_n3A_338, %lt3A_344 : i32
    %ne3A_346 = arith.xori %lt3A_343, %lt3A_345 : i1
    %and3A_347 = arith.andi %ne3A_346, %ne3A_341 : i1
    %add3A_348 = arith.addi %rem3A_339, %select_n3A_338 : i32
    %select_n3A_349 = arith.select %and3A_347, %add3A_348, %rem3A_339 : i32
    %jit3A_350 = arith.constant 4 : i32
    %eq3A_351 = arith.constant 0 : i32
    %eq3A_352 = arith.cmpi eq, %jit3A_350, %eq3A_351 : i32
    %jit3A_353 = arith.constant 1 : i32
    %select_n3A_354 = arith.select %eq3A_352, %jit3A_353, %jit3A_350 : i32
    %rem3A_355 = arith.remsi %add3A_245, %select_n3A_354 : i32
    %ne3A_356 = arith.constant 0 : i32
    %ne3A_357 = arith.cmpi ne, %rem3A_355, %ne3A_356 : i32
    %lt3A_358 = arith.constant 0 : i32
    %lt3A_359 = arith.cmpi slt, %rem3A_355, %lt3A_358 : i32
    %lt3A_360 = arith.constant 0 : i32
    %lt3A_361 = arith.cmpi slt, %select_n3A_354, %lt3A_360 : i32
    %ne3A_362 = arith.xori %lt3A_359, %lt3A_361 : i1
    %and3A_363 = arith.andi %ne3A_362, %ne3A_357 : i1
    %add3A_364 = arith.addi %rem3A_355, %select_n3A_354 : i32
    %select_n3A_365 = arith.select %and3A_363, %add3A_364, %rem3A_355 : i32
    %mul3A_366 = arith.constant 2 : i32
    %mul3A_367 = arith.muli %select_n3A_365, %mul3A_366 : i32
    %dma_wait3A_368 = arith.constant 1 : i32
    %dma_wait3A_369 = arith.constant 0 : i32
    %dma_wait3A_370 = arith.constant 0 : i32
    %dma_wait3A_371 = arith.constant 0 : i32
    %dma_wait3A_372 = arith.constant 0 : i32
    %dma_wait3A_373 = arith.constant 0 : i32
    %dma_wait3A_374 = arith.constant 0 : i32
    %dma_wait3A_375 = tpu.memref_slice %arg14[%dma_wait3A_368, %dma_wait3A_369, %dma_wait3A_370, %dma_wait3A_371, %dma_wait3A_372, %dma_wait3A_373, %dma_wait3A_374] : memref<2x1x33x1x1x2x128xf32, #tpu.memory_space<vmem>> -> memref<1x1x33x1x1x2x128xf32, #tpu.memory_space<vmem>>
    %dma_wait3A_376 = tpu.memref_squeeze %dma_wait3A_375 : memref<1x1x33x1x1x2x128xf32, #tpu.memory_space<vmem>> -> memref<1x33x1x1x2x128xf32, #tpu.memory_space<vmem>>
    %dma_wait3A_377 = arith.constant 0 : i32
    %dma_wait3A_378 = arith.constant 0 : i32
    %dma_wait3A_379 = tpu.memref_slice %arg5[%select_n3A_269, %dma_wait3A_377, %select_n3A_309, %select_n3A_349, %mul3A_367, %dma_wait3A_378] : memref<4x33x64x4x8x128xf32, #tpu.memory_space<hbm>> -> memref<1x33x1x1x2x128xf32, #tpu.memory_space<hbm>>
    %dma_wait3A_380 = arith.constant 0 : i32
    %dma_wait3A_381 = arith.constant 0 : i32
    %dma_wait3A_382 = tpu.memref_slice %arg5[%select_n3A_269, %dma_wait3A_380, %select_n3A_309, %select_n3A_349, %mul3A_367, %dma_wait3A_381] : memref<4x33x64x4x8x128xf32, #tpu.memory_space<hbm>> -> memref<1x33x1x1x2x128xf32, #tpu.memory_space<hbm>>
    %dma_wait3A_383 = arith.constant 0 : i32
    %dma_wait3A_384 = arith.constant 0 : i32
    %dma_wait3A_385 = arith.constant 0 : i32
    %dma_wait3A_386 = arith.constant 0 : i32
    %dma_wait3A_387 = arith.constant 0 : i32
    %dma_wait3A_388 = arith.constant 0 : i32
    %dma_wait3A_389 = tpu.memref_slice %arg14[%dma_wait3A_368, %dma_wait3A_383, %dma_wait3A_384, %dma_wait3A_385, %dma_wait3A_386, %dma_wait3A_387, %dma_wait3A_388] : memref<2x1x33x1x1x2x128xf32, #tpu.memory_space<vmem>> -> memref<1x1x33x1x1x2x128xf32, #tpu.memory_space<vmem>>
    %dma_wait3A_390 = tpu.memref_squeeze %dma_wait3A_389 : memref<1x1x33x1x1x2x128xf32, #tpu.memory_space<vmem>> -> memref<1x33x1x1x2x128xf32, #tpu.memory_space<vmem>>
    tpu.wait_dma2 semaphore(%arg20 : memref<!tpu.dma_semaphore, #tpu.memory_space<semaphore_mem>>) src(%dma_wait3A_390 : memref<1x33x1x1x2x128xf32, #tpu.memory_space<vmem>>) dst(%dma_wait3A_382 : memref<1x33x1x1x2x128xf32, #tpu.memory_space<hbm>>)
    return
  }
}

</mosaic_0001>

<sc_bundles>
// kernel: kernel.3.cloned.1.call-start
scs
__scs_entry_jumppad:
0x0: {  	(pc) =	sbr.rel $0x88, $3  }
0x1: {  	(tag) =	ssettag $0x0;
	lr =	simm.s32 $0x1  }
0x2: {  	[smem:$0x3F9E] =	sst lr;
	_ =	strace $0xD0000000  }
0x3: {  	_ = 	snop  }
0x4: {  	_ = 	snop  }
0x5: {  	_ = 	snop  }
0x6: {  	_ = 	snop  }
0x7: {  	_ = 	snop  }
__scs_overlays_trampoline_lowered:
0x8: {  	[smem:$0x3FAD] =	sst s0  }
0x9: {  	[smem:$0x3FAE] =	sst s1  }
0xa: {  	[smem:$0x3FAF] =	sst s2  }
0xb: {  	[smem:$0x3FB0] =	sst s3  }
0xc: {  	[smem:$0x3FB1] =	sst s4  }
0xd: {  	[smem:$0x3FB2] =	sst s5  }
0xe: {  	[smem:$0x3FB3] =	sst s6  }
0xf: {  	[smem:$0x3FB4] =	sst s7  }
0x10: {  	[smem:$0x3FB5] =	sst s8  }
0x11: {  	[smem:$0x3FB6] =	sst s9;
	s0 =	simm.s32 @!p0 $0x0  }
0x12: {  	s1 =	sld [smem:$0x3F9C];
	s0 =	simm.s32 @p0 $0x1  }
0x13: {  	[smem:$0x3FB7] =	sst s0;
	s0 =	simm.s32 @!p1 $0x0  }
0x14: {  	s2 =	sld [smem:$0x3F9B];
	s0 =	simm.s32 @p1 $0x1  }
0x15: {  	[smem:$0x3FB8] =	sst s0;
	s0 =	simm.s32 @!p2 $0x0  }
0x16: {  	s3 =	sld [smem:$0x3FDB];
	s0 =	simm.s32 @p2 $0x1  }
0x17: {  	s4 =	simm.s32 $0x1BF5;
	[smem:$0x3FBA] =	sst s0  }
0x18: {  	s0 =	sld [smem:$0x3F9D];
	_ =	swait.ge [sflag:s4], $0x0  }
0x19: {  	s7 =	sld [smem:$0x3F9E]  }
0x1a: {  	s8 =	sadd.s32 $0xFFFFE003, lr  }
0x1b: {  	s9 =	sadd.s32 $0xFFFFFEF7, lr;
	s5 =	simm.s32 $0xFFFFFFFF;
	p2 =	slt.u32 s8, $0xFFFFF086  }
0x1c: {  	p1 =	slt.u32 s9, $0xF7A;
	s5 =	simm.s32 @!p2 $0x0  }
0x1d: {  	s5 =	simm.s32 @p1 $0x1;
	p0 =	seq.s32 s7, s2  }
0x1e: {  	s7 =	smul.u32 @!p0 $0xF7A, s2;
	p2 =	seq.s32 @!p0 s5, $0x0  }
0x1f: {  	s9 =	smul.u32 $0xF7A, s1;
	s8 =	simm.s32 @!p0 $0x1BF5;
	p2 =	por !p2, p0  }
0x20: {  	[sflag:s8] =	ssyncset.s32 @!p0 $0xFFFFF086;
	s6 =	sadd.s32 @!p0 s3, s7;
	s7 =	simm.s32 @!p0 $0x108  }
0x21: {  	s3 =	sadd.s32 s3, s9;
	s6 =	sadd.s32 @!p0 $0x88, s6;
	s7 =	simm.s32 @p2 $0x1082  }
0x22: {  	[simem:s7], [sflag:s8] =	dma.local @!p0 [hbm:s6], $0xF7A  }
0x23: {  	s9 =	sor.u32 $0xD0000000, s2;
	s6 =	simm.s32 $0x108;
	_ =	swait.ge @!p0 [sflag:s8], $0x0  }
0x24: {  	s3 =	sadd.s32 $0x88, s3;
	s6 =	simm.s32 @!p1 $0x1082;
	[sflag:s4] =	ssyncset.s32 $0xFFFFF086  }
0x25: {  	[simem:s6], [sflag:s4] =	dma.local [hbm:s3], $0xF7A  }
0x26: {  	[smem:$0x3F9E] =	sst s1;
	(tag) =	ssettag s2;
	_ =	strace s9  }
0x27: {  	s1 =	sld [smem:$0x3FAE]  }
0x28: {  	s2 =	sld [smem:$0x3FAF]  }
0x29: {  	s4 =	sld [smem:$0x3FB1]  }
0x2a: {  	p0 =	seq.s32 s5, $0x0;
	s5 =	sld [smem:$0x3FB2]  }
0x2b: {  	s6 =	sld [smem:$0x3FB3]  }
0x2c: {  	s7 =	sld [smem:$0x3FB4]  }
0x2d: {  	s3 =	simm.s32 $0x108;
	s8 =	sld [smem:$0x3FB5]  }
0x2e: {  	s3 =	simm.s32 @!p0 $0x1082;
	s9 =	sld [smem:$0x3FB6]  }
0x2f: {  	lr =	sadd.s32 s0, s3;
	s0 =	sld [smem:$0x3FAD]  }
0x30: {  	s3 =	sld [smem:$0x3FB0]  }
0x31: {  	[smem:$0x3FB9] =	sst s10  }
0x32: {  	s10 =	sld [smem:$0x3FB7];
	_ =	sdelay $0x3  }
0x33: {  	p0 =	seq.s32 s10, $0x1;
	s10 =	sld [smem:$0x3FB9];
	_ =	sdelay $0x3  }
0x34: {  	[smem:$0x3FB9] =	sst s10  }
0x35: {  	s10 =	sld [smem:$0x3FB8];
	_ =	sdelay $0x3  }
0x36: {  	p1 =	seq.s32 s10, $0x1;
	s10 =	sld [smem:$0x3FB9];
	_ =	sdelay $0x3  }
0x37: {  	[smem:$0x3FB9] =	sst s10  }
0x38: {  	s10 =	sld [smem:$0x3FBA]  }
0x39: {  	_ = 	snop;
	(pc) =	sbr.ind lr, $3  }
0x3a: {  	_ = 	snop  }
0x3b: {  	_ = 	snop  }
0x3c: {  	p2 =	seq.s32 s10, $0x1;
	s10 =	sld [smem:$0x3FB9]  }
0x3d: {  	_ =	shalt  }
0x3e: {  	_ =	shalt  }
0x3f: {  	_ =	shalt  }
0x40: {  	_ =	shalt  }
0x41: {  	_ =	shalt  }
0x42: {  	_ =	shalt  }
0x43: {  	_ =	shalt  }
0x44: {  	_ =	shalt  }
0x45: {  	_ =	shalt  }
0x46: {  	_ =	shalt  }
0x47: {  	_ =	shalt  }
0x48: {  	_ =	shalt  }
0x49: {  	_ =	shalt  }
0x4a: {  	_ =	shalt  }
0x4b: {  	_ =	shalt  }
0x4c: {  	_ =	shalt  }
0x4d: {  	_ =	shalt  }
0x4e: {  	_ =	shalt  }
0x4f: {  	_ =	shalt  }
0x50: {  	_ =	shalt  }
0x51: {  	_ =	shalt  }
0x52: {  	_ =	shalt  }
0x53: {  	_ =	shalt  }
0x54: {  	_ =	shalt  }
0x55: {  	_ =	shalt  }
0x56: {  	_ =	shalt  }
0x57: {  	_ =	shalt  }
0x58: {  	_ =	shalt  }
0x59: {  	_ =	shalt  }
0x5a: {  	_ =	shalt  }
0x5b: {  	_ =	shalt  }
0x5c: {  	_ =	shalt  }
0x5d: {  	_ =	shalt  }
0x5e: {  	_ =	shalt  }
0x5f: {  	_ =	shalt  }
0x60: {  	_ =	shalt  }
0x61: {  	_ =	shalt  }
0x62: {  	_ =	shalt  }
0x63: {  	_ =	shalt  }
0x64: {  	_ =	shalt  }
0x65: {  	_ =	shalt  }
0x66: {  	_ =	shalt  }
0x67: {  	_ =	shalt  }
0x68: {  	_ =	shalt  }
0x69: {  	_ =	shalt  }
0x6a: {  	_ =	shalt  }
0x6b: {  	_ =	shalt  }
0x6c: {  	_ =	shalt  }
0x6d: {  	_ =	shalt  }
0x6e: {  	_ =	shalt  }
0x6f: {  	_ =	shalt  }
0x70: {  	_ =	shalt  }
0x71: {  	_ =	shalt  }
0x72: {  	_ =	shalt  }
0x73: {  	_ =	shalt  }
0x74: {  	_ =	shalt  }
0x75: {  	_ =	shalt  }
0x76: {  	_ =	shalt  }
0x77: {  	_ =	shalt  }
0x78: {  	_ =	shalt  }
0x79: {  	_ =	shalt  }
0x7a: {  	_ =	shalt  }
0x7b: {  	_ =	shalt  }
0x7c: {  	_ =	shalt  }
0x7d: {  	_ =	shalt  }
0x7e: {  	_ =	shalt  }
0x7f: {  	_ =	shalt  }
0x80: {  	_ =	shalt  }
0x81: {  	_ =	shalt  }
0x82: {  	_ =	shalt  }
0x83: {  	_ =	shalt  }
0x84: {  	_ =	shalt  }
0x85: {  	_ =	shalt  }
0x86: {  	_ =	shalt  }
0x87: {  	_ =	shalt  }
.Lfunc_end0:
.L_simem_size_0:
called_computation_lowered:
.L_overlay_start_0:
0x88: {  	s2 =	sld [smem:$0x3FD9]  }
0x89: {  	s3 =	sld [smem:$0x3FFE];
	_ =	sdelay $0x1  }
0x8a: {  	s1 =	srdreg.scid  }
0x8b: {  	s0 =	sand.u32 $0x1, s1  }
0x8c: {  	s17 =	sshll.u32 s0, $0xA;
	s2 =	sadd.s32 s3, s2  }
0x8d: {  	s2 =	sadd.s32 s2, s17  }
0x8e: {  	[smem:$0x3FC5] =	sst s2  }
0x8f: {  	_ = 	snop  }
0x90: {  	s2 =	sld [smem:$0x3FC9]  }
0x91: {  	s18 =	sld [smem:$0x3FC8]  }
0x92: {  	s4 =	sld [smem:$0x3FD0];
	(tm) =	ssettm $0x1  }
0x93: {  	s5 =	sld [smem:$0x3FFB];
	_ =	sdelay $0x3  }
0x94: {  	_ =	strace s5  }
0x95: {  	s5 =	sld [smem:$0x3FFC];
	_ =	sdelay $0x3  }
0x96: {  	_ =	strace s5  }
0x97: {  	s5 =	sld [smem:$0x3FFD];
	_ =	sdelay $0x3  }
0x98: {  	_ =	strace s5  }
0x99: {  	_ =	strace $0x8FFFFFFF  }
0x9a: {  	s19 =	sld [smem:$0x3FDB];
	_ =	sdelay $0x1  }
0x9b: {  	s6 =	simm.s32 $_scs_section_size  }
0x9c: {  	s7 =	simm.s32 $_size__tile_overlayer_lowered;
	s8 =	simm.s32 $_tile_overlayer_lowered  }
0x9d: {  	s22 =	simm.s32 $0x1BFF;
	s21 =	sshll.u32 s8, $0x1;
	s5 =	sadd.s32 s6, s19  }
0x9e: {  	s9 =	simm.s32 $0x0;
	s20 =	sshll.u32 s7, $0x1;
	s7 =	sadd.s32 s21, s5  }
0x9f: {  	[timem:s9], [sflag:s22] =	dma.local [hbm:s7], s20  }
0xa0: {  	_ =	swait.ge [sflag:s22], s20  }
0xa1: {  	s6 =	ssub.s32 $0x0, s20;
	[sflag:s22] =	ssyncset.done $0x0  }
0xa2: {  	[sflag:s22] =	ssyncadd.s32 s6;
	_ =	sdelay $0x1  }
0xa3: {  	s23 =	simm.s32 $0x1B8B  }
0xa4: {  	_ =	swait.ge [sflag:s23], $0x1  }
0xa5: {  	[sflag:s23] =	ssyncset.done $0x0  }
0xa6: {  	s25 =	simm.s32 $0x1B8E;
	s24 =	sld [smem:$0x3FFE];
	[sflag:s23] =	ssyncadd.s32 $0xFFFFFFFF  }
0xa7: {  	s26 =	simm.s32 $execute0_lowered;
	[smem:$0x3FD2] =	sst s25  }
0xa8: {  	s7 =	sshll.u32 s26, $0x1;
	_ =	strace $0x80000046;
	[dreg:$0x1] =	wrdreg $0xFFFFFFFF  }
0xa9: {  	s28 =	simm.s32 $_size_execute0_lowered;
	s5 =	sadd.s32 s5, s7;
	[dreg:$0x0] =	wrdreg $0x0  }
0xaa: {  	s7 =	sshll.u32 s28, $0x1;
	[dreg:$0x2] =	wrdreg s5  }
0xab: {  	[dreg:$0x3] =	wrdreg s7  }
0xac: {  	[dreg:$0x4] =	wrdreg $0xC0  }
0xad: {  	_ =	task [dreg:s9], $0x5FFFF  }
0xae: {  	[dreg:$0x1] =	wrdreg $0xFFFFFFFF  }
0xaf: {  	[dreg:$0x0] =	wrdreg $0x60  }
0xb0: {  	[dreg:$0x2] =	wrdreg s24  }
0xb1: {  	[dreg:$0x3] =	wrdreg s2  }
0xb2: {  	[dreg:$0x4] =	wrdreg s18  }
0xb3: {  	[dreg:$0x5] =	wrdreg s4  }
0xb4: {  	[dreg:$0x6] =	wrdreg $0x9  }
0xb5: {  	_ =	task.clear_ibuf [dreg:s9], $0x7FFFF;
	_ =	strace $0x90000046  }
0xb6: {  	s29 =	simm.s32 $0x9;
	_ =	strace $0x80000048  }
0xb7: {  	_ =	swait.ge [sflag:s29], $0x1  }
0xb8: {  	[sflag:s29] =	ssyncadd.s32 $0xFFFFFFFF  }
0xb9: {  	_ =	strace $0x90000048  }
0xba: {  	_ =	sfence  }
0xbb: {  	s30 =	sld [smem:$0x0];
	_ =	sdelay $0x2  }
0xbc: {  	s31 =	sshll.u32 s1, $0xD;
	s1 =	sshrl.u32 s1, $0x2  }
0xbd: {  	s3 =	sand.u32 $0x4000, s31;
	s1 =	sadd.s32 s1, s30  }
0xbe: {  	s0 =	sor.u32 s3, s0;
	s1 =	sshll.u32 s1, $0x11  }
0xbf: {  	s0 =	sor.u32 s1, s0  }
0xc0: {  	s0 =	sadd.s32 $0x8F2B, s0  }
0xc1: {  	[sflag:s0] =	ssyncadd.remote.s32 $0x1  }
0xc2: {  	_ =	sfence.sel $0xFFFF  }
0xc3: {  	[dreg:$0x0] =	wrdreg $0xFFFFFFFF;
	(pc) =	sbr.abs _section_cstart, $3  }
0xc4: {  	[dreg:$0x1] =	wrdreg $0xFFFFFFFF  }
0xc5: {  	_ =	task.clear_ibuf [dreg:s9], $0x2FFFF;
	_ =	strace $0x9FFFFFFF  }
0xc6: {  	(tm) =	ssettm $0x7FFFFFFF  }
0xc7: {  	_ =	shalt  }
tec
execute0_lowered:
.L_overlay_start_1:
0x0: {  	(tag) =	ssettag $0x1  }
0x1: {  	s0 =	rddreg [dreg:$0x0]  }
0x2: {  	s1 =	rddreg [dreg:$0x1]  }
0x3: {  	s2 =	rddreg [dreg:$0x2]  }
0x4: {  	s3 =	rddreg [dreg:$0x3]  }
0x5: {  	s5 =	simm.s32 $0x0;
	s4 =	srdreg.scid;
	s9 =	stileid.u32  }
0x6: {  	s15 =	simm.s32 $0x100;
	s17 =	simm.s32 $0x1;
	s18 =	simm.s32 $0x80  }
0x7: {  	s20 =	simm.s32 $0xE00;
	s28 =	simm.s32 $0x8600;
	s29 =	simm.s32 $0x3  }
0x8: {  	s30 =	simm.s32 $0x40000;
	s31 =	simm.s32 $0xAE00;
	s4 =	sand.u32 $0x1, s4  }
0x9: {  	s10 =	simm.s32 $0x0;
	s8 =	sshll.u32 s9, $0x1;
	s7 =	ssub.s32 $0x2, s4  }
0xa: {  	s6 =	sadd.s32 $0x400, s0;
	s4 =	sor.u32 s4, s8;
	s22 =	sshrl.u32 s7, $0x1  }
0xb: {  	s0 =	ssub.s32 s7, s22;
	s7 =	sshll.u32 s4, $0x7;
	s4 =	sshll.u32 s4, $0xC  }
0xc: {  	[smem:$0x7FF] =	sst s5;
	s26 =	sshrl.u32 s9, $0x2;
	s23 =	sadd.s32 s1, s4  }
0xd: {  	_ =	strace $0x80000047;
	s24 =	sadd.s32 s2, s4;
	[dreg:$0x5] =	wrdreg s23  }
0xe: {  	s4 =	sor.u32 $0x20, s4;
	s0 =	smax.u32 s0, $0x1;
	[dreg:$0x6] =	wrdreg s24  }
0xf: {  	s12 =	smul.u32 $0x840000, s26;
	s25 =	sadd.s32 s1, s4;
	[dreg:$0x9] =	wrdreg s0  }
0x10: {  	v0 =	vlaneseq.u32;
	s4 =	sadd.s32 s2, s4;
	s23 =	simm.s32 $0x2;
	[dreg:$0x7] =	wrdreg s25  }
0x11: {  	v0 =	vmul.u32 $0x50, v0;
	s0 =	simm.s32 $0x4;
	[dreg:$0x8] =	wrdreg s4;
	s4 =	simm.s32 $0xCF00  }
.LBB2_1:
0x12: {  	[dreg:$0xa] =	wrdreg s10  }
0x13: {  	s8 =	rddreg [dreg:$0x5]  }
0x14: {  	[tilespmem:s5], [sflag:$0x1] =	stream.linear.gather [hbm4b:s8+s5], $0x100, $0x38;
	[tilespmem:$0xF000] =	vst v63  }
0x15: {  	s16 =	rddreg [dreg:$0x6];
	s9 =	simm.s32 $0x200  }
0x16: {  	[tilespmem:s9], [sflag:$0x1] =	stream.linear.gather [hbm4b:s16+s5], $0x100, $0x38;
	[tilespmem:$0xF000] =	vst v63  }
0x17: {  	s19 =	rddreg [dreg:$0x7]  }
0x18: {  	[tilespmem:s15], [sflag:$0x2] =	stream.linear.gather [hbm4b:s19+s5], $0x100, $0x38;
	[tilespmem:$0xF000] =	vst v63  }
0x19: {  	s21 =	rddreg [dreg:$0x8];
	s22 =	simm.s32 $0x300  }
0x1a: {  	[tilespmem:s22], [sflag:$0x2] =	stream.linear.gather [hbm4b:s21+s5], $0x100, $0x38;
	[tilespmem:$0xF000] =	vst v63  }
0x1b: {  	_ =	swait.ge [sflag:s17], $0x100  }
0x1c: {  	[sflag:s17] =	ssyncset.done $0x0  }
0x1d: {  	[sflag:s17] =	ssyncadd.s32 $0xFFFFFF00  }
0x1e: {  	_ =	swait.ge [sflag:s17], $0x100  }
0x1f: {  	[sflag:s17] =	ssyncset.done $0x0  }
0x20: {  	s24 =	simm.s32 $0x210;
	[sflag:s17] =	ssyncadd.s32 $0xFFFFFF00  }
0x21: {  	s25 =	simm.s32 $0x10;
	v1 =	vld [tilespmem:s24+$0x0]  }
0x22: {  	v2 =	vld [tilespmem:s25+$0x0];
	_ =	sdelay $0x1  }
0x23: {  	v4 =	vld [tilespmem:s24+$0xFFFFFFF0]  }
0x24: {  	v3 =	vld [tilespmem:s25+$0xFFFFFFF0]  }
0x25: {  	v1 =	vmul.f32 $1.280000000e+02, v1  }
0x26: {  	v2 =	vmul.f32 $1.280000000e+02, v2  }
0x27: {  	v1 =	vadd.f32 $1.275000000e+02, v1  }
0x28: {  	v4 =	vmul.f32 $1.280000000e+02, v4;
	v2 =	vadd.f32 $1.275000000e+02, v2  }
0x29: {  	v3 =	vmul.f32 $1.280000000e+02, v3;
	v1 =	vmax.f32 v1, $0.0e+00  }
0x2a: {  	v4 =	vadd.f32 $1.275000000e+02, v4;
	v2 =	vmax.f32 v2, $0.0e+00;
	v1 =	vmin.f32 v1, $2.550000000e+02  }
0x2b: {  	v3 =	vadd.f32 $1.275000000e+02, v3;
	v2 =	vmin.f32 v2, $2.550000000e+02;
	v5 =	vtrunc.f32 v1  }
0x2c: {  	v4 =	vmax.f32 v4, $0.0e+00;
	v6 =	vtrunc.f32 v2;
	v5 =	vcvt.f32.s32 v5  }
0x2d: {  	v3 =	vmax.f32 v3, $0.0e+00;
	v4 =	vmin.f32 v4, $2.550000000e+02;
	v6 =	vcvt.f32.s32 v6  }
0x2e: {  	v3 =	vmin.f32 v3, $2.550000000e+02;
	v7 =	vtrunc.f32 v4;
	vm0 =	vlt.s32 v5, $0xFE  }
0x2f: {  	v7 =	vcvt.f32.s32 v7;
	vm1 =	vlt.s32 v6, $0xFE;
	v5 =	vnsel vm0, $0xFE, v5  }
0x30: {  	s26 =	simm.s32 $0x230;
	v8 =	vtrunc.f32 v3;
	v6 =	vnsel vm1, $0xFE, v6;
	v9 =	vcvt.s32.f32 v5  }
0x31: {  	s8 =	simm.s32 $0x30;
	v11 =	vld [tilespmem:s26+$0x0];
	v8 =	vcvt.f32.s32 v8;
	vm0 =	vlt.s32 v7, $0xFE;
	v10 =	vcvt.s32.f32 v6  }
0x32: {  	v12 =	vnsel vm0, $0xFE, v7;
	v7 =	vld [tilespmem:s8+$0x0];
	v1 =	vsub.f32 v1, v9  }
0x33: {  	vm0 =	vlt.s32 v8, $0xFE;
	v2 =	vsub.f32 v2, v10;
	v9 =	vcvt.s32.f32 v12;
	v10 =	vld [tilespmem:s8+$0xFFFFFFF0]  }
0x34: {  	v15 =	vld [tilespmem:s26+$0xFFFFFFF0];
	v6 =	vshll.u32 v6, $0x8;
	v8 =	vnsel vm0, $0xFE, v8;
	v13 =	vsub.f32 $1.000000000e+00, v1  }
0x35: {  	v14 =	vsub.f32 $1.000000000e+00, v2;
	v16 =	vsub.f32 v4, v9;
	v4 =	vcvt.s32.f32 v8  }
0x36: {  	v17 =	vshll.u32 v8, $0x8;
	v8 =	vadd.s32 v5, v6;
	v5 =	vmul.f32 $1.280000000e+02, v11  }
0x37: {  	v9 =	vmul.f32 v14, v13;
	v18 =	vsub.f32 v3, v4;
	v11 =	vmul.f32 v14, v1  }
0x38: {  	v3 =	vmul.f32 $1.280000000e+02, v7;
	v7 =	vsub.f32 $1.000000000e+00, v16;
	v4 =	vmul.f32 $1.280000000e+02, v10  }
0x39: {  	v5 =	vadd.f32 $1.275000000e+02, v5;
	v10 =	vmul.f32 v2, v1;
	v1 =	vmul.f32 $1.280000000e+02, v15  }
0x3a: {  	v13 =	vmul.f32 v13, v2;
	v6 =	vsub.f32 $1.000000000e+00, v18;
	v2 =	vadd.f32 $1.275000000e+02, v3  }
0x3b: {  	v5 =	vmax.f32 v5, $0.0e+00;
	v4 =	vadd.f32 $1.275000000e+02, v4;
	v1 =	vadd.f32 $1.275000000e+02, v1  }
0x3c: {  	v5 =	vmin.f32 v5, $2.550000000e+02;
	v3 =	vmul.f32 v6, v7;
	v14 =	vmax.f32 v2, $0.0e+00  }
0x3d: {  	v2 =	vmul.f32 v6, v16;
	v6 =	vmin.f32 v14, $2.550000000e+02;
	v14 =	vtrunc.f32 v5  }
0x3e: {  	s10 =	simm.s32 $0x410;
	v1 =	vmax.f32 v1, $0.0e+00;
	v15 =	vtrunc.f32 v6;
	v14 =	vcvt.f32.s32 v14  }
0x3f: {  	s9 =	simm.s32 $0x610;
	[tilespmem:s10+$0x0] =	vst v8;
	v8 =	vmax.f32 v4, $0.0e+00;
	v4 =	vmin.f32 v1, $2.550000000e+02;
	v15 =	vcvt.f32.s32 v15  }
0x40: {  	s11 =	simm.s32 $0x810;
	[tilespmem:s9+$0x0] =	vst v9;
	v1 =	vmin.f32 v8, $2.550000000e+02;
	v8 =	vmul.f32 v7, v18;
	vm0 =	vlt.s32 v14, $0xFE  }
0x41: {  	s13 =	simm.s32 $0xA10;
	[tilespmem:s11+$0x0] =	vst v11;
	v9 =	vtrunc.f32 v4;
	v7 =	vnsel vm0, $0xFE, v14;
	vm0 =	vlt.s32 v15, $0xFE  }
0x42: {  	s14 =	simm.s32 $0xC10;
	[tilespmem:s13+$0x0] =	vst v13;
	v19 =	vtrunc.f32 v1;
	v11 =	vcvt.f32.s32 v9;
	v9 =	vnsel vm0, $0xFE, v15  }
0x43: {  	[tilespmem:s14+$0x0] =	vst v10;
	v10 =	vadd.s32 v12, v17;
	v13 =	vcvt.s32.f32 v7;
	v14 =	vcvt.s32.f32 v9  }
0x44: {  	s16 =	simm.s32 $0x2;
	s19 =	simm.s32 $0x250;
	[tilespmem:s10+$0xFFFFFFF0] =	vst v10;
	v10 =	vmul.f32 v18, v16;
	v12 =	vcvt.f32.s32 v19;
	vm0 =	vlt.s32 v11, $0xFE  }
.LBB2_2:
0x45: {  	v15 =	vld [tilespmem:s19+$0x0];
	v16 =	vnsel vm0, $0xFE, v11;
	v5 =	vsub.f32 v5, v13;
	v6 =	vsub.f32 v6, v14;
	s8 =	sadd.s32 $0x20, s8;
	[tilespmem:s9+$0xFFFFFFF0] =	vst v3  }
0x46: {  	v3 =	vld [tilespmem:s8+$0x0];
	vm0 =	vlt.s32 v12, $0xFE;
	v11 =	vcvt.s32.f32 v16;
	[tilespmem:s11+$0xFFFFFFF0] =	vst v2  }
0x47: {  	v2 =	vld [tilespmem:s8+$0xFFFFFFF0];
	v12 =	vnsel vm0, $0xFE, v12;
	v13 =	vsub.f32 $1.000000000e+00, v5;
	v14 =	vsub.f32 $1.000000000e+00, v6;
	[tilespmem:s13+$0xFFFFFFF0] =	vst v8  }
0x48: {  	v9 =	vshll.u32 v9, $0x8;
	v8 =	vld [tilespmem:s19+$0xFFFFFFF0];
	v17 =	vsub.f32 v4, v11;
	v4 =	vcvt.s32.f32 v12;
	[tilespmem:s14+$0xFFFFFFF0] =	vst v10  }
0x49: {  	s16 =	sadd.s32 $0x2, s16;
	s10 =	sadd.s32 $0x20, s10;
	v7 =	vadd.s32 v7, v9;
	v10 =	vshll.u32 v12, $0x8;
	v9 =	vmul.f32 v14, v13  }
0x4a: {  	s9 =	sadd.s32 $0x20, s9;
	p0 =	slt.u32 s16, $0x6;
	v11 =	vmul.f32 $1.280000000e+02, v15;
	v15 =	vsub.f32 v1, v4;
	[tilespmem:s10+$0x0] =	vst v7;
	v1 =	vmul.f32 v14, v5  }
0x4b: {  	s11 =	sadd.s32 $0x20, s11;
	v7 =	vsub.f32 $1.000000000e+00, v17;
	v4 =	vmul.f32 v13, v6;
	v3 =	vmul.f32 $1.280000000e+02, v3;
	[tilespmem:s9+$0x0] =	vst v9  }
0x4c: {  	s13 =	sadd.s32 $0x20, s13;
	v2 =	vmul.f32 $1.280000000e+02, v2;
	v9 =	vsub.f32 $1.000000000e+00, v15;
	[tilespmem:s11+$0x0] =	vst v1;
	v1 =	vmul.f32 v6, v5  }
0x4d: {  	s14 =	sadd.s32 $0x20, s14;
	v6 =	vadd.f32 $1.275000000e+02, v11;
	v5 =	vmul.f32 $1.280000000e+02, v8;
	v8 =	vadd.f32 $1.275000000e+02, v3;
	[tilespmem:s13+$0x0] =	vst v4  }
0x4e: {  	v4 =	vadd.f32 $1.275000000e+02, v2;
	v3 =	vmul.f32 v9, v7;
	v2 =	vmul.f32 v9, v17;
	[tilespmem:s14+$0x0] =	vst v1  }
0x4f: {  	v1 =	vadd.f32 $1.275000000e+02, v5;
	v5 =	vmax.f32 v6, $0.0e+00;
	v6 =	vmax.f32 v8, $0.0e+00  }
0x50: {  	v8 =	vmax.f32 v4, $0.0e+00;
	v5 =	vmin.f32 v5, $2.550000000e+02;
	v6 =	vmin.f32 v6, $2.550000000e+02  }
0x51: {  	v1 =	vmax.f32 v1, $0.0e+00;
	v9 =	vtrunc.f32 v5;
	v11 =	vtrunc.f32 v6  }
0x52: {  	v4 =	vmin.f32 v1, $2.550000000e+02;
	v9 =	vcvt.f32.s32 v9;
	v12 =	vcvt.f32.s32 v11  }
.Ltmp0:
0x53: {  	v1 =	vmin.f32 v8, $2.550000000e+02;
	v8 =	vmul.f32 v7, v15;
	v11 =	vtrunc.f32 v4;
	(pc) =	sbr.rel @p0 .LBB2_2-.Ltmp0, $4  }
0x54: {  	v18 =	vtrunc.f32 v1;
	vm0 =	vlt.s32 v9, $0xFE;
	vm1 =	vlt.s32 v12, $0xFE  }
0x55: {  	v11 =	vcvt.f32.s32 v11;
	v7 =	vnsel vm0, $0xFE, v9;
	v9 =	vnsel vm1, $0xFE, v12  }
0x56: {  	v10 =	vadd.s32 v16, v10;
	v13 =	vcvt.s32.f32 v7;
	v14 =	vcvt.s32.f32 v9  }
0x57: {  	s19 =	sadd.s32 $0x20, s19;
	v12 =	vcvt.f32.s32 v18;
	vm0 =	vlt.s32 v11, $0xFE;
	[tilespmem:s10+$0xFFFFFFF0] =	vst v10;
	v10 =	vmul.f32 v15, v17  }
0x58: {  	v5 =	vsub.f32 v5, v13;
	v6 =	vsub.f32 v6, v14  }
0x59: {  	v11 =	vnsel vm0, $0xFE, v11;
	[tilespmem:s9+$0xFFFFFFF0] =	vst v3;
	v9 =	vshll.u32 v9, $0x8;
	vm0 =	vlt.s32 v12, $0xFE  }
0x5a: {  	[tilespmem:s11+$0xFFFFFFF0] =	vst v2;
	v13 =	vcvt.s32.f32 v11;
	v7 =	vadd.s32 v7, v9;
	v2 =	vnsel vm0, $0xFE, v12  }
0x5b: {  	s8 =	sadd.s32 $0x20, s10;
	v3 =	vsub.f32 $1.000000000e+00, v5;
	v12 =	vsub.f32 $1.000000000e+00, v6;
	[tilespmem:s13+$0xFFFFFFF0] =	vst v8;
	v8 =	vcvt.s32.f32 v2  }
0x5c: {  	[tilespmem:s8+$0x0] =	vst v7;
	v4 =	vsub.f32 v4, v13;
	v2 =	vshll.u32 v2, $0x8  }
0x5d: {  	[tilespmem:s14+$0xFFFFFFF0] =	vst v10;
	v9 =	vmul.f32 v12, v3;
	v2 =	vadd.s32 v11, v2;
	v1 =	vsub.f32 v1, v8  }
0x5e: {  	s10 =	sadd.s32 $0x20, s9;
	v7 =	vmul.f32 v12, v5;
	[tilespmem:s8+$0xFFFFFFF0] =	vst v2  }
0x5f: {  	s16 =	sadd.s32 $0x20, s11;
	v3 =	vmul.f32 v3, v6;
	v8 =	vsub.f32 $1.000000000e+00, v4;
	[tilespmem:s10+$0x0] =	vst v9;
	v9 =	vsub.f32 $1.000000000e+00, v1  }
0x60: {  	s19 =	sadd.s32 $0x20, s13;
	v5 =	vmul.f32 v6, v5;
	[tilespmem:s16+$0x0] =	vst v7  }
0x61: {  	s21 =	sadd.s32 $0x20, s14;
	[tilespmem:s19+$0x0] =	vst v3;
	v3 =	vmul.f32 v9, v8  }
0x62: {  	[tilespmem:s21+$0x0] =	vst v5;
	v5 =	vmul.f32 v9, v4  }
0x63: {  	v2 =	vmul.f32 v8, v1;
	[tilespmem:s10+$0xFFFFFFF0] =	vst v3  }
0x64: {  	v1 =	vmul.f32 v1, v4;
	[tilespmem:s16+$0xFFFFFFF0] =	vst v5  }
0x65: {  	[tilespmem:s19+$0xFFFFFFF0] =	vst v2  }
0x66: {  	s22 =	simm.s32 $0x400;
	s24 =	simm.s32 $0x290;
	[tilespmem:s21+$0xFFFFFFF0] =	vst v1  }
0x67: {  	[tilespmem:s20], [sflag:$0x3] =	stream.indirect.gather [hbm4b:s6+s18], $0x50, s22, s18, $0xb8;
	[tilespmem:$0xF000] =	vst v63  }
0x68: {  	s25 =	simm.s32 $0x90;
	v1 =	vld [tilespmem:s24+$0x0]  }
0x69: {  	v2 =	vld [tilespmem:s25+$0x0];
	_ =	sdelay $0x1  }
0x6a: {  	v4 =	vld [tilespmem:s24+$0xFFFFFFF0]  }
0x6b: {  	v3 =	vld [tilespmem:s25+$0xFFFFFFF0]  }
0x6c: {  	v1 =	vmul.f32 $1.280000000e+02, v1  }
0x6d: {  	v2 =	vmul.f32 $1.280000000e+02, v2  }
0x6e: {  	v1 =	vadd.f32 $1.275000000e+02, v1  }
0x6f: {  	v4 =	vmul.f32 $1.280000000e+02, v4;
	v2 =	vadd.f32 $1.275000000e+02, v2  }
0x70: {  	v3 =	vmul.f32 $1.280000000e+02, v3;
	v1 =	vmax.f32 v1, $0.0e+00  }
0x71: {  	v4 =	vadd.f32 $1.275000000e+02, v4;
	v2 =	vmax.f32 v2, $0.0e+00;
	v1 =	vmin.f32 v1, $2.550000000e+02  }
0x72: {  	v3 =	vadd.f32 $1.275000000e+02, v3;
	v2 =	vmin.f32 v2, $2.550000000e+02;
	v5 =	vtrunc.f32 v1  }
0x73: {  	v4 =	vmax.f32 v4, $0.0e+00;
	v6 =	vtrunc.f32 v2;
	v5 =	vcvt.f32.s32 v5  }
0x74: {  	v3 =	vmax.f32 v3, $0.0e+00;
	v4 =	vmin.f32 v4, $2.550000000e+02;
	v6 =	vcvt.f32.s32 v6  }
0x75: {  	v3 =	vmin.f32 v3, $2.550000000e+02;
	v7 =	vtrunc.f32 v4;
	vm0 =	vlt.s32 v5, $0xFE  }
0x76: {  	v7 =	vcvt.f32.s32 v7;
	vm1 =	vlt.s32 v6, $0xFE;
	v5 =	vnsel vm0, $0xFE, v5  }
0x77: {  	s26 =	simm.s32 $0x2B0;
	v8 =	vtrunc.f32 v3;
	v6 =	vnsel vm1, $0xFE, v6;
	v9 =	vcvt.s32.f32 v5  }
0x78: {  	s8 =	simm.s32 $0xB0;
	v11 =	vld [tilespmem:s26+$0x0];
	v8 =	vcvt.f32.s32 v8;
	vm0 =	vlt.s32 v7, $0xFE;
	v10 =	vcvt.s32.f32 v6  }
0x79: {  	v12 =	vnsel vm0, $0xFE, v7;
	v7 =	vld [tilespmem:s8+$0x0];
	v1 =	vsub.f32 v1, v9  }
0x7a: {  	vm0 =	vlt.s32 v8, $0xFE;
	v2 =	vsub.f32 v2, v10;
	v9 =	vcvt.s32.f32 v12;
	v10 =	vld [tilespmem:s8+$0xFFFFFFF0]  }
0x7b: {  	v15 =	vld [tilespmem:s26+$0xFFFFFFF0];
	v6 =	vshll.u32 v6, $0x8;
	v8 =	vnsel vm0, $0xFE, v8;
	v13 =	vsub.f32 $1.000000000e+00, v1  }
0x7c: {  	v14 =	vsub.f32 $1.000000000e+00, v2;
	v16 =	vsub.f32 v4, v9;
	v4 =	vcvt.s32.f32 v8  }
0x7d: {  	v17 =	vshll.u32 v8, $0x8;
	v8 =	vadd.s32 v5, v6;
	v5 =	vmul.f32 $1.280000000e+02, v11  }
0x7e: {  	v9 =	vmul.f32 v14, v13;
	v18 =	vsub.f32 v3, v4;
	v11 =	vmul.f32 v14, v1  }
0x7f: {  	v3 =	vmul.f32 $1.280000000e+02, v7;
	v7 =	vsub.f32 $1.000000000e+00, v16;
	v4 =	vmul.f32 $1.280000000e+02, v10  }
0x80: {  	v5 =	vadd.f32 $1.275000000e+02, v5;
	v10 =	vmul.f32 v2, v1;
	v1 =	vmul.f32 $1.280000000e+02, v15  }
0x81: {  	v13 =	vmul.f32 v13, v2;
	v6 =	vsub.f32 $1.000000000e+00, v18;
	v2 =	vadd.f32 $1.275000000e+02, v3  }
0x82: {  	v5 =	vmax.f32 v5, $0.0e+00;
	v4 =	vadd.f32 $1.275000000e+02, v4;
	v1 =	vadd.f32 $1.275000000e+02, v1  }
0x83: {  	v5 =	vmin.f32 v5, $2.550000000e+02;
	v3 =	vmul.f32 v6, v7;
	v14 =	vmax.f32 v2, $0.0e+00  }
0x84: {  	v2 =	vmul.f32 v6, v16;
	v6 =	vmin.f32 v14, $2.550000000e+02;
	v14 =	vtrunc.f32 v5  }
0x85: {  	s10 =	simm.s32 $0x490;
	v1 =	vmax.f32 v1, $0.0e+00;
	v15 =	vtrunc.f32 v6;
	v14 =	vcvt.f32.s32 v14  }
0x86: {  	s9 =	simm.s32 $0x690;
	[tilespmem:s10+$0x0] =	vst v8;
	v8 =	vmax.f32 v4, $0.0e+00;
	v4 =	vmin.f32 v1, $2.550000000e+02;
	v15 =	vcvt.f32.s32 v15  }
0x87: {  	s11 =	simm.s32 $0x890;
	[tilespmem:s9+$0x0] =	vst v9;
	v1 =	vmin.f32 v8, $2.550000000e+02;
	v8 =	vmul.f32 v7, v18;
	vm0 =	vlt.s32 v14, $0xFE  }
0x88: {  	s13 =	simm.s32 $0xA90;
	[tilespmem:s11+$0x0] =	vst v11;
	v9 =	vtrunc.f32 v4;
	v7 =	vnsel vm0, $0xFE, v14;
	vm0 =	vlt.s32 v15, $0xFE  }
0x89: {  	s14 =	simm.s32 $0xC90;
	[tilespmem:s13+$0x0] =	vst v13;
	v19 =	vtrunc.f32 v1;
	v11 =	vcvt.f32.s32 v9;
	v9 =	vnsel vm0, $0xFE, v15  }
0x8a: {  	[tilespmem:s14+$0x0] =	vst v10;
	v10 =	vadd.s32 v12, v17;
	v13 =	vcvt.s32.f32 v7;
	v14 =	vcvt.s32.f32 v9  }
0x8b: {  	s16 =	simm.s32 $0x2;
	s19 =	simm.s32 $0x2D0;
	[tilespmem:s10+$0xFFFFFFF0] =	vst v10;
	v10 =	vmul.f32 v18, v16;
	v12 =	vcvt.f32.s32 v19;
	vm0 =	vlt.s32 v11, $0xFE  }
.LBB2_4:
0x8c: {  	v15 =	vld [tilespmem:s19+$0x0];
	v16 =	vnsel vm0, $0xFE, v11;
	v5 =	vsub.f32 v5, v13;
	v6 =	vsub.f32 v6, v14;
	s8 =	sadd.s32 $0x20, s8;
	[tilespmem:s9+$0xFFFFFFF0] =	vst v3  }
0x8d: {  	v3 =	vld [tilespmem:s8+$0x0];
	vm0 =	vlt.s32 v12, $0xFE;
	v11 =	vcvt.s32.f32 v16;
	[tilespmem:s11+$0xFFFFFFF0] =	vst v2  }
0x8e: {  	v2 =	vld [tilespmem:s8+$0xFFFFFFF0];
	v12 =	vnsel vm0, $0xFE, v12;
	v13 =	vsub.f32 $1.000000000e+00, v5;
	v14 =	vsub.f32 $1.000000000e+00, v6;
	[tilespmem:s13+$0xFFFFFFF0] =	vst v8  }
0x8f: {  	v9 =	vshll.u32 v9, $0x8;
	v8 =	vld [tilespmem:s19+$0xFFFFFFF0];
	v17 =	vsub.f32 v4, v11;
	v4 =	vcvt.s32.f32 v12;
	[tilespmem:s14+$0xFFFFFFF0] =	vst v10  }
0x90: {  	s16 =	sadd.s32 $0x2, s16;
	s10 =	sadd.s32 $0x20, s10;
	v7 =	vadd.s32 v7, v9;
	v10 =	vshll.u32 v12, $0x8;
	v9 =	vmul.f32 v14, v13  }
0x91: {  	s9 =	sadd.s32 $0x20, s9;
	p0 =	slt.u32 s16, $0x6;
	v11 =	vmul.f32 $1.280000000e+02, v15;
	v15 =	vsub.f32 v1, v4;
	[tilespmem:s10+$0x0] =	vst v7;
	v1 =	vmul.f32 v14, v5  }
0x92: {  	s11 =	sadd.s32 $0x20, s11;
	v7 =	vsub.f32 $1.000000000e+00, v17;
	v4 =	vmul.f32 v13, v6;
	v3 =	vmul.f32 $1.280000000e+02, v3;
	[tilespmem:s9+$0x0] =	vst v9  }
0x93: {  	s13 =	sadd.s32 $0x20, s13;
	v2 =	vmul.f32 $1.280000000e+02, v2;
	v9 =	vsub.f32 $1.000000000e+00, v15;
	[tilespmem:s11+$0x0] =	vst v1;
	v1 =	vmul.f32 v6, v5  }
0x94: {  	s14 =	sadd.s32 $0x20, s14;
	v6 =	vadd.f32 $1.275000000e+02, v11;
	v5 =	vmul.f32 $1.280000000e+02, v8;
	v8 =	vadd.f32 $1.275000000e+02, v3;
	[tilespmem:s13+$0x0] =	vst v4  }
0x95: {  	v4 =	vadd.f32 $1.275000000e+02, v2;
	v3 =	vmul.f32 v9, v7;
	v2 =	vmul.f32 v9, v17;
	[tilespmem:s14+$0x0] =	vst v1  }
0x96: {  	v1 =	vadd.f32 $1.275000000e+02, v5;
	v5 =	vmax.f32 v6, $0.0e+00;
	v6 =	vmax.f32 v8, $0.0e+00  }
0x97: {  	v8 =	vmax.f32 v4, $0.0e+00;
	v5 =	vmin.f32 v5, $2.550000000e+02;
	v6 =	vmin.f32 v6, $2.550000000e+02  }
0x98: {  	v1 =	vmax.f32 v1, $0.0e+00;
	v9 =	vtrunc.f32 v5;
	v11 =	vtrunc.f32 v6  }
0x99: {  	v4 =	vmin.f32 v1, $2.550000000e+02;
	v9 =	vcvt.f32.s32 v9;
	v12 =	vcvt.f32.s32 v11  }
.Ltmp1:
0x9a: {  	v1 =	vmin.f32 v8, $2.550000000e+02;
	v8 =	vmul.f32 v7, v15;
	v11 =	vtrunc.f32 v4;
	(pc) =	sbr.rel @p0 .LBB2_4-.Ltmp1, $4  }
0x9b: {  	v18 =	vtrunc.f32 v1;
	vm0 =	vlt.s32 v9, $0xFE;
	vm1 =	vlt.s32 v12, $0xFE  }
0x9c: {  	v11 =	vcvt.f32.s32 v11;
	v7 =	vnsel vm0, $0xFE, v9;
	v9 =	vnsel vm1, $0xFE, v12  }
0x9d: {  	v10 =	vadd.s32 v16, v10;
	v13 =	vcvt.s32.f32 v7;
	v14 =	vcvt.s32.f32 v9  }
0x9e: {  	s19 =	sadd.s32 $0x20, s19;
	v12 =	vcvt.f32.s32 v18;
	vm0 =	vlt.s32 v11, $0xFE;
	[tilespmem:s10+$0xFFFFFFF0] =	vst v10;
	v10 =	vmul.f32 v15, v17  }
0x9f: {  	v5 =	vsub.f32 v5, v13;
	v6 =	vsub.f32 v6, v14  }
0xa0: {  	v11 =	vnsel vm0, $0xFE, v11;
	[tilespmem:s9+$0xFFFFFFF0] =	vst v3;
	v9 =	vshll.u32 v9, $0x8;
	vm15 =	vlt.s32 v12, $0xFE  }
0xa1: {  	[tilespmem:s11+$0xFFFFFFF0] =	vst v2;
	v57 =	vcvt.s32.f32 v11;
	v7 =	vadd.s32 v7, v9;
	v2 =	vnsel vm15, $0xFE, v12  }
0xa2: {  	s8 =	sadd.s32 $0x20, s10;
	v3 =	vsub.f32 $1.000000000e+00, v5;
	v56 =	vsub.f32 $1.000000000e+00, v6;
	[tilespmem:s13+$0xFFFFFFF0] =	vst v8;
	v58 =	vcvt.s32.f32 v2  }
0xa3: {  	[tilespmem:s8+$0x0] =	vst v7;
	v4 =	vsub.f32 v4, v57;
	v2 =	vshll.u32 v2, $0x8  }
0xa4: {  	[tilespmem:s14+$0xFFFFFFF0] =	vst v10;
	v59 =	vmul.f32 v56, v3;
	v2 =	vadd.s32 v11, v2;
	v1 =	vsub.f32 v1, v58  }
0xa5: {  	s19 =	sadd.s32 $0x20, s9;
	v60 =	vmul.f32 v56, v5;
	[tilespmem:s8+$0xFFFFFFF0] =	vst v2  }
0xa6: {  	s21 =	sadd.s32 $0x20, s11;
	v3 =	vmul.f32 v3, v6;
	v61 =	vsub.f32 $1.000000000e+00, v4;
	[tilespmem:s19+$0x0] =	vst v59;
	v62 =	vsub.f32 $1.000000000e+00, v1  }
0xa7: {  	s22 =	sadd.s32 $0x20, s13;
	v5 =	vmul.f32 v6, v5;
	[tilespmem:s21+$0x0] =	vst v60  }
0xa8: {  	s24 =	sadd.s32 $0x20, s14;
	[tilespmem:s22+$0x0] =	vst v3;
	v3 =	vmul.f32 v62, v61  }
0xa9: {  	[tilespmem:s24+$0x0] =	vst v5;
	v63 =	vmul.f32 v62, v4  }
0xaa: {  	v2 =	vmul.f32 v61, v1;
	[tilespmem:s19+$0xFFFFFFF0] =	vst v3  }
0xab: {  	v1 =	vmul.f32 v1, v4;
	[tilespmem:s21+$0xFFFFFFF0] =	vst v63  }
0xac: {  	[tilespmem:s22+$0xFFFFFFF0] =	vst v2  }
0xad: {  	s25 =	simm.s32 $0x480;
	s26 =	simm.s32 $0x3600;
	s10 =	simm.s32 $0x0;
	[tilespmem:s24+$0xFFFFFFF0] =	vst v1  }
0xae: {  	[tilespmem:s26], [sflag:$0x3] =	stream.indirect.gather [hbm4b:s6+s18], $0x50, s25, s18, $0xb8;
	[tilespmem:$0xF000] =	vst v63  }
.LBB2_6:
0xaf: {  	_ =	swait.ge [sflag:s23], $0x100  }
0xb0: {  	[sflag:s23] =	ssyncset.done $0x0  }
0xb1: {  	[sflag:s23] =	ssyncadd.s32 $0xFFFFFF00  }
0xb2: {  	_ =	swait.ge [sflag:s23], $0x100  }
0xb3: {  	[sflag:s23] =	ssyncset.done $0x0  }
0xb4: {  	s8 =	simm.s32 $0x310;
	[sflag:s23] =	ssyncadd.s32 $0xFFFFFF00  }
0xb5: {  	s9 =	simm.s32 $0x110;
	v1 =	vld [tilespmem:s8+$0x0]  }
0xb6: {  	v2 =	vld [tilespmem:s9+$0x0];
	_ =	sdelay $0x1  }
0xb7: {  	v4 =	vld [tilespmem:s8+$0xFFFFFFF0]  }
0xb8: {  	v3 =	vld [tilespmem:s9+$0xFFFFFFF0]  }
0xb9: {  	v1 =	vmul.f32 $1.280000000e+02, v1  }
0xba: {  	v2 =	vmul.f32 $1.280000000e+02, v2  }
0xbb: {  	v1 =	vadd.f32 $1.275000000e+02, v1  }
0xbc: {  	v4 =	vmul.f32 $1.280000000e+02, v4;
	v2 =	vadd.f32 $1.275000000e+02, v2  }
0xbd: {  	v3 =	vmul.f32 $1.280000000e+02, v3;
	v1 =	vmax.f32 v1, $0.0e+00  }
0xbe: {  	v4 =	vadd.f32 $1.275000000e+02, v4;
	v2 =	vmax.f32 v2, $0.0e+00;
	v1 =	vmin.f32 v1, $2.550000000e+02  }
0xbf: {  	v3 =	vadd.f32 $1.275000000e+02, v3;
	v2 =	vmin.f32 v2, $2.550000000e+02;
	v5 =	vtrunc.f32 v1  }
0xc0: {  	v4 =	vmax.f32 v4, $0.0e+00;
	v6 =	vtrunc.f32 v2;
	v5 =	vcvt.f32.s32 v5  }
0xc1: {  	v3 =	vmax.f32 v3, $0.0e+00;
	v4 =	vmin.f32 v4, $2.550000000e+02;
	v6 =	vcvt.f32.s32 v6  }
0xc2: {  	v3 =	vmin.f32 v3, $2.550000000e+02;
	v7 =	vtrunc.f32 v4;
	vm0 =	vlt.s32 v5, $0xFE  }
0xc3: {  	v7 =	vcvt.f32.s32 v7;
	vm1 =	vlt.s32 v6, $0xFE;
	v5 =	vnsel vm0, $0xFE, v5  }
0xc4: {  	s26 =	simm.s32 $0x330;
	v8 =	vtrunc.f32 v3;
	v6 =	vnsel vm1, $0xFE, v6;
	v9 =	vcvt.s32.f32 v5  }
0xc5: {  	v11 =	vld [tilespmem:s26+$0x0];
	s8 =	simm.s32 $0x130;
	v8 =	vcvt.f32.s32 v8;
	vm0 =	vlt.s32 v7, $0xFE;
	v10 =	vcvt.s32.f32 v6  }
0xc6: {  	v12 =	vnsel vm0, $0xFE, v7;
	v7 =	vld [tilespmem:s8+$0x0];
	v1 =	vsub.f32 v1, v9  }
0xc7: {  	vm0 =	vlt.s32 v8, $0xFE;
	v2 =	vsub.f32 v2, v10;
	v9 =	vcvt.s32.f32 v12;
	v10 =	vld [tilespmem:s8+$0xFFFFFFF0]  }
0xc8: {  	v15 =	vld [tilespmem:s26+$0xFFFFFFF0];
	v6 =	vshll.u32 v6, $0x8;
	v8 =	vnsel vm0, $0xFE, v8;
	v13 =	vsub.f32 $1.000000000e+00, v1  }
0xc9: {  	v14 =	vsub.f32 $1.000000000e+00, v2;
	v16 =	vsub.f32 v4, v9;
	v4 =	vcvt.s32.f32 v8  }
0xca: {  	v17 =	vshll.u32 v8, $0x8;
	v8 =	vadd.s32 v5, v6;
	v5 =	vmul.f32 $1.280000000e+02, v11  }
0xcb: {  	v9 =	vmul.f32 v14, v13;
	v18 =	vsub.f32 v3, v4;
	v11 =	vmul.f32 v14, v1  }
0xcc: {  	v3 =	vmul.f32 $1.280000000e+02, v7;
	v7 =	vsub.f32 $1.000000000e+00, v16;
	v4 =	vmul.f32 $1.280000000e+02, v10  }
0xcd: {  	v5 =	vadd.f32 $1.275000000e+02, v5;
	v10 =	vmul.f32 v2, v1;
	v1 =	vmul.f32 $1.280000000e+02, v15  }
0xce: {  	v13 =	vmul.f32 v13, v2;
	v6 =	vsub.f32 $1.000000000e+00, v18;
	v2 =	vadd.f32 $1.275000000e+02, v3  }
0xcf: {  	v5 =	vmax.f32 v5, $0.0e+00;
	v4 =	vadd.f32 $1.275000000e+02, v4;
	v1 =	vadd.f32 $1.275000000e+02, v1  }
0xd0: {  	v5 =	vmin.f32 v5, $2.550000000e+02;
	v3 =	vmul.f32 v6, v7;
	v14 =	vmax.f32 v2, $0.0e+00  }
0xd1: {  	v2 =	vmul.f32 v6, v16;
	v6 =	vmin.f32 v14, $2.550000000e+02;
	v14 =	vtrunc.f32 v5  }
0xd2: {  	s11 =	simm.s32 $0x510;
	v1 =	vmax.f32 v1, $0.0e+00;
	v15 =	vtrunc.f32 v6;
	v14 =	vcvt.f32.s32 v14  }
0xd3: {  	s9 =	simm.s32 $0x710;
	[tilespmem:s11+$0x0] =	vst v8;
	v8 =	vmax.f32 v4, $0.0e+00;
	v4 =	vmin.f32 v1, $2.550000000e+02;
	v15 =	vcvt.f32.s32 v15  }
0xd4: {  	s13 =	simm.s32 $0x910;
	[tilespmem:s9+$0x0] =	vst v9;
	v1 =	vmin.f32 v8, $2.550000000e+02;
	v8 =	vmul.f32 v7, v18;
	vm0 =	vlt.s32 v14, $0xFE  }
0xd5: {  	s14 =	simm.s32 $0xB10;
	[tilespmem:s13+$0x0] =	vst v11;
	v9 =	vtrunc.f32 v4;
	v7 =	vnsel vm0, $0xFE, v14;
	vm0 =	vlt.s32 v15, $0xFE  }
0xd6: {  	s16 =	simm.s32 $0xD10;
	[tilespmem:s14+$0x0] =	vst v13;
	v19 =	vtrunc.f32 v1;
	v11 =	vcvt.f32.s32 v9;
	v9 =	vnsel vm0, $0xFE, v15  }
0xd7: {  	[tilespmem:s16+$0x0] =	vst v10;
	v10 =	vadd.s32 v12, v17;
	v13 =	vcvt.s32.f32 v7;
	v14 =	vcvt.s32.f32 v9  }
0xd8: {  	s19 =	simm.s32 $0x2;
	s21 =	simm.s32 $0x350;
	[tilespmem:s11+$0xFFFFFFF0] =	vst v10;
	v10 =	vmul.f32 v18, v16;
	v12 =	vcvt.f32.s32 v19;
	vm0 =	vlt.s32 v11, $0xFE  }
.LBB2_7:
0xd9: {  	v15 =	vld [tilespmem:s21+$0x0];
	v16 =	vnsel vm0, $0xFE, v11;
	v5 =	vsub.f32 v5, v13;
	v6 =	vsub.f32 v6, v14;
	s8 =	sadd.s32 $0x20, s8;
	[tilespmem:s9+$0xFFFFFFF0] =	vst v3  }
0xda: {  	v3 =	vld [tilespmem:s8+$0x0];
	vm0 =	vlt.s32 v12, $0xFE;
	v11 =	vcvt.s32.f32 v16;
	[tilespmem:s13+$0xFFFFFFF0] =	vst v2  }
0xdb: {  	v2 =	vld [tilespmem:s8+$0xFFFFFFF0];
	v12 =	vnsel vm0, $0xFE, v12;
	v13 =	vsub.f32 $1.000000000e+00, v5;
	v14 =	vsub.f32 $1.000000000e+00, v6;
	[tilespmem:s14+$0xFFFFFFF0] =	vst v8  }
0xdc: {  	v9 =	vshll.u32 v9, $0x8;
	v8 =	vld [tilespmem:s21+$0xFFFFFFF0];
	v17 =	vsub.f32 v4, v11;
	v4 =	vcvt.s32.f32 v12;
	[tilespmem:s16+$0xFFFFFFF0] =	vst v10  }
0xdd: {  	s19 =	sadd.s32 $0x2, s19;
	s11 =	sadd.s32 $0x20, s11;
	v7 =	vadd.s32 v7, v9;
	v10 =	vshll.u32 v12, $0x8;
	v9 =	vmul.f32 v14, v13  }
0xde: {  	s9 =	sadd.s32 $0x20, s9;
	p0 =	slt.u32 s19, $0x6;
	v11 =	vmul.f32 $1.280000000e+02, v15;
	v15 =	vsub.f32 v1, v4;
	[tilespmem:s11+$0x0] =	vst v7;
	v1 =	vmul.f32 v14, v5  }
0xdf: {  	s13 =	sadd.s32 $0x20, s13;
	v7 =	vsub.f32 $1.000000000e+00, v17;
	v4 =	vmul.f32 v13, v6;
	v3 =	vmul.f32 $1.280000000e+02, v3;
	[tilespmem:s9+$0x0] =	vst v9  }
0xe0: {  	s14 =	sadd.s32 $0x20, s14;
	v2 =	vmul.f32 $1.280000000e+02, v2;
	v9 =	vsub.f32 $1.000000000e+00, v15;
	[tilespmem:s13+$0x0] =	vst v1;
	v1 =	vmul.f32 v6, v5  }
0xe1: {  	s16 =	sadd.s32 $0x20, s16;
	v6 =	vadd.f32 $1.275000000e+02, v11;
	v5 =	vmul.f32 $1.280000000e+02, v8;
	v8 =	vadd.f32 $1.275000000e+02, v3;
	[tilespmem:s14+$0x0] =	vst v4  }
0xe2: {  	v4 =	vadd.f32 $1.275000000e+02, v2;
	v3 =	vmul.f32 v9, v7;
	v2 =	vmul.f32 v9, v17;
	[tilespmem:s16+$0x0] =	vst v1  }
0xe3: {  	v1 =	vadd.f32 $1.275000000e+02, v5;
	v5 =	vmax.f32 v6, $0.0e+00;
	v6 =	vmax.f32 v8, $0.0e+00  }
0xe4: {  	v8 =	vmax.f32 v4, $0.0e+00;
	v5 =	vmin.f32 v5, $2.550000000e+02;
	v6 =	vmin.f32 v6, $2.550000000e+02  }
0xe5: {  	v1 =	vmax.f32 v1, $0.0e+00;
	v9 =	vtrunc.f32 v5;
	v11 =	vtrunc.f32 v6  }
0xe6: {  	v4 =	vmin.f32 v1, $2.550000000e+02;
	v9 =	vcvt.f32.s32 v9;
	v12 =	vcvt.f32.s32 v11  }
.Ltmp2:
0xe7: {  	v1 =	vmin.f32 v8, $2.550000000e+02;
	v8 =	vmul.f32 v7, v15;
	v11 =	vtrunc.f32 v4;
	(pc) =	sbr.rel @p0 .LBB2_7-.Ltmp2, $4  }
0xe8: {  	v18 =	vtrunc.f32 v1;
	vm0 =	vlt.s32 v9, $0xFE;
	vm1 =	vlt.s32 v12, $0xFE  }
0xe9: {  	v11 =	vcvt.f32.s32 v11;
	v7 =	vnsel vm0, $0xFE, v9;
	v9 =	vnsel vm1, $0xFE, v12  }
0xea: {  	v10 =	vadd.s32 v16, v10;
	v13 =	vcvt.s32.f32 v7;
	v14 =	vcvt.s32.f32 v9  }
0xeb: {  	s21 =	sadd.s32 $0x20, s21;
	v12 =	vcvt.f32.s32 v18;
	vm0 =	vlt.s32 v11, $0xFE;
	[tilespmem:s11+$0xFFFFFFF0] =	vst v10;
	v10 =	vmul.f32 v15, v17  }
0xec: {  	v5 =	vsub.f32 v5, v13;
	v6 =	vsub.f32 v6, v14  }
0xed: {  	v11 =	vnsel vm0, $0xFE, v11;
	[tilespmem:s9+$0xFFFFFFF0] =	vst v3;
	v9 =	vshll.u32 v9, $0x8;
	vm0 =	vlt.s32 v12, $0xFE  }
0xee: {  	[tilespmem:s13+$0xFFFFFFF0] =	vst v2;
	v13 =	vcvt.s32.f32 v11;
	v7 =	vadd.s32 v7, v9;
	v2 =	vnsel vm0, $0xFE, v12  }
0xef: {  	s8 =	sadd.s32 $0x20, s11;
	v3 =	vsub.f32 $1.000000000e+00, v5;
	v12 =	vsub.f32 $1.000000000e+00, v6;
	[tilespmem:s14+$0xFFFFFFF0] =	vst v8;
	v8 =	vcvt.s32.f32 v2  }
0xf0: {  	[tilespmem:s8+$0x0] =	vst v7;
	v4 =	vsub.f32 v4, v13;
	v2 =	vshll.u32 v2, $0x8  }
0xf1: {  	[tilespmem:s16+$0xFFFFFFF0] =	vst v10;
	v9 =	vmul.f32 v12, v3;
	v2 =	vadd.s32 v11, v2;
	v1 =	vsub.f32 v1, v8  }
0xf2: {  	s11 =	sadd.s32 $0x20, s9;
	v7 =	vmul.f32 v12, v5;
	[tilespmem:s8+$0xFFFFFFF0] =	vst v2  }
0xf3: {  	s13 =	sadd.s32 $0x20, s13;
	v3 =	vmul.f32 v3, v6;
	v8 =	vsub.f32 $1.000000000e+00, v4;
	[tilespmem:s11+$0x0] =	vst v9;
	v9 =	vsub.f32 $1.000000000e+00, v1  }
0xf4: {  	s14 =	sadd.s32 $0x20, s14;
	v5 =	vmul.f32 v6, v5;
	[tilespmem:s13+$0x0] =	vst v7  }
0xf5: {  	s19 =	sadd.s32 $0x20, s16;
	[tilespmem:s14+$0x0] =	vst v3;
	v3 =	vmul.f32 v9, v8  }
0xf6: {  	[tilespmem:s19+$0x0] =	vst v5;
	v5 =	vmul.f32 v9, v4  }
0xf7: {  	v2 =	vmul.f32 v8, v1;
	[tilespmem:s11+$0xFFFFFFF0] =	vst v3  }
0xf8: {  	v1 =	vmul.f32 v1, v4;
	[tilespmem:s13+$0xFFFFFFF0] =	vst v5  }
0xf9: {  	[tilespmem:s14+$0xFFFFFFF0] =	vst v2  }
0xfa: {  	s21 =	simm.s32 $0x500;
	s22 =	simm.s32 $0x5E00;
	s24 =	simm.s32 $0x390;
	[tilespmem:s19+$0xFFFFFFF0] =	vst v1  }
0xfb: {  	[tilespmem:s22], [sflag:$0x4] =	stream.indirect.gather [hbm4b:s6+s18], $0x50, s21, s18, $0xb8;
	[tilespmem:$0xF000] =	vst v63  }
0xfc: {  	s25 =	simm.s32 $0x190;
	v1 =	vld [tilespmem:s24+$0x0]  }
0xfd: {  	v2 =	vld [tilespmem:s25+$0x0];
	_ =	sdelay $0x1  }
0xfe: {  	v4 =	vld [tilespmem:s24+$0xFFFFFFF0]  }
0xff: {  	v3 =	vld [tilespmem:s25+$0xFFFFFFF0]  }
0x100: {  	v1 =	vmul.f32 $1.280000000e+02, v1  }
0x101: {  	v2 =	vmul.f32 $1.280000000e+02, v2  }
0x102: {  	v1 =	vadd.f32 $1.275000000e+02, v1  }
0x103: {  	v4 =	vmul.f32 $1.280000000e+02, v4;
	v2 =	vadd.f32 $1.275000000e+02, v2  }
0x104: {  	v3 =	vmul.f32 $1.280000000e+02, v3;
	v1 =	vmax.f32 v1, $0.0e+00  }
0x105: {  	v4 =	vadd.f32 $1.275000000e+02, v4;
	v2 =	vmax.f32 v2, $0.0e+00;
	v1 =	vmin.f32 v1, $2.550000000e+02  }
0x106: {  	v3 =	vadd.f32 $1.275000000e+02, v3;
	v2 =	vmin.f32 v2, $2.550000000e+02;
	v5 =	vtrunc.f32 v1  }
0x107: {  	v4 =	vmax.f32 v4, $0.0e+00;
	v6 =	vtrunc.f32 v2;
	v5 =	vcvt.f32.s32 v5  }
0x108: {  	v3 =	vmax.f32 v3, $0.0e+00;
	v4 =	vmin.f32 v4, $2.550000000e+02;
	v6 =	vcvt.f32.s32 v6  }
0x109: {  	v3 =	vmin.f32 v3, $2.550000000e+02;
	v7 =	vtrunc.f32 v4;
	vm0 =	vlt.s32 v5, $0xFE  }
0x10a: {  	v7 =	vcvt.f32.s32 v7;
	vm1 =	vlt.s32 v6, $0xFE;
	v5 =	vnsel vm0, $0xFE, v5  }
0x10b: {  	s26 =	simm.s32 $0x3B0;
	v8 =	vtrunc.f32 v3;
	v6 =	vnsel vm1, $0xFE, v6;
	v9 =	vcvt.s32.f32 v5  }
0x10c: {  	s8 =	simm.s32 $0x1B0;
	v11 =	vld [tilespmem:s26+$0x0];
	v8 =	vcvt.f32.s32 v8;
	vm0 =	vlt.s32 v7, $0xFE;
	v10 =	vcvt.s32.f32 v6  }
0x10d: {  	v12 =	vnsel vm0, $0xFE, v7;
	v7 =	vld [tilespmem:s8+$0x0];
	v1 =	vsub.f32 v1, v9  }
0x10e: {  	vm0 =	vlt.s32 v8, $0xFE;
	v2 =	vsub.f32 v2, v10;
	v9 =	vcvt.s32.f32 v12;
	v10 =	vld [tilespmem:s8+$0xFFFFFFF0]  }
0x10f: {  	v15 =	vld [tilespmem:s26+$0xFFFFFFF0];
	v6 =	vshll.u32 v6, $0x8;
	v8 =	vnsel vm0, $0xFE, v8;
	v13 =	vsub.f32 $1.000000000e+00, v1  }
0x110: {  	v14 =	vsub.f32 $1.000000000e+00, v2;
	v16 =	vsub.f32 v4, v9;
	v4 =	vcvt.s32.f32 v8  }
0x111: {  	v17 =	vshll.u32 v8, $0x8;
	v8 =	vadd.s32 v5, v6;
	v5 =	vmul.f32 $1.280000000e+02, v11  }
0x112: {  	v9 =	vmul.f32 v14, v13;
	v18 =	vsub.f32 v3, v4;
	v11 =	vmul.f32 v14, v1  }
0x113: {  	v3 =	vmul.f32 $1.280000000e+02, v7;
	v7 =	vsub.f32 $1.000000000e+00, v16;
	v4 =	vmul.f32 $1.280000000e+02, v10  }
0x114: {  	v5 =	vadd.f32 $1.275000000e+02, v5;
	v10 =	vmul.f32 v2, v1;
	v1 =	vmul.f32 $1.280000000e+02, v15  }
0x115: {  	v13 =	vmul.f32 v13, v2;
	v6 =	vsub.f32 $1.000000000e+00, v18;
	v2 =	vadd.f32 $1.275000000e+02, v3  }
0x116: {  	v5 =	vmax.f32 v5, $0.0e+00;
	v4 =	vadd.f32 $1.275000000e+02, v4;
	v1 =	vadd.f32 $1.275000000e+02, v1  }
0x117: {  	v5 =	vmin.f32 v5, $2.550000000e+02;
	v3 =	vmul.f32 v6, v7;
	v14 =	vmax.f32 v2, $0.0e+00  }
0x118: {  	v2 =	vmul.f32 v6, v16;
	v6 =	vmin.f32 v14, $2.550000000e+02;
	v14 =	vtrunc.f32 v5  }
0x119: {  	s11 =	simm.s32 $0x590;
	v1 =	vmax.f32 v1, $0.0e+00;
	v15 =	vtrunc.f32 v6;
	v14 =	vcvt.f32.s32 v14  }
0x11a: {  	s9 =	simm.s32 $0x790;
	[tilespmem:s11+$0x0] =	vst v8;
	v8 =	vmax.f32 v4, $0.0e+00;
	v4 =	vmin.f32 v1, $2.550000000e+02;
	v15 =	vcvt.f32.s32 v15  }
0x11b: {  	s13 =	simm.s32 $0x990;
	[tilespmem:s9+$0x0] =	vst v9;
	v1 =	vmin.f32 v8, $2.550000000e+02;
	v8 =	vmul.f32 v7, v18;
	vm0 =	vlt.s32 v14, $0xFE  }
0x11c: {  	s14 =	simm.s32 $0xB90;
	[tilespmem:s13+$0x0] =	vst v11;
	v9 =	vtrunc.f32 v4;
	v7 =	vnsel vm0, $0xFE, v14;
	vm0 =	vlt.s32 v15, $0xFE  }
0x11d: {  	s16 =	simm.s32 $0xD90;
	[tilespmem:s14+$0x0] =	vst v13;
	v19 =	vtrunc.f32 v1;
	v11 =	vcvt.f32.s32 v9;
	v9 =	vnsel vm0, $0xFE, v15  }
0x11e: {  	[tilespmem:s16+$0x0] =	vst v10;
	v10 =	vadd.s32 v12, v17;
	v13 =	vcvt.s32.f32 v7;
	v14 =	vcvt.s32.f32 v9  }
0x11f: {  	s19 =	simm.s32 $0x2;
	s21 =	simm.s32 $0x3D0;
	[tilespmem:s11+$0xFFFFFFF0] =	vst v10;
	v10 =	vmul.f32 v18, v16;
	v12 =	vcvt.f32.s32 v19;
	vm0 =	vlt.s32 v11, $0xFE  }
.LBB2_9:
0x120: {  	v15 =	vld [tilespmem:s21+$0x0];
	v16 =	vnsel vm0, $0xFE, v11;
	v5 =	vsub.f32 v5, v13;
	v6 =	vsub.f32 v6, v14;
	s8 =	sadd.s32 $0x20, s8;
	[tilespmem:s9+$0xFFFFFFF0] =	vst v3  }
0x121: {  	v3 =	vld [tilespmem:s8+$0x0];
	vm0 =	vlt.s32 v12, $0xFE;
	v11 =	vcvt.s32.f32 v16;
	[tilespmem:s13+$0xFFFFFFF0] =	vst v2  }
0x122: {  	v2 =	vld [tilespmem:s8+$0xFFFFFFF0];
	v12 =	vnsel vm0, $0xFE, v12;
	v13 =	vsub.f32 $1.000000000e+00, v5;
	v14 =	vsub.f32 $1.000000000e+00, v6;
	[tilespmem:s14+$0xFFFFFFF0] =	vst v8  }
0x123: {  	v9 =	vshll.u32 v9, $0x8;
	v8 =	vld [tilespmem:s21+$0xFFFFFFF0];
	v17 =	vsub.f32 v4, v11;
	v4 =	vcvt.s32.f32 v12;
	[tilespmem:s16+$0xFFFFFFF0] =	vst v10  }
0x124: {  	s19 =	sadd.s32 $0x2, s19;
	s11 =	sadd.s32 $0x20, s11;
	v7 =	vadd.s32 v7, v9;
	v10 =	vshll.u32 v12, $0x8;
	v9 =	vmul.f32 v14, v13  }
0x125: {  	s9 =	sadd.s32 $0x20, s9;
	p0 =	slt.u32 s19, $0x6;
	v11 =	vmul.f32 $1.280000000e+02, v15;
	v15 =	vsub.f32 v1, v4;
	[tilespmem:s11+$0x0] =	vst v7;
	v1 =	vmul.f32 v14, v5  }
0x126: {  	s13 =	sadd.s32 $0x20, s13;
	v7 =	vsub.f32 $1.000000000e+00, v17;
	v4 =	vmul.f32 v13, v6;
	v3 =	vmul.f32 $1.280000000e+02, v3;
	[tilespmem:s9+$0x0] =	vst v9  }
0x127: {  	s14 =	sadd.s32 $0x20, s14;
	v2 =	vmul.f32 $1.280000000e+02, v2;
	v9 =	vsub.f32 $1.000000000e+00, v15;
	[tilespmem:s13+$0x0] =	vst v1;
	v1 =	vmul.f32 v6, v5  }
0x128: {  	s16 =	sadd.s32 $0x20, s16;
	v6 =	vadd.f32 $1.275000000e+02, v11;
	v5 =	vmul.f32 $1.280000000e+02, v8;
	v8 =	vadd.f32 $1.275000000e+02, v3;
	[tilespmem:s14+$0x0] =	vst v4  }
0x129: {  	v4 =	vadd.f32 $1.275000000e+02, v2;
	v3 =	vmul.f32 v9, v7;
	v2 =	vmul.f32 v9, v17;
	[tilespmem:s16+$0x0] =	vst v1  }
0x12a: {  	v1 =	vadd.f32 $1.275000000e+02, v5;
	v5 =	vmax.f32 v6, $0.0e+00;
	v6 =	vmax.f32 v8, $0.0e+00  }
0x12b: {  	v8 =	vmax.f32 v4, $0.0e+00;
	v5 =	vmin.f32 v5, $2.550000000e+02;
	v6 =	vmin.f32 v6, $2.550000000e+02  }
0x12c: {  	v1 =	vmax.f32 v1, $0.0e+00;
	v9 =	vtrunc.f32 v5;
	v11 =	vtrunc.f32 v6  }
0x12d: {  	v4 =	vmin.f32 v1, $2.550000000e+02;
	v9 =	vcvt.f32.s32 v9;
	v12 =	vcvt.f32.s32 v11  }
.Ltmp3:
0x12e: {  	v1 =	vmin.f32 v8, $2.550000000e+02;
	v8 =	vmul.f32 v7, v15;
	v11 =	vtrunc.f32 v4;
	(pc) =	sbr.rel @p0 .LBB2_9-.Ltmp3, $4  }
0x12f: {  	v18 =	vtrunc.f32 v1;
	vm0 =	vlt.s32 v9, $0xFE;
	vm1 =	vlt.s32 v12, $0xFE  }
0x130: {  	v11 =	vcvt.f32.s32 v11;
	v7 =	vnsel vm0, $0xFE, v9;
	v9 =	vnsel vm1, $0xFE, v12  }
0x131: {  	v10 =	vadd.s32 v16, v10;
	v13 =	vcvt.s32.f32 v7;
	v14 =	vcvt.s32.f32 v9  }
0x132: {  	s21 =	sadd.s32 $0x20, s21;
	v12 =	vcvt.f32.s32 v18;
	vm0 =	vlt.s32 v11, $0xFE;
	[tilespmem:s11+$0xFFFFFFF0] =	vst v10;
	v10 =	vmul.f32 v15, v17  }
0x133: {  	v5 =	vsub.f32 v5, v13;
	v6 =	vsub.f32 v6, v14  }
0x134: {  	v11 =	vnsel vm0, $0xFE, v11;
	[tilespmem:s9+$0xFFFFFFF0] =	vst v3;
	v9 =	vshll.u32 v9, $0x8;
	vm15 =	vlt.s32 v12, $0xFE  }
0x135: {  	[tilespmem:s13+$0xFFFFFFF0] =	vst v2;
	v57 =	vcvt.s32.f32 v11;
	v7 =	vadd.s32 v7, v9;
	v2 =	vnsel vm15, $0xFE, v12  }
0x136: {  	s8 =	sadd.s32 $0x20, s11;
	v3 =	vsub.f32 $1.000000000e+00, v5;
	v56 =	vsub.f32 $1.000000000e+00, v6;
	[tilespmem:s14+$0xFFFFFFF0] =	vst v8;
	v58 =	vcvt.s32.f32 v2  }
0x137: {  	[tilespmem:s8+$0x0] =	vst v7;
	v4 =	vsub.f32 v4, v57;
	v2 =	vshll.u32 v2, $0x8  }
0x138: {  	[tilespmem:s16+$0xFFFFFFF0] =	vst v10;
	v59 =	vmul.f32 v56, v3;
	v2 =	vadd.s32 v11, v2;
	v1 =	vsub.f32 v1, v58  }
0x139: {  	s11 =	sadd.s32 $0x20, s9;
	v60 =	vmul.f32 v56, v5;
	[tilespmem:s8+$0xFFFFFFF0] =	vst v2  }
0x13a: {  	s13 =	sadd.s32 $0x20, s13;
	v3 =	vmul.f32 v3, v6;
	v61 =	vsub.f32 $1.000000000e+00, v4;
	[tilespmem:s11+$0x0] =	vst v59;
	v62 =	vsub.f32 $1.000000000e+00, v1  }
0x13b: {  	s14 =	sadd.s32 $0x20, s14;
	v5 =	vmul.f32 v6, v5;
	[tilespmem:s13+$0x0] =	vst v60  }
0x13c: {  	s16 =	sadd.s32 $0x20, s16;
	[tilespmem:s14+$0x0] =	vst v3;
	v3 =	vmul.f32 v62, v61  }
0x13d: {  	s19 =	sshll.u32 s10, $0x1;
	s21 =	simm.s32 $0x580;
	[tilespmem:s16+$0x0] =	vst v5;
	v63 =	vmul.f32 v62, v4  }
0x13e: {  	p1 =	seq.s32 s10, $0x3F;
	s22 =	sand.u32 $0x7, s10;
	s24 =	sand.u32 $0x1, s10;
	v2 =	vmul.f32 v61, v1;
	[tilespmem:s11+$0xFFFFFFF0] =	vst v3  }
0x13f: {  	s25 =	sshrl.u32 s10, $0x1;
	s26 =	sshll.u32 s10, $0x9;
	s8 =	sor.u32 s7, s19;
	v1 =	vmul.f32 v1, v4;
	[tilespmem:s13+$0xFFFFFFF0] =	vst v63  }
0x140: {  	p2 =	sne.s32 s22, $0x0;
	p6 =	seq.s32 s24, $0x1;
	s9 =	sshll.u32 @!p1 s8, $0x5;
	[tilespmem:s14+$0xFFFFFFF0] =	vst v2  }
0x141: {  	s19 =	simm.s32 $0x0;
	p0 =	seq.s32 s8, $0x0;
	s9 =	sadd.s32 @!p1 $0x40, s9;
	[tilespmem:s16+$0xFFFFFFF0] =	vst v1  }
0x142: {  	[tilespmem:s28], [sflag:$0x4] =	stream.indirect.gather [hbm4b:s6+s18], $0x50, s21, s18, $0xb8;
	[tilespmem:$0xF000] =	vst v63  }
0x143: {  	s8 =	sshrl.u32 s8, $0x4;
	s11 =	sadd.s32 @!p1 s1, s9;
	s13 =	simm.s32 @!p1 $0x0  }
0x144: {  	[tilespmem:s13], [sflag:$0x1] =	stream.linear.gather @!p1 [hbm4b:s11+s13], $0x100, $0x38;
	[tilespmem:$0xF000] =	vst v63  }
0x145: {  	p2 =	por !p2, !p0;
	s9 =	sadd.s32 @!p1 s2, s9;
	s11 =	simm.s32 @!p1 $0x200  }
0x146: {  	[tilespmem:s11], [sflag:$0x1] =	stream.linear.gather @!p1 [hbm4b:s9+s13], $0x100, $0x38;
	[tilespmem:$0xF000] =	vst v63  }
0x147: {  	p2 =	por !p2, !p2;
	s14 =	simm.s32 $0x1;
	s9 =	simm.s32 $0x1  }
0x148: {  	_ =	swait.ge [sflag:s29], $0x5000;
	s9 =	simm.s32 @!p2 $0x0;
	p2 =	por !p0, !p6  }
0x149: {  	p0 =	seq.s32 s10, $0x0;
	[sflag:s29] =	ssyncset.done $0x0;
	s13 =	ssub.s32 s8, s9  }
0x14a: {  	s9 =	simm.s32 @!p0 $0x5;
	p2 =	por !p2, !p2;
	[sflag:s29] =	ssyncadd.s32 $0xFFFFB000  }
0x14b: {  	s16 =	simm.s32 $0x0;
	s14 =	simm.s32 @!p2 $0x0;
	_ =	swait.ge @!p0 [sflag:s9], $0x2100  }
0x14c: {  	s11 =	sshllo.u32 s10, $0x1;
	s8 =	ssub.s32 s25, s14;
	[sflag:s9] =	ssyncset.done @!p0 $0x0  }
0x14d: {  	s14 =	sand.u32 $0x200, s26;
	[sflag:s9] =	ssyncadd.s32 @!p0 $0xFFFFDF00;
	s9 =	simm.s32 $0x0  }
.LBB2_11:
0x14e: {  	s22 =	smul.u32 $0x500, s19;
	_ =	sdelay $0x1  }
0x14f: {  	v1 =	vadd.s32 $0x3C, v0;
	v11 =	vadd.s32 s22, v0  }
0x150: {  	v2 =	vadd.s32 $0x14, v0;
	v9 =	vadd.s32 s22, v1  }
0x151: {  	s21 =	sshll.u32 s19, $0x4;
	v3 =	vadd.s32 $0x28, v0;
	v10 =	vadd.s32 s22, v2  }
0x152: {  	v4 =	vld [tilespmem:s21+$0x600];
	v8 =	vadd.s32 s22, v3  }
0x153: {  	v5 =	vld [tilespmem:s21+$0x800]  }
0x154: {  	v12 =	vld.idx.msk [tilespmem:v11+s20+$0x0], $0xffff  }
0x155: {  	v13 =	vld.idx.msk [tilespmem:v9+s20+$0x0], $0xffff  }
0x156: {  	v14 =	vld.idx.msk [tilespmem:v10+s20+$0x0], $0xffff  }
0x157: {  	v16 =	vor.u32 $0x3, v11;
	v20 =	vor.u32 $0x3, v8;
	v22 =	vor.u32 $0x3, v10;
	v15 =	vld.idx.msk [tilespmem:v8+s20+$0x0], $0xffff  }
0x158: {  	v6 =	vld [tilespmem:s21+$0xA00];
	v23 =	vor.u32 $0x3, v9;
	v24 =	vor.u32 $0x2, v8;
	v25 =	vor.u32 $0x2, v9  }
0x159: {  	v7 =	vld [tilespmem:s21+$0xC00];
	v26 =	vor.u32 $0x1, v9;
	v27 =	vor.u32 $0x2, v11;
	v29 =	vor.u32 $0x1, v11  }
0x15a: {  	v30 =	vor.u32 $0x1, v10;
	v28 =	vor.u32 $0x2, v10;
	v17 =	vunpack.i.u.bf16.f32 v12  }
0x15b: {  	v18 =	vunpack.i.u.bf16.f32 v13;
	v12 =	vunpack.i.l.bf16.f32 v12;
	v19 =	vunpack.i.u.bf16.f32 v14  }
0x15c: {  	v14 =	vunpack.i.l.bf16.f32 v14;
	v21 =	vunpack.i.u.bf16.f32 v15;
	v15 =	vunpack.i.l.bf16.f32 v15  }
0x15d: {  	v16 =	vld.idx.msk [tilespmem:v16+s20+$0x0], $0xffff;
	v13 =	vunpack.i.l.bf16.f32 v13;
	v12 =	vmul.f32 v12, v4;
	v14 =	vmul.f32 v14, v5  }
0x15e: {  	v31 =	vor.u32 $0x1, v8;
	v20 =	vld.idx.msk [tilespmem:v20+s20+$0x0], $0xffff;
	v15 =	vmul.f32 v15, v6;
	v13 =	vmul.f32 v13, v7  }
0x15f: {  	v8 =	vadd.s32 $0x4, v8;
	v10 =	vadd.s32 $0x4, v10;
	v22 =	vld.idx.msk [tilespmem:v22+s20+$0x0], $0xffff;
	v17 =	vmul.f32 v17, v4  }
0x160: {  	v19 =	vmul.f32 v19, v5;
	v12 =	vadd.f32 v14, v12;
	v13 =	vadd.f32 v13, v15  }
0x161: {  	v9 =	vadd.s32 $0x4, v9;
	v18 =	vmul.f32 v18, v7;
	v14 =	vmul.f32 v21, v6;
	v15 =	vld.idx.msk [tilespmem:v23+s20+$0x0], $0xffff  }
0x162: {  	v34 =	vunpack.i.u.bf16.f32 v16;
	v16 =	vunpack.i.l.bf16.f32 v16;
	v23 =	vadd.f32 v13, v12;
	v13 =	vld.idx.msk [tilespmem:v24+s20+$0x0], $0xffff  }
0x163: {  	v37 =	vmul.f32 v16, v4;
	v17 =	vadd.f32 v19, v17;
	v12 =	vadd.f32 v18, v14;
	v18 =	vld.idx.msk [tilespmem:v25+s20+$0x0], $0xffff  }
0x164: {  	v32 =	vld.idx.msk [tilespmem:v28+s20+$0x0], $0xffff;
	v24 =	vunpack.i.u.bf16.f32 v20;
	v14 =	vunpack.i.l.bf16.f32 v20;
	v20 =	vunpack.i.l.bf16.f32 v22  }
0x165: {  	s26 =	sshll.u32 s16, $0x2;
	s24 =	sand.u32 $0x7, s9;
	v11 =	vadd.s32 $0x4, v11;
	v25 =	vld.idx.msk [tilespmem:v26+s20+$0x0], $0xffff;
	v19 =	vmul.f32 v14, v6;
	v35 =	vmul.f32 v20, v5  }
0x166: {  	s24 =	sshll.u32 s24, $0x6;
	s22 =	sand.u32 $0xFFFFFE00, s26;
	v20 =	vld.idx.msk [tilespmem:v27+s20+$0x0], $0xffff;
	v27 =	vmul.f32 v34, v4;
	v17 =	vadd.f32 v12, v17;
	v12 =	vunpack.i.u.bf16.f32 v22  }
0x167: {  	s22 =	sor.u32 s24, s22;
	v33 =	vunpack.i.u.bf16.f32 v15;
	v22 =	vunpack.i.l.bf16.f32 v15;
	v15 =	vmul.f32 v24, v6  }
0x168: {  	s22 =	sshrl.u32 s22, $0x2;
	v24 =	vld.idx.msk [tilespmem:v31+s20+$0x0], $0xffff;
	v28 =	vunpack.i.u.bf16.f32 v13;
	v14 =	vunpack.i.l.bf16.f32 v13;
	v21 =	vunpack.i.u.bf16.f32 v18  }
0x169: {  	s24 =	sadd.s32 $0xB200, s22;
	v13 =	vunpack.i.l.bf16.f32 v18;
	v18 =	vmul.f32 v28, v6;
	v28 =	vmul.f32 v22, v7;
	v22 =	vld.idx.msk [tilespmem:v29+s20+$0x0], $0xffff  }
0x16a: {  	v36 =	vunpack.i.u.bf16.f32 v32;
	[tilespmem:s24+$0xFFFFFC00] =	vst v23;
	v12 =	vmul.f32 v12, v5;
	v23 =	vmul.f32 v33, v7  }
0x16b: {  	[tilespmem:s24+$0xFFFFFD00] =	vst v17;
	v17 =	vmul.f32 v36, v5;
	v26 =	vunpack.i.u.bf16.f32 v25;
	v16 =	vunpack.i.l.bf16.f32 v25;
	v25 =	vld.idx.msk [tilespmem:v30+s20+$0x0], $0xffff  }
0x16c: {  	s26 =	simm.s32 $0x0;
	s22 =	sand.u32 $0x70, s21;
	s25 =	smov.u32 s24;
	v30 =	vunpack.i.l.bf16.f32 v32;
	v13 =	vmul.f32 v13, v7;
	v29 =	vadd.f32 v35, v37  }
.LBB2_12:
0x16d: {  	v31 =	vld.idx.msk [tilespmem:v11+s20+$0x0], $0xffff;
	s26 =	sadd.s32 $0x4, s26;
	v32 =	vunpack.i.u.bf16.f32 v24;
	v30 =	vmul.f32 v30, v5;
	v19 =	vadd.f32 v28, v19;
	s24 =	sadd.s32 $0x800, s24  }
0x16e: {  	v33 =	vor.u32 $0x3, v11;
	v34 =	vunpack.i.l.bf16.f32 v22;
	v24 =	vunpack.i.l.bf16.f32 v24;
	v28 =	vld.idx.msk [tilespmem:v9+s20+$0x0], $0xffff;
	p2 =	slt.u32 s26, $0xC  }
0x16f: {  	v35 =	vunpack.i.u.bf16.f32 v20;
	v20 =	vunpack.i.l.bf16.f32 v20;
	v19 =	vadd.f32 v19, v29  }
0x170: {  	v26 =	vmul.f32 v26, v7;
	v21 =	vmul.f32 v21, v7;
	v29 =	vunpack.i.l.bf16.f32 v25  }
0x171: {  	v22 =	vunpack.i.u.bf16.f32 v22;
	v12 =	vadd.f32 v12, v27;
	v29 =	vmul.f32 v29, v5;
	v36 =	vld.idx.msk [tilespmem:v10+s20+$0x0], $0xffff;
	[tilespmem:s25+$0x200] =	vst v19  }
0x172: {  	v14 =	vmul.f32 v14, v6;
	v19 =	vunpack.i.u.bf16.f32 v25;
	v25 =	vmul.f32 v35, v4  }
0x173: {  	v15 =	vadd.f32 v23, v15;
	v27 =	vunpack.i.u.bf16.f32 v31;
	v19 =	vmul.f32 v19, v5;
	v35 =	vld.idx.msk [tilespmem:v8+s20+$0x0], $0xffff  }
0x174: {  	v20 =	vmul.f32 v20, v4;
	v23 =	vunpack.i.u.bf16.f32 v28;
	v27 =	vmul.f32 v27, v4  }
0x175: {  	v24 =	vmul.f32 v24, v6;
	v22 =	vmul.f32 v22, v4;
	v18 =	vadd.f32 v21, v18  }
0x176: {  	v16 =	vmul.f32 v16, v7;
	v21 =	vmul.f32 v32, v6;
	v13 =	vadd.f32 v13, v14  }
0x177: {  	v14 =	vunpack.i.l.bf16.f32 v31;
	v19 =	vadd.f32 v19, v22;
	v31 =	vunpack.i.u.bf16.f32 v36  }
0x178: {  	v32 =	vmul.f32 v34, v4;
	v14 =	vmul.f32 v14, v4;
	v22 =	vunpack.i.l.bf16.f32 v36  }
0x179: {  	v17 =	vadd.f32 v17, v25;
	v22 =	vmul.f32 v22, v5;
	v34 =	vunpack.i.u.bf16.f32 v35  }
0x17a: {  	v12 =	vadd.f32 v15, v12;
	v25 =	vmul.f32 v31, v5;
	v31 =	vor.u32 $0x3, v9  }
0x17b: {  	v15 =	vor.u32 $0x3, v10;
	v21 =	vadd.f32 v26, v21;
	v36 =	vor.u32 $0x3, v8  }
0x17c: {  	v37 =	vor.u32 $0x2, v9;
	v26 =	vor.u32 $0x2, v8;
	v29 =	vadd.f32 v29, v32;
	[tilespmem:s25+$0x300] =	vst v12  }
0x17d: {  	v16 =	vadd.f32 v16, v24;
	v32 =	vor.u32 $0x2, v11;
	v12 =	vor.u32 $0x1, v9  }
0x17e: {  	v38 =	vor.u32 $0x1, v11;
	v39 =	vor.u32 $0x1, v10;
	v19 =	vadd.f32 v21, v19  }
0x17f: {  	v20 =	vadd.f32 v30, v20;
	v24 =	vunpack.i.l.bf16.f32 v28;
	v21 =	vunpack.i.l.bf16.f32 v35  }
0x180: {  	v24 =	vmul.f32 v24, v7;
	v17 =	vadd.f32 v18, v17;
	v21 =	vmul.f32 v21, v6;
	v28 =	vld.idx.msk [tilespmem:v36+s20+$0x0], $0xffff  }
0x181: {  	v30 =	vor.u32 $0x2, v10;
	v13 =	vadd.f32 v13, v20;
	v18 =	vmul.f32 v34, v6;
	v15 =	vld.idx.msk [tilespmem:v15+s20+$0x0], $0xffff;
	[tilespmem:s25+$0xFFFFFF00] =	vst v19  }
0x182: {  	v14 =	vadd.f32 v22, v14;
	v19 =	vadd.f32 v24, v21;
	v21 =	vld.idx.msk [tilespmem:v31+s20+$0x0], $0xffff;
	[tilespmem:s25+$0x100] =	vst v17  }
0x183: {  	v20 =	vmul.f32 v23, v7;
	v16 =	vadd.f32 v16, v29;
	v17 =	vadd.f32 v25, v27;
	v23 =	vld.idx.msk [tilespmem:v33+s20+$0x0], $0xffff  }
0x184: {  	v22 =	vor.u32 $0x1, v8;
	v8 =	vadd.s32 $0x4, v8;
	v14 =	vadd.f32 v19, v14;
	v25 =	vld.idx.msk [tilespmem:v26+s20+$0x0], $0xffff;
	[tilespmem:s25+$0x0] =	vst v13  }
0x185: {  	v10 =	vadd.s32 $0x4, v10;
	v9 =	vadd.s32 $0x4, v9;
	v13 =	vadd.f32 v20, v18;
	v18 =	vld.idx.msk [tilespmem:v37+s20+$0x0], $0xffff;
	[tilespmem:s25+$0xFFFFFE00] =	vst v16;
	s25 =	smov.u32 s24  }
0x186: {  	v11 =	vadd.s32 $0x4, v11;
	v16 =	vunpack.i.u.bf16.f32 v28;
	[tilespmem:s24+$0xFFFFFC00] =	vst v14;
	v29 =	vld.idx.msk [tilespmem:v30+s20+$0x0], $0xffff;
	v14 =	vunpack.i.l.bf16.f32 v28  }
0x187: {  	v13 =	vadd.f32 v13, v17;
	v17 =	vld.idx.msk [tilespmem:v12+s20+$0x0], $0xffff;
	v12 =	vunpack.i.u.bf16.f32 v15;
	v15 =	vunpack.i.l.bf16.f32 v15  }
0x188: {  	v30 =	vunpack.i.u.bf16.f32 v21;
	v19 =	vmul.f32 v14, v6;
	v20 =	vld.idx.msk [tilespmem:v32+s20+$0x0], $0xffff;
	v12 =	vmul.f32 v12, v5  }
0x189: {  	v28 =	vunpack.i.l.bf16.f32 v21;
	v27 =	vunpack.i.u.bf16.f32 v23;
	v31 =	vmul.f32 v15, v5;
	[tilespmem:s24+$0xFFFFFD00] =	vst v13;
	v24 =	vld.idx.msk [tilespmem:v22+s20+$0x0], $0xffff  }
0x18a: {  	v23 =	vunpack.i.l.bf16.f32 v23;
	v32 =	vunpack.i.u.bf16.f32 v25;
	v14 =	vunpack.i.l.bf16.f32 v25;
	v22 =	vld.idx.msk [tilespmem:v38+s20+$0x0], $0xffff  }
.Ltmp4:
0x18b: {  	v15 =	vmul.f32 v16, v6;
	v21 =	vunpack.i.u.bf16.f32 v18;
	v13 =	vunpack.i.l.bf16.f32 v18;
	(pc) =	sbr.rel @p2 .LBB2_12-.Ltmp4, $4  }
0x18c: {  	v34 =	vmul.f32 v23, v4;
	v33 =	vunpack.i.u.bf16.f32 v29;
	v13 =	vmul.f32 v13, v7  }
0x18d: {  	v28 =	vmul.f32 v28, v7;
	v18 =	vmul.f32 v32, v6;
	v26 =	vunpack.i.u.bf16.f32 v17;
	v25 =	vld.idx.msk [tilespmem:v39+s20+$0x0], $0xffff  }
0x18e: {  	v27 =	vmul.f32 v27, v4;
	v23 =	vmul.f32 v30, v7;
	v16 =	vunpack.i.l.bf16.f32 v17  }
0x18f: {  	v30 =	vunpack.i.l.bf16.f32 v29;
	v29 =	vadd.f32 v31, v34;
	v17 =	vmul.f32 v33, v5  }
0x190: {  	v31 =	vunpack.i.u.bf16.f32 v24;
	v19 =	vadd.f32 v28, v19  }
0x191: {  	v46 =	vmul.f32 v30, v5;
	v47 =	vunpack.i.l.bf16.f32 v22;
	v48 =	vunpack.i.l.bf16.f32 v24  }
0x192: {  	v32 =	vunpack.i.u.bf16.f32 v20;
	v26 =	vmul.f32 v26, v7;
	v21 =	vmul.f32 v21, v7  }
0x193: {  	v51 =	vunpack.i.u.bf16.f32 v22;
	v14 =	vmul.f32 v14, v6;
	v16 =	vmul.f32 v16, v7  }
0x194: {  	v49 =	vunpack.i.l.bf16.f32 v20;
	v53 =	vmul.f32 v32, v4;
	v22 =	vmul.f32 v51, v4  }
0x195: {  	v12 =	vadd.f32 v12, v27;
	v20 =	vmul.f32 v49, v4;
	v54 =	vmul.f32 v31, v6  }
0x196: {  	v15 =	vadd.f32 v23, v15;
	v56 =	vmul.f32 v47, v4;
	v57 =	vmul.f32 v48, v6  }
0x197: {  	v19 =	vadd.f32 v19, v29;
	v50 =	vunpack.i.l.bf16.f32 v25;
	v18 =	vadd.f32 v21, v18  }
0x198: {  	v52 =	vunpack.i.u.bf16.f32 v25;
	v13 =	vadd.f32 v13, v14;
	v12 =	vadd.f32 v15, v12  }
0x199: {  	v25 =	vmul.f32 v52, v5;
	v17 =	vadd.f32 v17, v53;
	v21 =	vadd.f32 v26, v54  }
0x19a: {  	v29 =	vmul.f32 v50, v5;
	v59 =	vadd.f32 v46, v20;
	v60 =	vadd.f32 v16, v57  }
0x19b: {  	[tilespmem:s25+$0x200] =	vst v19;
	v55 =	vadd.f32 v25, v22;
	v61 =	vadd.f32 v18, v17  }
0x19c: {  	[tilespmem:s25+$0x300] =	vst v12;
	v58 =	vadd.f32 v29, v56;
	v13 =	vadd.f32 v13, v59  }
0x19d: {  	v14 =	vadd.f32 v21, v55;
	[tilespmem:s25+$0x100] =	vst v61  }
0x19e: {  	v12 =	vadd.f32 v60, v58;
	[tilespmem:s25+$0x0] =	vst v13  }
0x19f: {  	[tilespmem:s25+$0xFFFFFF00] =	vst v14  }
0x1a0: {  	[tilespmem:s25+$0xFFFFFE00] =	vst v12  }
0x1a1: {  	v11 =	vld.idx.msk [tilespmem:v11+s20+$0x0], $0xffff  }
0x1a2: {  	v10 =	vld.idx.msk [tilespmem:v10+s20+$0x0], $0xffff  }
0x1a3: {  	v8 =	vld.idx.msk [tilespmem:v8+s20+$0x0], $0xffff  }
0x1a4: {  	v9 =	vld.idx.msk [tilespmem:v9+s20+$0x0], $0xffff;
	_ =	sdelay $0x3  }
0x1a5: {  	v11 =	vunpack.i.l.bf16.f32 v11;
	v10 =	vunpack.i.l.bf16.f32 v10;
	v8 =	vunpack.i.l.bf16.f32 v8  }
0x1a6: {  	v9 =	vunpack.i.l.bf16.f32 v9;
	v4 =	vmul.f32 v11, v4;
	v5 =	vmul.f32 v10, v5  }
0x1a7: {  	s19 =	sadd.s32 $0x1, s19;
	v62 =	vmul.f32 v8, v6;
	v63 =	vmul.f32 v9, v7  }
0x1a8: {  	p2 =	sne.s32 s19, $0x10  }
.Ltmp5:
0x1a9: {  	v4 =	vadd.f32 v5, v4;
	v5 =	vadd.f32 v63, v62;
	(pc) =	sbr.rel @p2 .LBB2_11-.Ltmp5, $4  }
0x1aa: {  	_ = 	snop  }
0x1ab: {  	s21 =	sand.u32 $0x80, s21;
	v4 =	vadd.f32 v5, v4  }
0x1ac: {  	s21 =	sor.u32 s22, s21  }
0x1ad: {  	s16 =	sadd.s32 $0x10, s16;
	s9 =	sadd.s32 $0x1, s9;
	[tilespmem:s21+$0xCE00] =	vst v4  }
0x1ae: {  	s8 =	sshll.u32 s8, $0xA  }
0x1af: {  	s9 =	sshll.u32 s13, $0xC;
	s8 =	sand.u32 $0xC00, s8  }
0x1b0: {  	s9 =	sand.u32 $0x3F000, s9;
	s8 =	sor.u32 s8, s14  }
.Ltmp6:
0x1b1: {  	s8 =	sor.u32 s9, s8;
	(pc) =	sbr.rel @p1 .LBB2_20-.Ltmp6, $4  }
0x1b2: {  	s8 =	sor.u32 s12, s8  }
0x1b3: {  	s8 =	sshrl.u32 s8, $0x3  }
0x1b4: {  	s13 =	sor.u32 s7, s11;
	s8 =	sadd.s32 s3, s8  }
0x1b5: {  	[hbm4b:s8+s15] =	stream.strided.scatter [tilespmem:s31], [sflag:$0x5], $0x2100, s30, s15, $0x38;
	[tilespmem:$0xF000] =	vst v63  }
0x1b6: {  	_ =	swait.ge [sflag:s17], $0x100  }
0x1b7: {  	[sflag:s17] =	ssyncset.done $0x0  }
0x1b8: {  	[sflag:s17] =	ssyncadd.s32 $0xFFFFFF00  }
0x1b9: {  	_ =	swait.ge [sflag:s17], $0x100  }
0x1ba: {  	[sflag:s17] =	ssyncset.done $0x0  }
0x1bb: {  	s8 =	simm.s32 $0x210;
	[sflag:s17] =	ssyncadd.s32 $0xFFFFFF00  }
0x1bc: {  	s9 =	simm.s32 $0x10;
	v4 =	vld [tilespmem:s8+$0x0]  }
0x1bd: {  	v5 =	vld [tilespmem:s9+$0x0];
	_ =	sdelay $0x1  }
0x1be: {  	v7 =	vld [tilespmem:s8+$0xFFFFFFF0]  }
0x1bf: {  	v6 =	vld [tilespmem:s9+$0xFFFFFFF0]  }
0x1c0: {  	v4 =	vmul.f32 $1.280000000e+02, v4  }
0x1c1: {  	v5 =	vmul.f32 $1.280000000e+02, v5  }
0x1c2: {  	v4 =	vadd.f32 $1.275000000e+02, v4  }
0x1c3: {  	v7 =	vmul.f32 $1.280000000e+02, v7;
	v5 =	vadd.f32 $1.275000000e+02, v5  }
0x1c4: {  	v6 =	vmul.f32 $1.280000000e+02, v6;
	v4 =	vmax.f32 v4, $0.0e+00  }
0x1c5: {  	v7 =	vadd.f32 $1.275000000e+02, v7;
	v5 =	vmax.f32 v5, $0.0e+00;
	v4 =	vmin.f32 v4, $2.550000000e+02  }
0x1c6: {  	v6 =	vadd.f32 $1.275000000e+02, v6;
	v5 =	vmin.f32 v5, $2.550000000e+02;
	v8 =	vtrunc.f32 v4  }
0x1c7: {  	v7 =	vmax.f32 v7, $0.0e+00;
	v9 =	vtrunc.f32 v5;
	v8 =	vcvt.f32.s32 v8  }
0x1c8: {  	v6 =	vmax.f32 v6, $0.0e+00;
	v7 =	vmin.f32 v7, $2.550000000e+02;
	v9 =	vcvt.f32.s32 v9  }
0x1c9: {  	v6 =	vmin.f32 v6, $2.550000000e+02;
	v10 =	vtrunc.f32 v7;
	vm0 =	vlt.s32 v8, $0xFE  }
0x1ca: {  	v10 =	vcvt.f32.s32 v10;
	vm1 =	vlt.s32 v9, $0xFE;
	v8 =	vnsel vm0, $0xFE, v8  }
0x1cb: {  	s26 =	simm.s32 $0x230;
	v11 =	vtrunc.f32 v6;
	v9 =	vnsel vm1, $0xFE, v9;
	v12 =	vcvt.s32.f32 v8  }
0x1cc: {  	v14 =	vld [tilespmem:s26+$0x0];
	s8 =	simm.s32 $0x30;
	v11 =	vcvt.f32.s32 v11;
	vm0 =	vlt.s32 v10, $0xFE;
	v13 =	vcvt.s32.f32 v9  }
0x1cd: {  	v15 =	vnsel vm0, $0xFE, v10;
	v10 =	vld [tilespmem:s8+$0x0];
	v4 =	vsub.f32 v4, v12  }
0x1ce: {  	vm0 =	vlt.s32 v11, $0xFE;
	v5 =	vsub.f32 v5, v13;
	v12 =	vcvt.s32.f32 v15;
	v13 =	vld [tilespmem:s8+$0xFFFFFFF0]  }
0x1cf: {  	v18 =	vld [tilespmem:s26+$0xFFFFFFF0];
	v9 =	vshll.u32 v9, $0x8;
	v11 =	vnsel vm0, $0xFE, v11;
	v16 =	vsub.f32 $1.000000000e+00, v4  }
0x1d0: {  	v17 =	vsub.f32 $1.000000000e+00, v5;
	v19 =	vsub.f32 v7, v12;
	v7 =	vcvt.s32.f32 v11  }
0x1d1: {  	v20 =	vshll.u32 v11, $0x8;
	v11 =	vadd.s32 v8, v9;
	v8 =	vmul.f32 $1.280000000e+02, v14  }
0x1d2: {  	v12 =	vmul.f32 v17, v16;
	v21 =	vsub.f32 v6, v7;
	v14 =	vmul.f32 v17, v4  }
0x1d3: {  	v6 =	vmul.f32 $1.280000000e+02, v10;
	v10 =	vsub.f32 $1.000000000e+00, v19;
	v7 =	vmul.f32 $1.280000000e+02, v13  }
0x1d4: {  	v8 =	vadd.f32 $1.275000000e+02, v8;
	v13 =	vmul.f32 v5, v4;
	v4 =	vmul.f32 $1.280000000e+02, v18  }
0x1d5: {  	v16 =	vmul.f32 v16, v5;
	v9 =	vsub.f32 $1.000000000e+00, v21;
	v5 =	vadd.f32 $1.275000000e+02, v6  }
0x1d6: {  	v8 =	vmax.f32 v8, $0.0e+00;
	v7 =	vadd.f32 $1.275000000e+02, v7;
	v4 =	vadd.f32 $1.275000000e+02, v4  }
0x1d7: {  	v8 =	vmin.f32 v8, $2.550000000e+02;
	v6 =	vmul.f32 v9, v10;
	v17 =	vmax.f32 v5, $0.0e+00  }
0x1d8: {  	v5 =	vmul.f32 v9, v19;
	v9 =	vmin.f32 v17, $2.550000000e+02;
	v17 =	vtrunc.f32 v8  }
0x1d9: {  	s14 =	simm.s32 $0x410;
	v4 =	vmax.f32 v4, $0.0e+00;
	v18 =	vtrunc.f32 v9;
	v17 =	vcvt.f32.s32 v17  }
0x1da: {  	s9 =	simm.s32 $0x610;
	[tilespmem:s14+$0x0] =	vst v11;
	v11 =	vmax.f32 v7, $0.0e+00;
	v7 =	vmin.f32 v4, $2.550000000e+02;
	v18 =	vcvt.f32.s32 v18  }
0x1db: {  	s16 =	simm.s32 $0x810;
	[tilespmem:s9+$0x0] =	vst v12;
	v4 =	vmin.f32 v11, $2.550000000e+02;
	v11 =	vmul.f32 v10, v21;
	vm0 =	vlt.s32 v17, $0xFE  }
0x1dc: {  	s19 =	simm.s32 $0xA10;
	[tilespmem:s16+$0x0] =	vst v14;
	v12 =	vtrunc.f32 v7;
	v10 =	vnsel vm0, $0xFE, v17;
	vm0 =	vlt.s32 v18, $0xFE  }
0x1dd: {  	s21 =	simm.s32 $0xC10;
	[tilespmem:s19+$0x0] =	vst v16;
	v22 =	vtrunc.f32 v4;
	v14 =	vcvt.f32.s32 v12;
	v12 =	vnsel vm0, $0xFE, v18  }
0x1de: {  	[tilespmem:s21+$0x0] =	vst v13;
	v13 =	vadd.s32 v15, v20;
	v16 =	vcvt.s32.f32 v10;
	v17 =	vcvt.s32.f32 v12  }
0x1df: {  	s22 =	simm.s32 $0x2;
	s24 =	simm.s32 $0x250;
	[tilespmem:s14+$0xFFFFFFF0] =	vst v13;
	v13 =	vmul.f32 v21, v19;
	v15 =	vcvt.f32.s32 v22;
	vm0 =	vlt.s32 v14, $0xFE  }
.LBB2_16:
0x1e0: {  	v18 =	vld [tilespmem:s24+$0x0];
	v19 =	vnsel vm0, $0xFE, v14;
	v8 =	vsub.f32 v8, v16;
	v9 =	vsub.f32 v9, v17;
	s8 =	sadd.s32 $0x20, s8;
	[tilespmem:s9+$0xFFFFFFF0] =	vst v6  }
0x1e1: {  	v6 =	vld [tilespmem:s8+$0x0];
	vm0 =	vlt.s32 v15, $0xFE;
	v14 =	vcvt.s32.f32 v19;
	[tilespmem:s16+$0xFFFFFFF0] =	vst v5  }
0x1e2: {  	v5 =	vld [tilespmem:s8+$0xFFFFFFF0];
	v15 =	vnsel vm0, $0xFE, v15;
	v16 =	vsub.f32 $1.000000000e+00, v8;
	v17 =	vsub.f32 $1.000000000e+00, v9;
	[tilespmem:s19+$0xFFFFFFF0] =	vst v11  }
0x1e3: {  	v12 =	vshll.u32 v12, $0x8;
	v11 =	vld [tilespmem:s24+$0xFFFFFFF0];
	v20 =	vsub.f32 v7, v14;
	v7 =	vcvt.s32.f32 v15;
	[tilespmem:s21+$0xFFFFFFF0] =	vst v13  }
0x1e4: {  	s22 =	sadd.s32 $0x2, s22;
	s14 =	sadd.s32 $0x20, s14;
	v10 =	vadd.s32 v10, v12;
	v13 =	vshll.u32 v15, $0x8;
	v12 =	vmul.f32 v17, v16  }
0x1e5: {  	s9 =	sadd.s32 $0x20, s9;
	p1 =	slt.u32 s22, $0x6;
	v14 =	vmul.f32 $1.280000000e+02, v18;
	v18 =	vsub.f32 v4, v7;
	[tilespmem:s14+$0x0] =	vst v10;
	v4 =	vmul.f32 v17, v8  }
0x1e6: {  	s16 =	sadd.s32 $0x20, s16;
	v10 =	vsub.f32 $1.000000000e+00, v20;
	v7 =	vmul.f32 v16, v9;
	v6 =	vmul.f32 $1.280000000e+02, v6;
	[tilespmem:s9+$0x0] =	vst v12  }
0x1e7: {  	s19 =	sadd.s32 $0x20, s19;
	v5 =	vmul.f32 $1.280000000e+02, v5;
	v12 =	vsub.f32 $1.000000000e+00, v18;
	[tilespmem:s16+$0x0] =	vst v4;
	v4 =	vmul.f32 v9, v8  }
0x1e8: {  	s21 =	sadd.s32 $0x20, s21;
	v9 =	vadd.f32 $1.275000000e+02, v14;
	v8 =	vmul.f32 $1.280000000e+02, v11;
	v11 =	vadd.f32 $1.275000000e+02, v6;
	[tilespmem:s19+$0x0] =	vst v7  }
0x1e9: {  	v7 =	vadd.f32 $1.275000000e+02, v5;
	v6 =	vmul.f32 v12, v10;
	v5 =	vmul.f32 v12, v20;
	[tilespmem:s21+$0x0] =	vst v4  }
0x1ea: {  	v4 =	vadd.f32 $1.275000000e+02, v8;
	v8 =	vmax.f32 v9, $0.0e+00;
	v9 =	vmax.f32 v11, $0.0e+00  }
0x1eb: {  	v11 =	vmax.f32 v7, $0.0e+00;
	v8 =	vmin.f32 v8, $2.550000000e+02;
	v9 =	vmin.f32 v9, $2.550000000e+02  }
0x1ec: {  	v4 =	vmax.f32 v4, $0.0e+00;
	v12 =	vtrunc.f32 v8;
	v14 =	vtrunc.f32 v9  }
0x1ed: {  	v7 =	vmin.f32 v4, $2.550000000e+02;
	v12 =	vcvt.f32.s32 v12;
	v15 =	vcvt.f32.s32 v14  }
.Ltmp7:
0x1ee: {  	v4 =	vmin.f32 v11, $2.550000000e+02;
	v11 =	vmul.f32 v10, v18;
	v14 =	vtrunc.f32 v7;
	(pc) =	sbr.rel @p1 .LBB2_16-.Ltmp7, $4  }
0x1ef: {  	v21 =	vtrunc.f32 v4;
	vm0 =	vlt.s32 v12, $0xFE;
	vm1 =	vlt.s32 v15, $0xFE  }
0x1f0: {  	v14 =	vcvt.f32.s32 v14;
	v10 =	vnsel vm0, $0xFE, v12;
	v12 =	vnsel vm1, $0xFE, v15  }
0x1f1: {  	v13 =	vadd.s32 v19, v13;
	v16 =	vcvt.s32.f32 v10;
	v17 =	vcvt.s32.f32 v12  }
0x1f2: {  	s24 =	sadd.s32 $0x20, s24;
	v15 =	vcvt.f32.s32 v21;
	vm0 =	vlt.s32 v14, $0xFE;
	[tilespmem:s14+$0xFFFFFFF0] =	vst v13;
	v13 =	vmul.f32 v18, v20  }
0x1f3: {  	v8 =	vsub.f32 v8, v16;
	v9 =	vsub.f32 v9, v17  }
0x1f4: {  	v14 =	vnsel vm0, $0xFE, v14;
	[tilespmem:s9+$0xFFFFFFF0] =	vst v6;
	v12 =	vshll.u32 v12, $0x8;
	vm0 =	vlt.s32 v15, $0xFE  }
0x1f5: {  	[tilespmem:s16+$0xFFFFFFF0] =	vst v5;
	v16 =	vcvt.s32.f32 v14;
	v10 =	vadd.s32 v10, v12;
	v5 =	vnsel vm0, $0xFE, v15  }
0x1f6: {  	s8 =	sadd.s32 $0x20, s14;
	v6 =	vsub.f32 $1.000000000e+00, v8;
	v15 =	vsub.f32 $1.000000000e+00, v9;
	[tilespmem:s19+$0xFFFFFFF0] =	vst v11;
	v11 =	vcvt.s32.f32 v5  }
0x1f7: {  	[tilespmem:s8+$0x0] =	vst v10;
	v7 =	vsub.f32 v7, v16;
	v5 =	vshll.u32 v5, $0x8  }
0x1f8: {  	[tilespmem:s21+$0xFFFFFFF0] =	vst v13;
	v12 =	vmul.f32 v15, v6;
	v5 =	vadd.s32 v14, v5;
	v4 =	vsub.f32 v4, v11  }
0x1f9: {  	s14 =	sadd.s32 $0x20, s9;
	v10 =	vmul.f32 v15, v8;
	[tilespmem:s8+$0xFFFFFFF0] =	vst v5  }
0x1fa: {  	s16 =	sadd.s32 $0x20, s16;
	v6 =	vmul.f32 v6, v9;
	v11 =	vsub.f32 $1.000000000e+00, v7;
	[tilespmem:s14+$0x0] =	vst v12;
	v12 =	vsub.f32 $1.000000000e+00, v4  }
0x1fb: {  	s19 =	sadd.s32 $0x20, s19;
	v8 =	vmul.f32 v9, v8;
	[tilespmem:s16+$0x0] =	vst v10  }
0x1fc: {  	s21 =	sadd.s32 $0x20, s21;
	[tilespmem:s19+$0x0] =	vst v6;
	v6 =	vmul.f32 v12, v11  }
0x1fd: {  	[tilespmem:s21+$0x0] =	vst v8;
	v8 =	vmul.f32 v12, v7  }
0x1fe: {  	v5 =	vmul.f32 v11, v4;
	[tilespmem:s14+$0xFFFFFFF0] =	vst v6  }
0x1ff: {  	v4 =	vmul.f32 v4, v7;
	[tilespmem:s16+$0xFFFFFFF0] =	vst v8  }
0x200: {  	[tilespmem:s19+$0xFFFFFFF0] =	vst v5  }
0x201: {  	s22 =	simm.s32 $0x400;
	s24 =	simm.s32 $0x290;
	[tilespmem:s21+$0xFFFFFFF0] =	vst v4  }
0x202: {  	[tilespmem:s20], [sflag:$0x3] =	stream.indirect.gather [hbm4b:s6+s18], $0x50, s22, s18, $0xb8;
	[tilespmem:$0xF000] =	vst v63  }
0x203: {  	s25 =	simm.s32 $0x90;
	v4 =	vld [tilespmem:s24+$0x0]  }
0x204: {  	v5 =	vld [tilespmem:s25+$0x0];
	_ =	sdelay $0x1  }
0x205: {  	v7 =	vld [tilespmem:s24+$0xFFFFFFF0]  }
0x206: {  	v6 =	vld [tilespmem:s25+$0xFFFFFFF0]  }
0x207: {  	v4 =	vmul.f32 $1.280000000e+02, v4  }
0x208: {  	v5 =	vmul.f32 $1.280000000e+02, v5  }
0x209: {  	v4 =	vadd.f32 $1.275000000e+02, v4  }
0x20a: {  	v7 =	vmul.f32 $1.280000000e+02, v7;
	v5 =	vadd.f32 $1.275000000e+02, v5  }
0x20b: {  	v6 =	vmul.f32 $1.280000000e+02, v6;
	v4 =	vmax.f32 v4, $0.0e+00  }
0x20c: {  	v7 =	vadd.f32 $1.275000000e+02, v7;
	v5 =	vmax.f32 v5, $0.0e+00;
	v4 =	vmin.f32 v4, $2.550000000e+02  }
0x20d: {  	v6 =	vadd.f32 $1.275000000e+02, v6;
	v5 =	vmin.f32 v5, $2.550000000e+02;
	v8 =	vtrunc.f32 v4  }
0x20e: {  	v7 =	vmax.f32 v7, $0.0e+00;
	v9 =	vtrunc.f32 v5;
	v8 =	vcvt.f32.s32 v8  }
0x20f: {  	v6 =	vmax.f32 v6, $0.0e+00;
	v7 =	vmin.f32 v7, $2.550000000e+02;
	v9 =	vcvt.f32.s32 v9  }
0x210: {  	v6 =	vmin.f32 v6, $2.550000000e+02;
	v10 =	vtrunc.f32 v7;
	vm0 =	vlt.s32 v8, $0xFE  }
0x211: {  	v10 =	vcvt.f32.s32 v10;
	vm1 =	vlt.s32 v9, $0xFE;
	v8 =	vnsel vm0, $0xFE, v8  }
0x212: {  	s26 =	simm.s32 $0x2B0;
	v11 =	vtrunc.f32 v6;
	v9 =	vnsel vm1, $0xFE, v9;
	v12 =	vcvt.s32.f32 v8  }
0x213: {  	s8 =	simm.s32 $0xB0;
	v14 =	vld [tilespmem:s26+$0x0];
	v11 =	vcvt.f32.s32 v11;
	vm0 =	vlt.s32 v10, $0xFE;
	v13 =	vcvt.s32.f32 v9  }
0x214: {  	v15 =	vnsel vm0, $0xFE, v10;
	v10 =	vld [tilespmem:s8+$0x0];
	v4 =	vsub.f32 v4, v12  }
0x215: {  	vm0 =	vlt.s32 v11, $0xFE;
	v5 =	vsub.f32 v5, v13;
	v12 =	vcvt.s32.f32 v15;
	v13 =	vld [tilespmem:s8+$0xFFFFFFF0]  }
0x216: {  	v18 =	vld [tilespmem:s26+$0xFFFFFFF0];
	v9 =	vshll.u32 v9, $0x8;
	v11 =	vnsel vm0, $0xFE, v11;
	v16 =	vsub.f32 $1.000000000e+00, v4  }
0x217: {  	v17 =	vsub.f32 $1.000000000e+00, v5;
	v19 =	vsub.f32 v7, v12;
	v7 =	vcvt.s32.f32 v11  }
0x218: {  	v20 =	vshll.u32 v11, $0x8;
	v11 =	vadd.s32 v8, v9;
	v8 =	vmul.f32 $1.280000000e+02, v14  }
0x219: {  	v12 =	vmul.f32 v17, v16;
	v21 =	vsub.f32 v6, v7;
	v14 =	vmul.f32 v17, v4  }
0x21a: {  	v6 =	vmul.f32 $1.280000000e+02, v10;
	v10 =	vsub.f32 $1.000000000e+00, v19;
	v7 =	vmul.f32 $1.280000000e+02, v13  }
0x21b: {  	v8 =	vadd.f32 $1.275000000e+02, v8;
	v13 =	vmul.f32 v5, v4;
	v4 =	vmul.f32 $1.280000000e+02, v18  }
0x21c: {  	v16 =	vmul.f32 v16, v5;
	v9 =	vsub.f32 $1.000000000e+00, v21;
	v5 =	vadd.f32 $1.275000000e+02, v6  }
0x21d: {  	v8 =	vmax.f32 v8, $0.0e+00;
	v7 =	vadd.f32 $1.275000000e+02, v7;
	v4 =	vadd.f32 $1.275000000e+02, v4  }
0x21e: {  	v8 =	vmin.f32 v8, $2.550000000e+02;
	v6 =	vmul.f32 v9, v10;
	v17 =	vmax.f32 v5, $0.0e+00  }
0x21f: {  	v5 =	vmul.f32 v9, v19;
	v9 =	vmin.f32 v17, $2.550000000e+02;
	v17 =	vtrunc.f32 v8  }
0x220: {  	s14 =	simm.s32 $0x490;
	v4 =	vmax.f32 v4, $0.0e+00;
	v18 =	vtrunc.f32 v9;
	v17 =	vcvt.f32.s32 v17  }
0x221: {  	s9 =	simm.s32 $0x690;
	[tilespmem:s14+$0x0] =	vst v11;
	v11 =	vmax.f32 v7, $0.0e+00;
	v7 =	vmin.f32 v4, $2.550000000e+02;
	v18 =	vcvt.f32.s32 v18  }
0x222: {  	s16 =	simm.s32 $0x890;
	[tilespmem:s9+$0x0] =	vst v12;
	v4 =	vmin.f32 v11, $2.550000000e+02;
	v11 =	vmul.f32 v10, v21;
	vm0 =	vlt.s32 v17, $0xFE  }
0x223: {  	s19 =	simm.s32 $0xA90;
	[tilespmem:s16+$0x0] =	vst v14;
	v12 =	vtrunc.f32 v7;
	v10 =	vnsel vm0, $0xFE, v17;
	vm0 =	vlt.s32 v18, $0xFE  }
0x224: {  	s21 =	simm.s32 $0xC90;
	[tilespmem:s19+$0x0] =	vst v16;
	v22 =	vtrunc.f32 v4;
	v14 =	vcvt.f32.s32 v12;
	v12 =	vnsel vm0, $0xFE, v18  }
0x225: {  	[tilespmem:s21+$0x0] =	vst v13;
	v13 =	vadd.s32 v15, v20;
	v16 =	vcvt.s32.f32 v10;
	v17 =	vcvt.s32.f32 v12  }
0x226: {  	s22 =	simm.s32 $0x2;
	s24 =	simm.s32 $0x2D0;
	[tilespmem:s14+$0xFFFFFFF0] =	vst v13;
	v13 =	vmul.f32 v21, v19;
	v15 =	vcvt.f32.s32 v22;
	vm0 =	vlt.s32 v14, $0xFE  }
.LBB2_18:
0x227: {  	v18 =	vld [tilespmem:s24+$0x0];
	v19 =	vnsel vm0, $0xFE, v14;
	v8 =	vsub.f32 v8, v16;
	v9 =	vsub.f32 v9, v17;
	s8 =	sadd.s32 $0x20, s8;
	[tilespmem:s9+$0xFFFFFFF0] =	vst v6  }
0x228: {  	v6 =	vld [tilespmem:s8+$0x0];
	vm0 =	vlt.s32 v15, $0xFE;
	v14 =	vcvt.s32.f32 v19;
	[tilespmem:s16+$0xFFFFFFF0] =	vst v5  }
0x229: {  	v5 =	vld [tilespmem:s8+$0xFFFFFFF0];
	v15 =	vnsel vm0, $0xFE, v15;
	v16 =	vsub.f32 $1.000000000e+00, v8;
	v17 =	vsub.f32 $1.000000000e+00, v9;
	[tilespmem:s19+$0xFFFFFFF0] =	vst v11  }
0x22a: {  	v12 =	vshll.u32 v12, $0x8;
	v11 =	vld [tilespmem:s24+$0xFFFFFFF0];
	v20 =	vsub.f32 v7, v14;
	v7 =	vcvt.s32.f32 v15;
	[tilespmem:s21+$0xFFFFFFF0] =	vst v13  }
0x22b: {  	s22 =	sadd.s32 $0x2, s22;
	s14 =	sadd.s32 $0x20, s14;
	v10 =	vadd.s32 v10, v12;
	v13 =	vshll.u32 v15, $0x8;
	v12 =	vmul.f32 v17, v16  }
0x22c: {  	s9 =	sadd.s32 $0x20, s9;
	p1 =	slt.u32 s22, $0x6;
	v14 =	vmul.f32 $1.280000000e+02, v18;
	v18 =	vsub.f32 v4, v7;
	[tilespmem:s14+$0x0] =	vst v10;
	v4 =	vmul.f32 v17, v8  }
0x22d: {  	s16 =	sadd.s32 $0x20, s16;
	v10 =	vsub.f32 $1.000000000e+00, v20;
	v7 =	vmul.f32 v16, v9;
	v6 =	vmul.f32 $1.280000000e+02, v6;
	[tilespmem:s9+$0x0] =	vst v12  }
0x22e: {  	s19 =	sadd.s32 $0x20, s19;
	v5 =	vmul.f32 $1.280000000e+02, v5;
	v12 =	vsub.f32 $1.000000000e+00, v18;
	[tilespmem:s16+$0x0] =	vst v4;
	v4 =	vmul.f32 v9, v8  }
0x22f: {  	s21 =	sadd.s32 $0x20, s21;
	v9 =	vadd.f32 $1.275000000e+02, v14;
	v8 =	vmul.f32 $1.280000000e+02, v11;
	v11 =	vadd.f32 $1.275000000e+02, v6;
	[tilespmem:s19+$0x0] =	vst v7  }
0x230: {  	v7 =	vadd.f32 $1.275000000e+02, v5;
	v6 =	vmul.f32 v12, v10;
	v5 =	vmul.f32 v12, v20;
	[tilespmem:s21+$0x0] =	vst v4  }
0x231: {  	v4 =	vadd.f32 $1.275000000e+02, v8;
	v8 =	vmax.f32 v9, $0.0e+00;
	v9 =	vmax.f32 v11, $0.0e+00  }
0x232: {  	v11 =	vmax.f32 v7, $0.0e+00;
	v8 =	vmin.f32 v8, $2.550000000e+02;
	v9 =	vmin.f32 v9, $2.550000000e+02  }
0x233: {  	v4 =	vmax.f32 v4, $0.0e+00;
	v12 =	vtrunc.f32 v8;
	v14 =	vtrunc.f32 v9  }
0x234: {  	v7 =	vmin.f32 v4, $2.550000000e+02;
	v12 =	vcvt.f32.s32 v12;
	v15 =	vcvt.f32.s32 v14  }
.Ltmp8:
0x235: {  	v4 =	vmin.f32 v11, $2.550000000e+02;
	v11 =	vmul.f32 v10, v18;
	v14 =	vtrunc.f32 v7;
	(pc) =	sbr.rel @p1 .LBB2_18-.Ltmp8, $4  }
0x236: {  	v21 =	vtrunc.f32 v4;
	vm0 =	vlt.s32 v12, $0xFE;
	vm1 =	vlt.s32 v15, $0xFE  }
0x237: {  	v14 =	vcvt.f32.s32 v14;
	v10 =	vnsel vm0, $0xFE, v12;
	v12 =	vnsel vm1, $0xFE, v15  }
0x238: {  	v13 =	vadd.s32 v19, v13;
	v16 =	vcvt.s32.f32 v10;
	v17 =	vcvt.s32.f32 v12  }
0x239: {  	s24 =	sadd.s32 $0x20, s24;
	v15 =	vcvt.f32.s32 v21;
	vm0 =	vlt.s32 v14, $0xFE;
	[tilespmem:s14+$0xFFFFFFF0] =	vst v13;
	v13 =	vmul.f32 v18, v20  }
0x23a: {  	v8 =	vsub.f32 v8, v16;
	v9 =	vsub.f32 v9, v17  }
0x23b: {  	v14 =	vnsel vm0, $0xFE, v14;
	[tilespmem:s9+$0xFFFFFFF0] =	vst v6;
	v12 =	vshll.u32 v12, $0x8;
	vm15 =	vlt.s32 v15, $0xFE  }
0x23c: {  	[tilespmem:s16+$0xFFFFFFF0] =	vst v5;
	v56 =	vcvt.s32.f32 v14;
	v10 =	vadd.s32 v10, v12;
	v5 =	vnsel vm15, $0xFE, v15  }
0x23d: {  	s8 =	sadd.s32 $0x20, s14;
	v54 =	vsub.f32 $1.000000000e+00, v8;
	v55 =	vsub.f32 $1.000000000e+00, v9;
	[tilespmem:s19+$0xFFFFFFF0] =	vst v11;
	v57 =	vcvt.s32.f32 v5  }
0x23e: {  	[tilespmem:s8+$0x0] =	vst v10;
	v7 =	vsub.f32 v7, v56;
	v5 =	vshll.u32 v5, $0x8  }
0x23f: {  	[tilespmem:s21+$0xFFFFFFF0] =	vst v13;
	v58 =	vmul.f32 v55, v54;
	v5 =	vadd.s32 v14, v5;
	v4 =	vsub.f32 v4, v57  }
0x240: {  	s22 =	sadd.s32 $0x20, s9;
	v59 =	vmul.f32 v55, v8;
	[tilespmem:s8+$0xFFFFFFF0] =	vst v5  }
0x241: {  	s24 =	sadd.s32 $0x20, s16;
	v6 =	vmul.f32 v54, v9;
	v60 =	vsub.f32 $1.000000000e+00, v7;
	[tilespmem:s22+$0x0] =	vst v58;
	v61 =	vsub.f32 $1.000000000e+00, v4  }
0x242: {  	s25 =	sadd.s32 $0x20, s19;
	v8 =	vmul.f32 v9, v8;
	[tilespmem:s24+$0x0] =	vst v59  }
0x243: {  	s26 =	sadd.s32 $0x20, s21;
	[tilespmem:s25+$0x0] =	vst v6;
	v62 =	vmul.f32 v61, v60  }
0x244: {  	[tilespmem:s26+$0x0] =	vst v8;
	v63 =	vmul.f32 v61, v7  }
0x245: {  	v5 =	vmul.f32 v60, v4;
	[tilespmem:s22+$0xFFFFFFF0] =	vst v62  }
0x246: {  	v4 =	vmul.f32 v4, v7;
	[tilespmem:s24+$0xFFFFFFF0] =	vst v63  }
0x247: {  	s24 =	sshll.u32 s13, $0x5;
	[tilespmem:s25+$0xFFFFFFF0] =	vst v5  }
0x248: {  	s21 =	simm.s32 $0x480;
	s22 =	simm.s32 $0x3600;
	s8 =	sadd.s32 $0x40, s24;
	[tilespmem:s26+$0xFFFFFFF0] =	vst v4  }
0x249: {  	[tilespmem:s22], [sflag:$0x3] =	stream.indirect.gather [hbm4b:s6+s18], $0x50, s21, s18, $0xb8;
	[tilespmem:$0xF000] =	vst v63  }
0x24a: {  	s25 =	sadd.s32 s1, s8  }
0x24b: {  	[tilespmem:s15], [sflag:$0x2] =	stream.linear.gather [hbm4b:s25+s5], $0x100, $0x38;
	[tilespmem:$0xF000] =	vst v63  }
0x24c: {  	s8 =	sadd.s32 s2, s8;
	s26 =	simm.s32 $0x300  }
0x24d: {  	[tilespmem:s26], [sflag:$0x2] =	stream.linear.gather [hbm4b:s8+s5], $0x100, $0x38;
	[tilespmem:$0xF000] =	vst v63  }
.LBB2_20:
0x24e: {  	_ =	swait.ge [sflag:s0], $0x5000  }
0x24f: {  	[sflag:s0] =	ssyncset.done $0x0  }
0x250: {  	s9 =	simm.s32 @!p0 $0x6;
	[sflag:s0] =	ssyncadd.s32 $0xFFFFB000  }
0x251: {  	s8 =	sshll.u32 s11, $0x8;
	_ =	swait.ge @!p0 [sflag:s9], $0x2100  }
0x252: {  	s11 =	simm.s32 $0x0;
	s14 =	simm.s32 $0x0;
	[sflag:s9] =	ssyncset.done @!p0 $0x0  }
0x253: {  	s8 =	sand.u32 $0x300, s8;
	[sflag:s9] =	ssyncadd.s32 @!p0 $0xFFFFDF00;
	s9 =	simm.s32 $0x0  }
.LBB2_21:
0x254: {  	s16 =	smul.u32 $0x500, s14;
	_ =	sdelay $0x1  }
0x255: {  	s19 =	sadd.s32 $0x5000, s16  }
0x256: {  	v11 =	vadd.s32 s19, v0  }
0x257: {  	v9 =	vadd.s32 s19, v1  }
0x258: {  	s16 =	sshll.u32 s14, $0x4;
	v10 =	vadd.s32 s19, v2  }
0x259: {  	v4 =	vld [tilespmem:s16+$0x700];
	v8 =	vadd.s32 s19, v3  }
0x25a: {  	v5 =	vld [tilespmem:s16+$0x900]  }
0x25b: {  	v12 =	vld.idx.msk [tilespmem:v11+s20+$0x0], $0xffff  }
0x25c: {  	v13 =	vld.idx.msk [tilespmem:v9+s20+$0x0], $0xffff  }
0x25d: {  	v14 =	vld.idx.msk [tilespmem:v10+s20+$0x0], $0xffff  }
0x25e: {  	v16 =	vor.u32 $0x3, v11;
	v20 =	vor.u32 $0x3, v8;
	v22 =	vor.u32 $0x3, v10;
	v15 =	vld.idx.msk [tilespmem:v8+s20+$0x0], $0xffff  }
0x25f: {  	v6 =	vld [tilespmem:s16+$0xB00];
	v23 =	vor.u32 $0x3, v9;
	v24 =	vor.u32 $0x2, v8;
	v25 =	vor.u32 $0x2, v9  }
0x260: {  	v7 =	vld [tilespmem:s16+$0xD00];
	v26 =	vor.u32 $0x1, v9;
	v27 =	vor.u32 $0x2, v11;
	v29 =	vor.u32 $0x1, v11  }
0x261: {  	v30 =	vor.u32 $0x1, v10;
	v28 =	vor.u32 $0x2, v10;
	v17 =	vunpack.i.u.bf16.f32 v12  }
0x262: {  	v18 =	vunpack.i.u.bf16.f32 v13;
	v12 =	vunpack.i.l.bf16.f32 v12;
	v19 =	vunpack.i.u.bf16.f32 v14  }
0x263: {  	v14 =	vunpack.i.l.bf16.f32 v14;
	v21 =	vunpack.i.u.bf16.f32 v15;
	v15 =	vunpack.i.l.bf16.f32 v15  }
0x264: {  	v16 =	vld.idx.msk [tilespmem:v16+s20+$0x0], $0xffff;
	v13 =	vunpack.i.l.bf16.f32 v13;
	v12 =	vmul.f32 v12, v4;
	v14 =	vmul.f32 v14, v5  }
0x265: {  	v31 =	vor.u32 $0x1, v8;
	v20 =	vld.idx.msk [tilespmem:v20+s20+$0x0], $0xffff;
	v15 =	vmul.f32 v15, v6;
	v13 =	vmul.f32 v13, v7  }
0x266: {  	v8 =	vadd.s32 $0x4, v8;
	v10 =	vadd.s32 $0x4, v10;
	v22 =	vld.idx.msk [tilespmem:v22+s20+$0x0], $0xffff;
	v17 =	vmul.f32 v17, v4  }
0x267: {  	v19 =	vmul.f32 v19, v5;
	v12 =	vadd.f32 v14, v12;
	v13 =	vadd.f32 v13, v15  }
0x268: {  	v9 =	vadd.s32 $0x4, v9;
	v18 =	vmul.f32 v18, v7;
	v14 =	vmul.f32 v21, v6;
	v15 =	vld.idx.msk [tilespmem:v23+s20+$0x0], $0xffff  }
0x269: {  	v34 =	vunpack.i.u.bf16.f32 v16;
	v16 =	vunpack.i.l.bf16.f32 v16;
	v23 =	vadd.f32 v13, v12;
	v13 =	vld.idx.msk [tilespmem:v24+s20+$0x0], $0xffff  }
0x26a: {  	v37 =	vmul.f32 v16, v4;
	v17 =	vadd.f32 v19, v17;
	v12 =	vadd.f32 v18, v14;
	v18 =	vld.idx.msk [tilespmem:v25+s20+$0x0], $0xffff  }
0x26b: {  	v32 =	vld.idx.msk [tilespmem:v28+s20+$0x0], $0xffff;
	v24 =	vunpack.i.u.bf16.f32 v20;
	v14 =	vunpack.i.l.bf16.f32 v20;
	v20 =	vunpack.i.l.bf16.f32 v22  }
0x26c: {  	s26 =	sshll.u32 s11, $0x2;
	s21 =	sand.u32 $0x7, s9;
	v11 =	vadd.s32 $0x4, v11;
	v25 =	vld.idx.msk [tilespmem:v26+s20+$0x0], $0xffff;
	v19 =	vmul.f32 v14, v6;
	v35 =	vmul.f32 v20, v5  }
0x26d: {  	s21 =	sshll.u32 s21, $0x6;
	s19 =	sand.u32 $0xFFFFFE00, s26;
	v20 =	vld.idx.msk [tilespmem:v27+s20+$0x0], $0xffff;
	v27 =	vmul.f32 v34, v4;
	v17 =	vadd.f32 v12, v17;
	v12 =	vunpack.i.u.bf16.f32 v22  }
0x26e: {  	s19 =	sor.u32 s21, s19;
	v33 =	vunpack.i.u.bf16.f32 v15;
	v22 =	vunpack.i.l.bf16.f32 v15;
	v15 =	vmul.f32 v24, v6  }
0x26f: {  	s19 =	sshrl.u32 s19, $0x2;
	v24 =	vld.idx.msk [tilespmem:v31+s20+$0x0], $0xffff;
	v28 =	vunpack.i.u.bf16.f32 v13;
	v14 =	vunpack.i.l.bf16.f32 v13;
	v21 =	vunpack.i.u.bf16.f32 v18  }
0x270: {  	s22 =	sadd.s32 $0xD600, s19;
	v13 =	vunpack.i.l.bf16.f32 v18;
	v18 =	vmul.f32 v28, v6;
	v28 =	vmul.f32 v22, v7;
	v22 =	vld.idx.msk [tilespmem:v29+s20+$0x0], $0xffff  }
0x271: {  	v36 =	vunpack.i.u.bf16.f32 v32;
	[tilespmem:s22+$0xFFFFF900] =	vst v23;
	v12 =	vmul.f32 v12, v5;
	v23 =	vmul.f32 v33, v7  }
0x272: {  	[tilespmem:s22+$0xFFFFFA00] =	vst v17;
	v17 =	vmul.f32 v36, v5;
	v26 =	vunpack.i.u.bf16.f32 v25;
	v16 =	vunpack.i.l.bf16.f32 v25;
	v25 =	vld.idx.msk [tilespmem:v30+s20+$0x0], $0xffff  }
0x273: {  	s24 =	simm.s32 $0x0;
	s19 =	sand.u32 $0x70, s16;
	s21 =	smov.u32 s22;
	v30 =	vunpack.i.l.bf16.f32 v32;
	v13 =	vmul.f32 v13, v7;
	v29 =	vadd.f32 v35, v37  }
.LBB2_22:
0x274: {  	v31 =	vld.idx.msk [tilespmem:v11+s20+$0x0], $0xffff;
	s24 =	sadd.s32 $0x4, s24;
	v32 =	vunpack.i.u.bf16.f32 v24;
	v30 =	vmul.f32 v30, v5;
	v19 =	vadd.f32 v28, v19;
	s22 =	sadd.s32 $0x800, s22  }
0x275: {  	v33 =	vor.u32 $0x3, v11;
	v34 =	vunpack.i.l.bf16.f32 v22;
	v24 =	vunpack.i.l.bf16.f32 v24;
	v28 =	vld.idx.msk [tilespmem:v9+s20+$0x0], $0xffff;
	p0 =	slt.u32 s24, $0xC  }
0x276: {  	v35 =	vunpack.i.u.bf16.f32 v20;
	v20 =	vunpack.i.l.bf16.f32 v20;
	v19 =	vadd.f32 v19, v29  }
0x277: {  	v26 =	vmul.f32 v26, v7;
	v21 =	vmul.f32 v21, v7;
	v29 =	vunpack.i.l.bf16.f32 v25  }
0x278: {  	v22 =	vunpack.i.u.bf16.f32 v22;
	v12 =	vadd.f32 v12, v27;
	v29 =	vmul.f32 v29, v5;
	v36 =	vld.idx.msk [tilespmem:v10+s20+$0x0], $0xffff;
	[tilespmem:s21+$0xFFFFFF00] =	vst v19  }
0x279: {  	v14 =	vmul.f32 v14, v6;
	v19 =	vunpack.i.u.bf16.f32 v25;
	v25 =	vmul.f32 v35, v4  }
0x27a: {  	v15 =	vadd.f32 v23, v15;
	v27 =	vunpack.i.u.bf16.f32 v31;
	v19 =	vmul.f32 v19, v5;
	v35 =	vld.idx.msk [tilespmem:v8+s20+$0x0], $0xffff  }
0x27b: {  	v20 =	vmul.f32 v20, v4;
	v23 =	vunpack.i.u.bf16.f32 v28;
	v27 =	vmul.f32 v27, v4  }
0x27c: {  	v24 =	vmul.f32 v24, v6;
	v22 =	vmul.f32 v22, v4;
	v18 =	vadd.f32 v21, v18  }
0x27d: {  	v16 =	vmul.f32 v16, v7;
	v21 =	vmul.f32 v32, v6;
	v13 =	vadd.f32 v13, v14  }
0x27e: {  	v14 =	vunpack.i.l.bf16.f32 v31;
	v19 =	vadd.f32 v19, v22;
	v31 =	vunpack.i.u.bf16.f32 v36  }
0x27f: {  	v32 =	vmul.f32 v34, v4;
	v14 =	vmul.f32 v14, v4;
	v22 =	vunpack.i.l.bf16.f32 v36  }
0x280: {  	v17 =	vadd.f32 v17, v25;
	v22 =	vmul.f32 v22, v5;
	v34 =	vunpack.i.u.bf16.f32 v35  }
0x281: {  	v12 =	vadd.f32 v15, v12;
	v25 =	vmul.f32 v31, v5;
	v31 =	vor.u32 $0x3, v9  }
0x282: {  	v15 =	vor.u32 $0x3, v10;
	v21 =	vadd.f32 v26, v21;
	v36 =	vor.u32 $0x3, v8  }
0x283: {  	v37 =	vor.u32 $0x2, v9;
	v26 =	vor.u32 $0x2, v8;
	v29 =	vadd.f32 v29, v32;
	[tilespmem:s21+$0x0] =	vst v12  }
0x284: {  	v16 =	vadd.f32 v16, v24;
	v32 =	vor.u32 $0x2, v11;
	v12 =	vor.u32 $0x1, v9  }
0x285: {  	v38 =	vor.u32 $0x1, v11;
	v39 =	vor.u32 $0x1, v10;
	v19 =	vadd.f32 v21, v19  }
0x286: {  	v20 =	vadd.f32 v30, v20;
	v24 =	vunpack.i.l.bf16.f32 v28;
	v21 =	vunpack.i.l.bf16.f32 v35  }
0x287: {  	v24 =	vmul.f32 v24, v7;
	v17 =	vadd.f32 v18, v17;
	v21 =	vmul.f32 v21, v6;
	v28 =	vld.idx.msk [tilespmem:v36+s20+$0x0], $0xffff  }
0x288: {  	v30 =	vor.u32 $0x2, v10;
	v13 =	vadd.f32 v13, v20;
	v18 =	vmul.f32 v34, v6;
	v15 =	vld.idx.msk [tilespmem:v15+s20+$0x0], $0xffff;
	[tilespmem:s21+$0xFFFFFC00] =	vst v19  }
0x289: {  	v14 =	vadd.f32 v22, v14;
	v19 =	vadd.f32 v24, v21;
	v21 =	vld.idx.msk [tilespmem:v31+s20+$0x0], $0xffff;
	[tilespmem:s21+$0xFFFFFE00] =	vst v17  }
0x28a: {  	v20 =	vmul.f32 v23, v7;
	v16 =	vadd.f32 v16, v29;
	v17 =	vadd.f32 v25, v27;
	v23 =	vld.idx.msk [tilespmem:v33+s20+$0x0], $0xffff  }
0x28b: {  	v22 =	vor.u32 $0x1, v8;
	v8 =	vadd.s32 $0x4, v8;
	v14 =	vadd.f32 v19, v14;
	v25 =	vld.idx.msk [tilespmem:v26+s20+$0x0], $0xffff;
	[tilespmem:s21+$0xFFFFFD00] =	vst v13  }
0x28c: {  	v10 =	vadd.s32 $0x4, v10;
	v9 =	vadd.s32 $0x4, v9;
	v13 =	vadd.f32 v20, v18;
	v18 =	vld.idx.msk [tilespmem:v37+s20+$0x0], $0xffff;
	[tilespmem:s21+$0xFFFFFB00] =	vst v16;
	s21 =	smov.u32 s22  }
0x28d: {  	v11 =	vadd.s32 $0x4, v11;
	v16 =	vunpack.i.u.bf16.f32 v28;
	[tilespmem:s22+$0xFFFFF900] =	vst v14;
	v29 =	vld.idx.msk [tilespmem:v30+s20+$0x0], $0xffff;
	v14 =	vunpack.i.l.bf16.f32 v28  }
0x28e: {  	v13 =	vadd.f32 v13, v17;
	v17 =	vld.idx.msk [tilespmem:v12+s20+$0x0], $0xffff;
	v12 =	vunpack.i.u.bf16.f32 v15;
	v15 =	vunpack.i.l.bf16.f32 v15  }
0x28f: {  	v30 =	vunpack.i.u.bf16.f32 v21;
	v19 =	vmul.f32 v14, v6;
	v20 =	vld.idx.msk [tilespmem:v32+s20+$0x0], $0xffff;
	v12 =	vmul.f32 v12, v5  }
0x290: {  	v28 =	vunpack.i.l.bf16.f32 v21;
	v27 =	vunpack.i.u.bf16.f32 v23;
	v31 =	vmul.f32 v15, v5;
	[tilespmem:s22+$0xFFFFFA00] =	vst v13;
	v24 =	vld.idx.msk [tilespmem:v22+s20+$0x0], $0xffff  }
0x291: {  	v23 =	vunpack.i.l.bf16.f32 v23;
	v32 =	vunpack.i.u.bf16.f32 v25;
	v14 =	vunpack.i.l.bf16.f32 v25;
	v22 =	vld.idx.msk [tilespmem:v38+s20+$0x0], $0xffff  }
.Ltmp9:
0x292: {  	v15 =	vmul.f32 v16, v6;
	v21 =	vunpack.i.u.bf16.f32 v18;
	v13 =	vunpack.i.l.bf16.f32 v18;
	(pc) =	sbr.rel @p0 .LBB2_22-.Ltmp9, $4  }
0x293: {  	v34 =	vmul.f32 v23, v4;
	v33 =	vunpack.i.u.bf16.f32 v29;
	v13 =	vmul.f32 v13, v7  }
0x294: {  	v28 =	vmul.f32 v28, v7;
	v18 =	vmul.f32 v32, v6;
	v26 =	vunpack.i.u.bf16.f32 v17;
	v25 =	vld.idx.msk [tilespmem:v39+s20+$0x0], $0xffff  }
0x295: {  	v27 =	vmul.f32 v27, v4;
	v23 =	vmul.f32 v30, v7;
	v16 =	vunpack.i.l.bf16.f32 v17  }
0x296: {  	v30 =	vunpack.i.l.bf16.f32 v29;
	v29 =	vadd.f32 v31, v34;
	v17 =	vmul.f32 v33, v5  }
0x297: {  	v31 =	vunpack.i.u.bf16.f32 v24;
	v19 =	vadd.f32 v28, v19  }
0x298: {  	v46 =	vmul.f32 v30, v5;
	v47 =	vunpack.i.l.bf16.f32 v22;
	v48 =	vunpack.i.l.bf16.f32 v24  }
0x299: {  	v32 =	vunpack.i.u.bf16.f32 v20;
	v26 =	vmul.f32 v26, v7;
	v21 =	vmul.f32 v21, v7  }
0x29a: {  	v51 =	vunpack.i.u.bf16.f32 v22;
	v14 =	vmul.f32 v14, v6;
	v16 =	vmul.f32 v16, v7  }
0x29b: {  	v49 =	vunpack.i.l.bf16.f32 v20;
	v53 =	vmul.f32 v32, v4;
	v22 =	vmul.f32 v51, v4  }
0x29c: {  	v12 =	vadd.f32 v12, v27;
	v20 =	vmul.f32 v49, v4;
	v54 =	vmul.f32 v31, v6  }
0x29d: {  	v15 =	vadd.f32 v23, v15;
	v56 =	vmul.f32 v47, v4;
	v57 =	vmul.f32 v48, v6  }
0x29e: {  	v19 =	vadd.f32 v19, v29;
	v50 =	vunpack.i.l.bf16.f32 v25;
	v18 =	vadd.f32 v21, v18  }
0x29f: {  	v52 =	vunpack.i.u.bf16.f32 v25;
	v13 =	vadd.f32 v13, v14;
	v12 =	vadd.f32 v15, v12  }
0x2a0: {  	v25 =	vmul.f32 v52, v5;
	v17 =	vadd.f32 v17, v53;
	v21 =	vadd.f32 v26, v54  }
0x2a1: {  	v29 =	vmul.f32 v50, v5;
	v59 =	vadd.f32 v46, v20;
	v60 =	vadd.f32 v16, v57  }
0x2a2: {  	[tilespmem:s21+$0xFFFFFF00] =	vst v19;
	v55 =	vadd.f32 v25, v22;
	v61 =	vadd.f32 v18, v17  }
0x2a3: {  	[tilespmem:s21+$0x0] =	vst v12;
	v58 =	vadd.f32 v29, v56;
	v13 =	vadd.f32 v13, v59  }
0x2a4: {  	v14 =	vadd.f32 v21, v55;
	[tilespmem:s21+$0xFFFFFE00] =	vst v61  }
0x2a5: {  	v12 =	vadd.f32 v60, v58;
	[tilespmem:s21+$0xFFFFFD00] =	vst v13  }
0x2a6: {  	[tilespmem:s21+$0xFFFFFC00] =	vst v14  }
0x2a7: {  	[tilespmem:s21+$0xFFFFFB00] =	vst v12  }
0x2a8: {  	v11 =	vld.idx.msk [tilespmem:v11+s20+$0x0], $0xffff  }
0x2a9: {  	v10 =	vld.idx.msk [tilespmem:v10+s20+$0x0], $0xffff  }
0x2aa: {  	v8 =	vld.idx.msk [tilespmem:v8+s20+$0x0], $0xffff  }
0x2ab: {  	v9 =	vld.idx.msk [tilespmem:v9+s20+$0x0], $0xffff;
	_ =	sdelay $0x3  }
0x2ac: {  	v11 =	vunpack.i.l.bf16.f32 v11;
	v10 =	vunpack.i.l.bf16.f32 v10;
	v8 =	vunpack.i.l.bf16.f32 v8  }
0x2ad: {  	v9 =	vunpack.i.l.bf16.f32 v9;
	v4 =	vmul.f32 v11, v4;
	v5 =	vmul.f32 v10, v5  }
0x2ae: {  	s14 =	sadd.s32 $0x1, s14;
	v62 =	vmul.f32 v8, v6;
	v63 =	vmul.f32 v9, v7  }
0x2af: {  	p0 =	sne.s32 s14, $0x10  }
.Ltmp10:
0x2b0: {  	v4 =	vadd.f32 v5, v4;
	v5 =	vadd.f32 v63, v62;
	(pc) =	sbr.rel @p0 .LBB2_21-.Ltmp10, $4  }
0x2b1: {  	_ = 	snop  }
0x2b2: {  	s16 =	sand.u32 $0x80, s16;
	v4 =	vadd.f32 v5, v4  }
0x2b3: {  	s16 =	sor.u32 s19, s16  }
0x2b4: {  	s11 =	sadd.s32 $0x10, s11;
	s9 =	sadd.s32 $0x1, s9;
	[tilespmem:s16+$0xEF00] =	vst v4  }
0x2b5: {  	s9 =	sshll.u32 s13, $0x8;
	s10 =	sadd.s32 $0x1, s10  }
0x2b6: {  	s9 =	sand.u32 $0x3FC00, s9;
	p0 =	sne.s32 s10, $0x40  }
.Ltmp11:
0x2b7: {  	s8 =	sor.u32 s9, s8;
	(pc) =	sbr.rel @p0 .LBB2_6-.Ltmp11, $4  }
0x2b8: {  	s8 =	sor.u32 s12, s8  }
0x2b9: {  	s8 =	sshrl.u32 s8, $0x3  }
0x2ba: {  	s8 =	sadd.s32 s3, s8  }
0x2bb: {  	[hbm4b:s8+s15] =	stream.strided.scatter [tilespmem:s4], [sflag:$0x6], $0x2100, s30, s15, $0x38;
	[tilespmem:$0xF000] =	vst v63  }
0x2bc: {  	s8 =	simm.s32 $0x5  }
0x2bd: {  	_ =	swait.ge [sflag:s8], $0x2100  }
0x2be: {  	[sflag:s8] =	ssyncset.done $0x0  }
0x2bf: {  	s9 =	simm.s32 $0x6;
	[sflag:s8] =	ssyncadd.s32 $0xFFFFDF00  }
0x2c0: {  	_ =	swait.ge [sflag:s9], $0x2100  }
0x2c1: {  	s10 =	rddreg [dreg:$0xa]  }
0x2c2: {  	s26 =	rddreg [dreg:$0x9];
	s10 =	sadd.s32 $0x1, s10  }
0x2c3: {  	p0 =	sne.s32 s10, s26  }
.Ltmp12:
0x2c4: {  	_ = 	snop;
	(pc) =	sbr.rel @p0 .LBB2_1-.Ltmp12, $3  }
0x2c5: {  	_ =	sdelay $0x1  }
0x2c6: {  	[sflag:s9] =	ssyncset.done $0x0  }
0x2c7: {  	[sflag:s9] =	ssyncadd.s32 $0xFFFFDF00  }
0x2c8: {  	_ =	sfence.sel $0x180000  }
0x2c9: {  	[bflag:$0x0] =	sbarrier.arrive $0xFFFF  }
0x2ca: {  	_ =	strace $0x90000047  }
0x2cb: {  	s0 =	stileid.u32;
	[bflag:$0x2] =	sbarrier.arrive $0xFFFF  }
0x2cc: {  	p0 =	sne.s32 s0, $0x0;
	s0 =	rddreg [dreg:$0x4]  }
0x2cd: {  	s0 =	sadd.s32 @!p0 $0x100000, s0  }
0x2ce: {  	[sflag:s0] =	ssyncadd.tile.s32 @!p0 $0x1;
	_ =	shalt  }
.Lfunc_end2:
_tile_overlayer_lowered:
.L_overlay_start_2:
0x2cf: {  	(tag) =	ssettag $0x2  }
0x2d0: {  	s0 =	rddreg [dreg:$0x0];
	s2 =	stileid.u32  }
0x2d1: {  	s1 =	rddreg [dreg:$0x1];
	p0 =	sne.s32 s2, $0x0  }
0x2d2: {  	s3 =	rddreg [dreg:$0x2];
	[bflag:$0x3] =	sbarrier.arrive $0xFFFF;
	s2 =	simm.s32 @!p0 $0x1C07  }
0x2d3: {  	[timem:s3], [sflag:s2] =	dma.local @!p0 [hbm:s0], s1  }
0x2d4: {  	s0 =	simm.s32 @!p0 $0x7  }
0x2d5: {  	_ =	swait.ge @!p0 [sflag:s0], s1  }
0x2d6: {  	s1 =	ssub.s32 @!p0 $0x0, s1;
	[sflag:s0] =	ssyncset.done @!p0 $0x0  }
0x2d7: {  	[sflag:s0] =	ssyncadd.s32 @!p0 s1  }
0x2d8: {  	[bflag:$0x3] =	sbarrier.arrive $0xFFFF  }
0x2d9: {  	_ =	shalt  }

</sc_bundles>
